<compile_context>
chip_gen: v7x
topology: tpu7x:2x2x1
jax: 0.10.2.dev20260603
libtpu: 0.0.44.dev20260713+nightly
codegen_flags: <defaults>
</compile_context>

<pallas_src>
import jax
import jax.numpy as jnp
from jax import lax
from jax.experimental import pallas as pl
from jax.experimental.pallas import tpu as pltpu
from jax.experimental.pallas import tpu_sc as plsc

B = 128
T = 2048
V = 29
NUM_CORES = 2
NUM_SUBCORES = 16
NW = NUM_CORES * NUM_SUBCORES
NBT = B // 8
NTT = T // 128
NBT_SC = NW // 8
B_SC = 8 * NBT_SC

_mesh = plsc.VectorSubcoreMesh(
    core_axis_name="c", subcore_axis_name="s",
    num_cores=NUM_CORES, num_subcores=NUM_SUBCORES,
)


def _argmax_tree(xs):
    level = []
    for i in range(V // 2):
        a, b = xs[2 * i], xs[2 * i + 1]
        gt = b > a
        level.append((jnp.where(gt, b, a),
                      jnp.where(gt, jnp.int32(2 * i + 1), jnp.int32(2 * i))))
    level.append((xs[V - 1], jnp.full(xs[0].shape, V - 1, jnp.int32)))
    while len(level) > 1:
        nxt = []
        for i in range(len(level) // 2):
            va, ia = level[2 * i]
            vb, ib = level[2 * i + 1]
            gt = vb > va
            nxt.append((jnp.where(gt, vb, va), jnp.where(gt, ib, ia)))
        if len(level) % 2:
            nxt.append(level[-1])
        level = nxt
    return level[0]


@jax.jit
def _ctc_sc(lp5):
    @pl.kernel(
        out_type=[
            jax.ShapeDtypeStruct((NBT_SC, NTT, 8, 128), jnp.int32),
            jax.ShapeDtypeStruct((NBT_SC, NTT, 8, 128), jnp.int32),
            jax.ShapeDtypeStruct((NBT_SC, NTT, 8, 128), jnp.float32),
        ],
        mesh=_mesh,
        compiler_params=pltpu.CompilerParams(needs_layout_passes=False),
        scratch_types=[
            pltpu.VMEM((V, NTT // 2, 128), jnp.float32),
            pltpu.VMEM((V, NTT // 2, 128), jnp.float32),
            pltpu.VMEM((NTT, 128), jnp.int32),
            pltpu.VMEM((NTT, 128), jnp.int32),
            pltpu.VMEM((NTT, 128), jnp.float32),
            pltpu.SemaphoreType.DMA,
            pltpu.SemaphoreType.DMA,
        ],
    )
    def k(lp_hbm, idx_hbm, val_hbm, mp_hbm,
          buf0, buf1, idxrow, valrow, mprow, sem0, sem1):
        wid = lax.axis_index("s") * NUM_CORES + lax.axis_index("c")
        iota16 = lax.iota(jnp.int32, 16)
        bufs = (buf0, buf1)
        sems = (sem0, sem1)
        bt, bs = wid // 8, wid % 8
        half_tt = NTT // 2

        def start(half):
            return pltpu.async_copy(
                lp_hbm.at[:, bt, pl.ds(half * half_tt, half_tt), bs, :],
                bufs[half], sems[half])

        handles = {0: start(0)}
        for half in range(2):
            buf = bufs[half]
            handles.pop(half).wait()
            if half == 0:
                handles[1] = start(1)

            @plsc.parallel_loop(0, half_tt * 8)
            def _pass1(g):
                tt_l = half * half_tt + g // 8
                l0 = (g % 8) * 16
                xs = [buf[v, g // 8, pl.ds(l0, 16)] for v in range(V)]
                cmax, cidx = _argmax_tree(xs)
                idxrow[tt_l, pl.ds(l0, 16)] = cidx
                mprow[tt_l, pl.ds(l0, 16)] = jnp.exp(cmax)

            @plsc.parallel_loop(0, half_tt * 8)
            def _pass2(g):
                tt_l = half * half_tt + g // 8
                l0 = (g % 8) * 16
                cur = idxrow[tt_l, pl.ds(l0, 16)]
                t = tt_l * 128 + l0 + iota16
                pt = jnp.maximum(t - 1, 0)
                prev = plsc.load_gather(
                    idxrow, [lax.shift_right_logical(pt, 7), pt & 127])
                valid = (cur != 0) & ((cur != prev) | (t == 0))
                valrow[tt_l, pl.ds(l0, 16)] = valid.astype(jnp.int32)

        pltpu.sync_copy(idxrow, idx_hbm.at[bt, :, bs, :])
        pltpu.sync_copy(valrow, val_hbm.at[bt, :, bs, :])
        pltpu.sync_copy(mprow, mp_hbm.at[bt, :, bs, :])

    return k(lp5)


def _tc_body(x_ref, idx_ref, val_ref, mp_ref):
    cmax, cidx = _argmax_tree([x_ref[v] for v in range(V)])
    idx_ref[...] = cidx
    mp_ref[...] = jnp.exp(cmax)
    neg1 = jnp.full((8, 1), -1, jnp.int32)
    prev = jnp.concatenate([neg1, cidx[:, :-1]], axis=1)
    val_ref[...] = ((cidx != 0) & (cidx != prev)).astype(jnp.int32)


@jax.jit
def _ctc_tc(lp3):
    return pl.pallas_call(
        _tc_body,
        grid=(NBT - NBT_SC,),
        in_specs=[pl.BlockSpec((V, 8, T), lambda i: (0, i + NBT_SC, 0))],
        out_specs=[
            pl.BlockSpec((8, T), lambda i: (i + NBT_SC, 0)),
            pl.BlockSpec((8, T), lambda i: (i + NBT_SC, 0)),
            pl.BlockSpec((8, T), lambda i: (i + NBT_SC, 0)),
        ],
        out_shape=[
            jax.ShapeDtypeStruct((B, T), jnp.int32),
            jax.ShapeDtypeStruct((B, T), jnp.int32),
            jax.ShapeDtypeStruct((B, T), jnp.float32),
        ],
        compiler_params=pltpu.CompilerParams(
            dimension_semantics=("arbitrary",)),
    )(lp3)


def kernel(log_probs):
    lp5 = log_probs.reshape(NBT, 8, NTT, 128, V).transpose(4, 0, 2, 1, 3)
    lp3 = log_probs.transpose(2, 0, 1)

    sc_idx4, sc_val4, sc_mp4 = _ctc_sc(lp5)
    tc_idx, tc_val, tc_mp = _ctc_tc(lp3)

    def unview(x4):
        return x4.transpose(0, 2, 1, 3).reshape(B_SC, T)

    idx = lax.dynamic_update_slice(tc_idx, unview(sc_idx4), (0, 0))
    val = lax.dynamic_update_slice(tc_val, unview(sc_val4), (0, 0))
    mp = lax.dynamic_update_slice(tc_mp, unview(sc_mp4), (0, 0))
    return idx, val.astype(bool), mp

# --- scband reference (transcript-rebuilt; emitter-appended) ---
"""Pipeline reference for scband-ctcdecoder-5970004542141 (READ-ONLY COPY).

The authoritative reference and input builder live on the scoring server;
editing this copy changes nothing except your own understanding.
"""

import jax, jax.numpy as jnp
import numpy as np

BLANK_ID = 0
NUM_LABELS = 29

def setup_inputs(seed: int = 0) -> dict:
    key = jax.random.key(seed)
    # log-probabilities over the CTC label vocabulary (normalized, as a real acoustic model would emit)
    logits = jax.random.normal(key, (128, 2048, NUM_LABELS), dtype=jnp.float32)
    log_probs = jax.nn.log_softmax(logits, axis=-1)
    return {"log_probs": log_probs}

def reference(log_probs):
    # Faithful jax translation of CTCDecoder.decode falling back to greedy CTC decode
    # (HAS_CTCDECODE is unavailable, so PyCTCBeamDecoder._greedy_decode path is taken).
    # 1) probs = exp(log_probs)
    probs = jnp.exp(log_probs)
    # 2) per-timestep argmax over vocab (seq_lens are full length, so no truncation)
    indices = jnp.argmax(probs, axis=-1)  # [B, T] int
    # 3) CTC collapse rule: keep token iff it is not blank AND differs from previous timestep's argmax
    prev = jnp.concatenate(
        [jnp.full((indices.shape[0], 1), -1, dtype=indices.dtype), indices[:, :-1]],
        axis=1,
    )
    valid_mask = (indices != BLANK_ID) & (indices != prev)  # [B, T] bool; True marks emitted labels
    # also expose the max probability at each timestep (the confidence of the greedy pick)
    max_probs = jnp.max(probs, axis=-1)  # [B, T] float
    return indices, valid_mask, max_probs

if __name__ == "__main__":
    import jax
    _d = setup_inputs()
    print(jax.jit(kernel)(*tuple(_d.values())))

</pallas_src>

<mosaic_0001>
#map = affine_map<(d0, d1) -> (0, 0, 0, 0, 0)>
#map1 = affine_map<(d0, d1) -> (0, 0, 0, 0)>
module attributes {stable_mosaic.version = 14 : i64} {
  func.func @k(%arg0: i32, %arg1: i32, %arg2: memref<29x16x16x8x128xf32, #tpu.memory_space<hbm>>, %arg3: memref<4x16x8x128xi32, #tpu.memory_space<hbm>>, %arg4: memref<4x16x8x128xi32, #tpu.memory_space<hbm>>, %arg5: memref<4x16x8x128xf32, #tpu.memory_space<hbm>>, %arg6: memref<29x8x128xf32, #tpu.memory_space<vmem>>, %arg7: memref<29x8x128xf32, #tpu.memory_space<vmem>>, %arg8: memref<16x128xi32, #tpu.memory_space<vmem>>, %arg9: memref<16x128xi32, #tpu.memory_space<vmem>>, %arg10: memref<16x128xf32, #tpu.memory_space<vmem>>, %arg11: memref<!tpu.dma_semaphore, #tpu.memory_space<semaphore_mem>>, %arg12: memref<!tpu.dma_semaphore, #tpu.memory_space<semaphore_mem>>) attributes {dimension_semantics = [#tpu.dimension_semantics<core_parallel>, #tpu.dimension_semantics<subcore_parallel>], iteration_bounds = array<i64: 2, 16>, scalar_prefetch = 0 : i64, scratch_operands = 7 : i64, tpu.core_type = #tpu.core_type<sc_vector_subcore>, window_params = [{transform_indices = #map}, {transform_indices = #map1}, {transform_indices = #map1}, {transform_indices = #map1}]} {
    %mul3A = arith.constant 2 : i32
    %mul3A_0 = arith.muli %arg1, %mul3A : i32
    %add3A = arith.addi %mul3A_0, %arg0 : i32
    %iota3A = tpu.iota {dimensions = array<i32: 0>} : vector<16xi32>
    %jit3A = arith.constant 8 : i32
    %div3A = arith.divsi %add3A, %jit3A : i32
    %sign3A = arith.constant 0 : i32
    %sign3A_1 = arith.cmpi sgt, %add3A, %sign3A : i32
    %sign3A_2 = arith.extui %sign3A_1 : i1 to i32
    %sign3A_3 = arith.constant 0 : i32
    %sign3A_4 = arith.cmpi slt, %add3A, %sign3A_3 : i32
    %sign3A_5 = arith.extui %sign3A_4 : i1 to i32
    %sign3A_6 = arith.subi %sign3A_2, %sign3A_5 : i32
    %sign3A_7 = arith.constant 0 : i32
    %sign3A_8 = arith.cmpi sgt, %jit3A, %sign3A_7 : i32
    %sign3A_9 = arith.extui %sign3A_8 : i1 to i32
    %sign3A_10 = arith.constant 0 : i32
    %sign3A_11 = arith.cmpi slt, %jit3A, %sign3A_10 : i32
    %sign3A_12 = arith.extui %sign3A_11 : i1 to i32
    %sign3A_13 = arith.subi %sign3A_9, %sign3A_12 : i32
    %ne3A = arith.cmpi ne, %sign3A_6, %sign3A_13 : i32
    %rem3A = arith.remsi %add3A, %jit3A : i32
    %ne3A_14 = arith.constant 0 : i32
    %ne3A_15 = arith.cmpi ne, %rem3A, %ne3A_14 : i32
    %and3A = arith.andi %ne3A, %ne3A_15 : i1
    %sub3A = arith.constant 1 : i32
    %sub3A_16 = arith.subi %div3A, %sub3A : i32
    %select_n3A = arith.select %and3A, %sub3A_16, %div3A : i32
    %jit3A_17 = arith.constant 8 : i32
    %eq3A = arith.constant 0 : i32
    %eq3A_18 = arith.cmpi eq, %jit3A_17, %eq3A : i32
    %jit3A_19 = arith.constant 1 : i32
    %select_n3A_20 = arith.select %eq3A_18, %jit3A_19, %jit3A_17 : i32
    %rem3A_21 = arith.remsi %add3A, %select_n3A_20 : i32
    %ne3A_22 = arith.constant 0 : i32
    %ne3A_23 = arith.cmpi ne, %rem3A_21, %ne3A_22 : i32
    %lt3A = arith.constant 0 : i32
    %lt3A_24 = arith.cmpi slt, %rem3A_21, %lt3A : i32
    %lt3A_25 = arith.constant 0 : i32
    %lt3A_26 = arith.cmpi slt, %select_n3A_20, %lt3A_25 : i32
    %ne3A_27 = arith.xori %lt3A_24, %lt3A_26 : i1
    %and3A_28 = arith.andi %ne3A_27, %ne3A_23 : i1
    %add3A_29 = arith.addi %rem3A_21, %select_n3A_20 : i32
    %select_n3A_30 = arith.select %and3A_28, %add3A_29, %rem3A_21 : i32
    %dma_start3A = arith.constant 0 : i32
    %dma_start3A_31 = arith.constant 0 : i32
    %dma_start3A_32 = arith.constant 0 : i32
    %dma_start3A_33 = tpu.memref_slice %arg2[%dma_start3A, %select_n3A, %dma_start3A_31, %select_n3A_30, %dma_start3A_32] : memref<29x16x16x8x128xf32, #tpu.memory_space<hbm>> -> memref<29x1x8x1x128xf32, #tpu.memory_space<hbm>>
    %dma_start3A_34 = tpu.memref_squeeze %dma_start3A_33 : memref<29x1x8x1x128xf32, #tpu.memory_space<hbm>> -> memref<29x8x128xf32, #tpu.memory_space<hbm>>
    %dma_start3A_35 = arith.constant 0 : i32
    %dma_start3A_36 = arith.constant 0 : i32
    %dma_start3A_37 = arith.constant 0 : i32
    %dma_start3A_38 = tpu.memref_slice %arg2[%dma_start3A_35, %select_n3A, %dma_start3A_36, %select_n3A_30, %dma_start3A_37] : memref<29x16x16x8x128xf32, #tpu.memory_space<hbm>> -> memref<29x1x8x1x128xf32, #tpu.memory_space<hbm>>
    %dma_start3A_39 = tpu.memref_squeeze %dma_start3A_38 : memref<29x1x8x1x128xf32, #tpu.memory_space<hbm>> -> memref<29x8x128xf32, #tpu.memory_space<hbm>>
    tpu.enqueue_dma source(%dma_start3A_39 : memref<29x8x128xf32, #tpu.memory_space<hbm>>) target(%arg6 : memref<29x8x128xf32, #tpu.memory_space<vmem>>) target_semaphore(%arg11 : memref<!tpu.dma_semaphore, #tpu.memory_space<semaphore_mem>>)
    %dma_wait3A = arith.constant 0 : i32
    %dma_wait3A_40 = arith.constant 0 : i32
    %dma_wait3A_41 = arith.constant 0 : i32
    %dma_wait3A_42 = tpu.memref_slice %arg2[%dma_wait3A, %select_n3A, %dma_wait3A_40, %select_n3A_30, %dma_wait3A_41] : memref<29x16x16x8x128xf32, #tpu.memory_space<hbm>> -> memref<29x1x8x1x128xf32, #tpu.memory_space<hbm>>
    %dma_wait3A_43 = tpu.memref_squeeze %dma_wait3A_42 : memref<29x1x8x1x128xf32, #tpu.memory_space<hbm>> -> memref<29x8x128xf32, #tpu.memory_space<hbm>>
    %dma_wait3A_44 = arith.constant 0 : i32
    %dma_wait3A_45 = arith.constant 0 : i32
    %dma_wait3A_46 = arith.constant 0 : i32
    %dma_wait3A_47 = tpu.memref_slice %arg2[%dma_wait3A_44, %select_n3A, %dma_wait3A_45, %select_n3A_30, %dma_wait3A_46] : memref<29x16x16x8x128xf32, #tpu.memory_space<hbm>> -> memref<29x1x8x1x128xf32, #tpu.memory_space<hbm>>
    %dma_wait3A_48 = tpu.memref_squeeze %dma_wait3A_47 : memref<29x1x8x1x128xf32, #tpu.memory_space<hbm>> -> memref<29x8x128xf32, #tpu.memory_space<hbm>>
    tpu.wait_dma2 semaphore(%arg11 : memref<!tpu.dma_semaphore, #tpu.memory_space<semaphore_mem>>) src(%dma_wait3A_48 : memref<29x8x128xf32, #tpu.memory_space<hbm>>) dst(%arg6 : memref<29x8x128xf32, #tpu.memory_space<vmem>>)
    %dma_start3A_49 = arith.constant 0 : i32
    %dma_start3A_50 = arith.constant 8 : i32
    %dma_start3A_51 = arith.constant 0 : i32
    %dma_start3A_52 = tpu.memref_slice %arg2[%dma_start3A_49, %select_n3A, %dma_start3A_50, %select_n3A_30, %dma_start3A_51] : memref<29x16x16x8x128xf32, #tpu.memory_space<hbm>> -> memref<29x1x8x1x128xf32, #tpu.memory_space<hbm>>
    %dma_start3A_53 = tpu.memref_squeeze %dma_start3A_52 : memref<29x1x8x1x128xf32, #tpu.memory_space<hbm>> -> memref<29x8x128xf32, #tpu.memory_space<hbm>>
    %dma_start3A_54 = arith.constant 0 : i32
    %dma_start3A_55 = arith.constant 8 : i32
    %dma_start3A_56 = arith.constant 0 : i32
    %dma_start3A_57 = tpu.memref_slice %arg2[%dma_start3A_54, %select_n3A, %dma_start3A_55, %select_n3A_30, %dma_start3A_56] : memref<29x16x16x8x128xf32, #tpu.memory_space<hbm>> -> memref<29x1x8x1x128xf32, #tpu.memory_space<hbm>>
    %dma_start3A_58 = tpu.memref_squeeze %dma_start3A_57 : memref<29x1x8x1x128xf32, #tpu.memory_space<hbm>> -> memref<29x8x128xf32, #tpu.memory_space<hbm>>
    tpu.enqueue_dma source(%dma_start3A_58 : memref<29x8x128xf32, #tpu.memory_space<hbm>>) target(%arg7 : memref<29x8x128xf32, #tpu.memory_space<vmem>>) target_semaphore(%arg12 : memref<!tpu.dma_semaphore, #tpu.memory_space<semaphore_mem>>)
    %parallel_loop3A = arith.constant 0 : i32
    %parallel_loop3A_59 = arith.constant 64 : i32
    %parallel_loop3A_60 = arith.constant 1 : i32
    scf.for %parallel_loop3A_80 = %parallel_loop3A to %parallel_loop3A_59 step %parallel_loop3A_60  : i32 {
      %parallel_loop3A_81 = arith.constant 8 : i32
      %parallel_loop3A_82 = arith.divsi %parallel_loop3A_80, %parallel_loop3A_81 : i32
      %parallel_loop3A_83 = arith.constant 0 : i32
      %parallel_loop3A_84 = arith.cmpi sgt, %parallel_loop3A_80, %parallel_loop3A_83 : i32
      %parallel_loop3A_85 = arith.extui %parallel_loop3A_84 : i1 to i32
      %parallel_loop3A_86 = arith.constant 0 : i32
      %parallel_loop3A_87 = arith.cmpi slt, %parallel_loop3A_80, %parallel_loop3A_86 : i32
      %parallel_loop3A_88 = arith.extui %parallel_loop3A_87 : i1 to i32
      %parallel_loop3A_89 = arith.subi %parallel_loop3A_85, %parallel_loop3A_88 : i32
      %parallel_loop3A_90 = arith.constant 0 : i32
      %parallel_loop3A_91 = arith.cmpi sgt, %parallel_loop3A_81, %parallel_loop3A_90 : i32
      %parallel_loop3A_92 = arith.extui %parallel_loop3A_91 : i1 to i32
      %parallel_loop3A_93 = arith.constant 0 : i32
      %parallel_loop3A_94 = arith.cmpi slt, %parallel_loop3A_81, %parallel_loop3A_93 : i32
      %parallel_loop3A_95 = arith.extui %parallel_loop3A_94 : i1 to i32
      %parallel_loop3A_96 = arith.subi %parallel_loop3A_92, %parallel_loop3A_95 : i32
      %parallel_loop3A_97 = arith.cmpi ne, %parallel_loop3A_89, %parallel_loop3A_96 : i32
      %parallel_loop3A_98 = arith.remsi %parallel_loop3A_80, %parallel_loop3A_81 : i32
      %parallel_loop3A_99 = arith.constant 0 : i32
      %parallel_loop3A_100 = arith.cmpi ne, %parallel_loop3A_98, %parallel_loop3A_99 : i32
      %parallel_loop3A_101 = arith.andi %parallel_loop3A_97, %parallel_loop3A_100 : i1
      %parallel_loop3A_102 = arith.constant 1 : i32
      %parallel_loop3A_103 = arith.subi %parallel_loop3A_82, %parallel_loop3A_102 : i32
      %parallel_loop3A_104 = arith.select %parallel_loop3A_101, %parallel_loop3A_103, %parallel_loop3A_82 : i32
      %parallel_loop3A_105 = arith.constant 0 : i32
      %parallel_loop3A_106 = arith.addi %parallel_loop3A_105, %parallel_loop3A_104 : i32
      %parallel_loop3A_107 = arith.constant 8 : i32
      %parallel_loop3A_108 = arith.constant 0 : i32
      %parallel_loop3A_109 = arith.cmpi eq, %parallel_loop3A_107, %parallel_loop3A_108 : i32
      %parallel_loop3A_110 = arith.constant 1 : i32
      %parallel_loop3A_111 = arith.select %parallel_loop3A_109, %parallel_loop3A_110, %parallel_loop3A_107 : i32
      %parallel_loop3A_112 = arith.remsi %parallel_loop3A_80, %parallel_loop3A_111 : i32
      %parallel_loop3A_113 = arith.constant 0 : i32
      %parallel_loop3A_114 = arith.cmpi ne, %parallel_loop3A_112, %parallel_loop3A_113 : i32
      %parallel_loop3A_115 = arith.constant 0 : i32
      %parallel_loop3A_116 = arith.cmpi slt, %parallel_loop3A_112, %parallel_loop3A_115 : i32
      %parallel_loop3A_117 = arith.constant 0 : i32
      %parallel_loop3A_118 = arith.cmpi slt, %parallel_loop3A_111, %parallel_loop3A_117 : i32
      %parallel_loop3A_119 = arith.xori %parallel_loop3A_116, %parallel_loop3A_118 : i1
      %parallel_loop3A_120 = arith.andi %parallel_loop3A_119, %parallel_loop3A_114 : i1
      %parallel_loop3A_121 = arith.addi %parallel_loop3A_112, %parallel_loop3A_111 : i32
      %parallel_loop3A_122 = arith.select %parallel_loop3A_120, %parallel_loop3A_121, %parallel_loop3A_112 : i32
      %parallel_loop3A_123 = arith.constant 16 : i32
      %parallel_loop3A_124 = arith.muli %parallel_loop3A_122, %parallel_loop3A_123 : i32
      %parallel_loop3A_125 = arith.constant 8 : i32
      %parallel_loop3A_126 = arith.divsi %parallel_loop3A_80, %parallel_loop3A_125 : i32
      %parallel_loop3A_127 = arith.constant 0 : i32
      %parallel_loop3A_128 = arith.cmpi sgt, %parallel_loop3A_80, %parallel_loop3A_127 : i32
      %parallel_loop3A_129 = arith.extui %parallel_loop3A_128 : i1 to i32
      %parallel_loop3A_130 = arith.constant 0 : i32
      %parallel_loop3A_131 = arith.cmpi slt, %parallel_loop3A_80, %parallel_loop3A_130 : i32
      %parallel_loop3A_132 = arith.extui %parallel_loop3A_131 : i1 to i32
      %parallel_loop3A_133 = arith.subi %parallel_loop3A_129, %parallel_loop3A_132 : i32
      %parallel_loop3A_134 = arith.constant 0 : i32
      %parallel_loop3A_135 = arith.cmpi sgt, %parallel_loop3A_125, %parallel_loop3A_134 : i32
      %parallel_loop3A_136 = arith.extui %parallel_loop3A_135 : i1 to i32
      %parallel_loop3A_137 = arith.constant 0 : i32
      %parallel_loop3A_138 = arith.cmpi slt, %parallel_loop3A_125, %parallel_loop3A_137 : i32
      %parallel_loop3A_139 = arith.extui %parallel_loop3A_138 : i1 to i32
      %parallel_loop3A_140 = arith.subi %parallel_loop3A_136, %parallel_loop3A_139 : i32
      %parallel_loop3A_141 = arith.cmpi ne, %parallel_loop3A_133, %parallel_loop3A_140 : i32
      %parallel_loop3A_142 = arith.remsi %parallel_loop3A_80, %parallel_loop3A_125 : i32
      %parallel_loop3A_143 = arith.constant 0 : i32
      %parallel_loop3A_144 = arith.cmpi ne, %parallel_loop3A_142, %parallel_loop3A_143 : i32
      %parallel_loop3A_145 = arith.andi %parallel_loop3A_141, %parallel_loop3A_144 : i1
      %parallel_loop3A_146 = arith.constant 1 : i32
      %parallel_loop3A_147 = arith.subi %parallel_loop3A_126, %parallel_loop3A_146 : i32
      %parallel_loop3A_148 = arith.select %parallel_loop3A_145, %parallel_loop3A_147, %parallel_loop3A_126 : i32
      %parallel_loop3A_149 = arith.constant 0 : i32
      %parallel_loop3A_150 = arith.index_cast %parallel_loop3A_149 : i32 to index
      %parallel_loop3A_151 = arith.index_cast %parallel_loop3A_148 : i32 to index
      %parallel_loop3A_152 = arith.index_cast %parallel_loop3A_124 : i32 to index
      %parallel_loop3A_153 = tpu.vector_load %arg6[%parallel_loop3A_150, %parallel_loop3A_151, %parallel_loop3A_152] {strides = array<i32>} : memref<29x8x128xf32, #tpu.memory_space<vmem>>, vector<16xf32>,
      %parallel_loop3A_154 = arith.constant 8 : i32
      %parallel_loop3A_155 = arith.divsi %parallel_loop3A_80, %parallel_loop3A_154 : i32
      %parallel_loop3A_156 = arith.constant 0 : i32
      %parallel_loop3A_157 = arith.cmpi sgt, %parallel_loop3A_80, %parallel_loop3A_156 : i32
      %parallel_loop3A_158 = arith.extui %parallel_loop3A_157 : i1 to i32
      %parallel_loop3A_159 = arith.constant 0 : i32
      %parallel_loop3A_160 = arith.cmpi slt, %parallel_loop3A_80, %parallel_loop3A_159 : i32
      %parallel_loop3A_161 = arith.extui %parallel_loop3A_160 : i1 to i32
      %parallel_loop3A_162 = arith.subi %parallel_loop3A_158, %parallel_loop3A_161 : i32
      %parallel_loop3A_163 = arith.constant 0 : i32
      %parallel_loop3A_164 = arith.cmpi sgt, %parallel_loop3A_154, %parallel_loop3A_163 : i32
      %parallel_loop3A_165 = arith.extui %parallel_loop3A_164 : i1 to i32
      %parallel_loop3A_166 = arith.constant 0 : i32
      %parallel_loop3A_167 = arith.cmpi slt, %parallel_loop3A_154, %parallel_loop3A_166 : i32
      %parallel_loop3A_168 = arith.extui %parallel_loop3A_167 : i1 to i32
      %parallel_loop3A_169 = arith.subi %parallel_loop3A_165, %parallel_loop3A_168 : i32
      %parallel_loop3A_170 = arith.cmpi ne, %parallel_loop3A_162, %parallel_loop3A_169 : i32
      %parallel_loop3A_171 = arith.remsi %parallel_loop3A_80, %parallel_loop3A_154 : i32
      %parallel_loop3A_172 = arith.constant 0 : i32
      %parallel_loop3A_173 = arith.cmpi ne, %parallel_loop3A_171, %parallel_loop3A_172 : i32
      %parallel_loop3A_174 = arith.andi %parallel_loop3A_170, %parallel_loop3A_173 : i1
      %parallel_loop3A_175 = arith.constant 1 : i32
      %parallel_loop3A_176 = arith.subi %parallel_loop3A_155, %parallel_loop3A_175 : i32
      %parallel_loop3A_177 = arith.select %parallel_loop3A_174, %parallel_loop3A_176, %parallel_loop3A_155 : i32
      %parallel_loop3A_178 = arith.constant 1 : i32
      %parallel_loop3A_179 = arith.index_cast %parallel_loop3A_178 : i32 to index
      %parallel_loop3A_180 = arith.index_cast %parallel_loop3A_177 : i32 to index
      %parallel_loop3A_181 = arith.index_cast %parallel_loop3A_124 : i32 to index
      %parallel_loop3A_182 = tpu.vector_load %arg6[%parallel_loop3A_179, %parallel_loop3A_180, %parallel_loop3A_181] {strides = array<i32>} : memref<29x8x128xf32, #tpu.memory_space<vmem>>, vector<16xf32>,
      %parallel_loop3A_183 = arith.constant 8 : i32
      %parallel_loop3A_184 = arith.divsi %parallel_loop3A_80, %parallel_loop3A_183 : i32
      %parallel_loop3A_185 = arith.constant 0 : i32
      %parallel_loop3A_186 = arith.cmpi sgt, %parallel_loop3A_80, %parallel_loop3A_185 : i32
      %parallel_loop3A_187 = arith.extui %parallel_loop3A_186 : i1 to i32
      %parallel_loop3A_188 = arith.constant 0 : i32
      %parallel_loop3A_189 = arith.cmpi slt, %parallel_loop3A_80, %parallel_loop3A_188 : i32
      %parallel_loop3A_190 = arith.extui %parallel_loop3A_189 : i1 to i32
      %parallel_loop3A_191 = arith.subi %parallel_loop3A_187, %parallel_loop3A_190 : i32
      %parallel_loop3A_192 = arith.constant 0 : i32
      %parallel_loop3A_193 = arith.cmpi sgt, %parallel_loop3A_183, %parallel_loop3A_192 : i32
      %parallel_loop3A_194 = arith.extui %parallel_loop3A_193 : i1 to i32
      %parallel_loop3A_195 = arith.constant 0 : i32
      %parallel_loop3A_196 = arith.cmpi slt, %parallel_loop3A_183, %parallel_loop3A_195 : i32
      %parallel_loop3A_197 = arith.extui %parallel_loop3A_196 : i1 to i32
      %parallel_loop3A_198 = arith.subi %parallel_loop3A_194, %parallel_loop3A_197 : i32
      %parallel_loop3A_199 = arith.cmpi ne, %parallel_loop3A_191, %parallel_loop3A_198 : i32
      %parallel_loop3A_200 = arith.remsi %parallel_loop3A_80, %parallel_loop3A_183 : i32
      %parallel_loop3A_201 = arith.constant 0 : i32
      %parallel_loop3A_202 = arith.cmpi ne, %parallel_loop3A_200, %parallel_loop3A_201 : i32
      %parallel_loop3A_203 = arith.andi %parallel_loop3A_199, %parallel_loop3A_202 : i1
      %parallel_loop3A_204 = arith.constant 1 : i32
      %parallel_loop3A_205 = arith.subi %parallel_loop3A_184, %parallel_loop3A_204 : i32
      %parallel_loop3A_206 = arith.select %parallel_loop3A_203, %parallel_loop3A_205, %parallel_loop3A_184 : i32
      %parallel_loop3A_207 = arith.constant 2 : i32
      %parallel_loop3A_208 = arith.index_cast %parallel_loop3A_207 : i32 to index
      %parallel_loop3A_209 = arith.index_cast %parallel_loop3A_206 : i32 to index
      %parallel_loop3A_210 = arith.index_cast %parallel_loop3A_124 : i32 to index
      %parallel_loop3A_211 = tpu.vector_load %arg6[%parallel_loop3A_208, %parallel_loop3A_209, %parallel_loop3A_210] {strides = array<i32>} : memref<29x8x128xf32, #tpu.memory_space<vmem>>, vector<16xf32>,
      %parallel_loop3A_212 = arith.constant 8 : i32
      %parallel_loop3A_213 = arith.divsi %parallel_loop3A_80, %parallel_loop3A_212 : i32
      %parallel_loop3A_214 = arith.constant 0 : i32
      %parallel_loop3A_215 = arith.cmpi sgt, %parallel_loop3A_80, %parallel_loop3A_214 : i32
      %parallel_loop3A_216 = arith.extui %parallel_loop3A_215 : i1 to i32
      %parallel_loop3A_217 = arith.constant 0 : i32
      %parallel_loop3A_218 = arith.cmpi slt, %parallel_loop3A_80, %parallel_loop3A_217 : i32
      %parallel_loop3A_219 = arith.extui %parallel_loop3A_218 : i1 to i32
      %parallel_loop3A_220 = arith.subi %parallel_loop3A_216, %parallel_loop3A_219 : i32
      %parallel_loop3A_221 = arith.constant 0 : i32
      %parallel_loop3A_222 = arith.cmpi sgt, %parallel_loop3A_212, %parallel_loop3A_221 : i32
      %parallel_loop3A_223 = arith.extui %parallel_loop3A_222 : i1 to i32
      %parallel_loop3A_224 = arith.constant 0 : i32
      %parallel_loop3A_225 = arith.cmpi slt, %parallel_loop3A_212, %parallel_loop3A_224 : i32
      %parallel_loop3A_226 = arith.extui %parallel_loop3A_225 : i1 to i32
      %parallel_loop3A_227 = arith.subi %parallel_loop3A_223, %parallel_loop3A_226 : i32
      %parallel_loop3A_228 = arith.cmpi ne, %parallel_loop3A_220, %parallel_loop3A_227 : i32
      %parallel_loop3A_229 = arith.remsi %parallel_loop3A_80, %parallel_loop3A_212 : i32
      %parallel_loop3A_230 = arith.constant 0 : i32
      %parallel_loop3A_231 = arith.cmpi ne, %parallel_loop3A_229, %parallel_loop3A_230 : i32
      %parallel_loop3A_232 = arith.andi %parallel_loop3A_228, %parallel_loop3A_231 : i1
      %parallel_loop3A_233 = arith.constant 1 : i32
      %parallel_loop3A_234 = arith.subi %parallel_loop3A_213, %parallel_loop3A_233 : i32
      %parallel_loop3A_235 = arith.select %parallel_loop3A_232, %parallel_loop3A_234, %parallel_loop3A_213 : i32
      %parallel_loop3A_236 = arith.constant 3 : i32
      %parallel_loop3A_237 = arith.index_cast %parallel_loop3A_236 : i32 to index
      %parallel_loop3A_238 = arith.index_cast %parallel_loop3A_235 : i32 to index
      %parallel_loop3A_239 = arith.index_cast %parallel_loop3A_124 : i32 to index
      %parallel_loop3A_240 = tpu.vector_load %arg6[%parallel_loop3A_237, %parallel_loop3A_238, %parallel_loop3A_239] {strides = array<i32>} : memref<29x8x128xf32, #tpu.memory_space<vmem>>, vector<16xf32>,
      %parallel_loop3A_241 = arith.constant 8 : i32
      %parallel_loop3A_242 = arith.divsi %parallel_loop3A_80, %parallel_loop3A_241 : i32
      %parallel_loop3A_243 = arith.constant 0 : i32
      %parallel_loop3A_244 = arith.cmpi sgt, %parallel_loop3A_80, %parallel_loop3A_243 : i32
      %parallel_loop3A_245 = arith.extui %parallel_loop3A_244 : i1 to i32
      %parallel_loop3A_246 = arith.constant 0 : i32
      %parallel_loop3A_247 = arith.cmpi slt, %parallel_loop3A_80, %parallel_loop3A_246 : i32
      %parallel_loop3A_248 = arith.extui %parallel_loop3A_247 : i1 to i32
      %parallel_loop3A_249 = arith.subi %parallel_loop3A_245, %parallel_loop3A_248 : i32
      %parallel_loop3A_250 = arith.constant 0 : i32
      %parallel_loop3A_251 = arith.cmpi sgt, %parallel_loop3A_241, %parallel_loop3A_250 : i32
      %parallel_loop3A_252 = arith.extui %parallel_loop3A_251 : i1 to i32
      %parallel_loop3A_253 = arith.constant 0 : i32
      %parallel_loop3A_254 = arith.cmpi slt, %parallel_loop3A_241, %parallel_loop3A_253 : i32
      %parallel_loop3A_255 = arith.extui %parallel_loop3A_254 : i1 to i32
      %parallel_loop3A_256 = arith.subi %parallel_loop3A_252, %parallel_loop3A_255 : i32
      %parallel_loop3A_257 = arith.cmpi ne, %parallel_loop3A_249, %parallel_loop3A_256 : i32
      %parallel_loop3A_258 = arith.remsi %parallel_loop3A_80, %parallel_loop3A_241 : i32
      %parallel_loop3A_259 = arith.constant 0 : i32
      %parallel_loop3A_260 = arith.cmpi ne, %parallel_loop3A_258, %parallel_loop3A_259 : i32
      %parallel_loop3A_261 = arith.andi %parallel_loop3A_257, %parallel_loop3A_260 : i1
      %parallel_loop3A_262 = arith.constant 1 : i32
      %parallel_loop3A_263 = arith.subi %parallel_loop3A_242, %parallel_loop3A_262 : i32
      %parallel_loop3A_264 = arith.select %parallel_loop3A_261, %parallel_loop3A_263, %parallel_loop3A_242 : i32
      %parallel_loop3A_265 = arith.constant 4 : i32
      %parallel_loop3A_266 = arith.index_cast %parallel_loop3A_265 : i32 to index
      %parallel_loop3A_267 = arith.index_cast %parallel_loop3A_264 : i32 to index
      %parallel_loop3A_268 = arith.index_cast %parallel_loop3A_124 : i32 to index
      %parallel_loop3A_269 = tpu.vector_load %arg6[%parallel_loop3A_266, %parallel_loop3A_267, %parallel_loop3A_268] {strides = array<i32>} : memref<29x8x128xf32, #tpu.memory_space<vmem>>, vector<16xf32>,
      %parallel_loop3A_270 = arith.constant 8 : i32
      %parallel_loop3A_271 = arith.divsi %parallel_loop3A_80, %parallel_loop3A_270 : i32
      %parallel_loop3A_272 = arith.constant 0 : i32
      %parallel_loop3A_273 = arith.cmpi sgt, %parallel_loop3A_80, %parallel_loop3A_272 : i32
      %parallel_loop3A_274 = arith.extui %parallel_loop3A_273 : i1 to i32
      %parallel_loop3A_275 = arith.constant 0 : i32
      %parallel_loop3A_276 = arith.cmpi slt, %parallel_loop3A_80, %parallel_loop3A_275 : i32
      %parallel_loop3A_277 = arith.extui %parallel_loop3A_276 : i1 to i32
      %parallel_loop3A_278 = arith.subi %parallel_loop3A_274, %parallel_loop3A_277 : i32
      %parallel_loop3A_279 = arith.constant 0 : i32
      %parallel_loop3A_280 = arith.cmpi sgt, %parallel_loop3A_270, %parallel_loop3A_279 : i32
      %parallel_loop3A_281 = arith.extui %parallel_loop3A_280 : i1 to i32
      %parallel_loop3A_282 = arith.constant 0 : i32
      %parallel_loop3A_283 = arith.cmpi slt, %parallel_loop3A_270, %parallel_loop3A_282 : i32
      %parallel_loop3A_284 = arith.extui %parallel_loop3A_283 : i1 to i32
      %parallel_loop3A_285 = arith.subi %parallel_loop3A_281, %parallel_loop3A_284 : i32
      %parallel_loop3A_286 = arith.cmpi ne, %parallel_loop3A_278, %parallel_loop3A_285 : i32
      %parallel_loop3A_287 = arith.remsi %parallel_loop3A_80, %parallel_loop3A_270 : i32
      %parallel_loop3A_288 = arith.constant 0 : i32
      %parallel_loop3A_289 = arith.cmpi ne, %parallel_loop3A_287, %parallel_loop3A_288 : i32
      %parallel_loop3A_290 = arith.andi %parallel_loop3A_286, %parallel_loop3A_289 : i1
      %parallel_loop3A_291 = arith.constant 1 : i32
      %parallel_loop3A_292 = arith.subi %parallel_loop3A_271, %parallel_loop3A_291 : i32
      %parallel_loop3A_293 = arith.select %parallel_loop3A_290, %parallel_loop3A_292, %parallel_loop3A_271 : i32
      %parallel_loop3A_294 = arith.constant 5 : i32
      %parallel_loop3A_295 = arith.index_cast %parallel_loop3A_294 : i32 to index
      %parallel_loop3A_296 = arith.index_cast %parallel_loop3A_293 : i32 to index
      %parallel_loop3A_297 = arith.index_cast %parallel_loop3A_124 : i32 to index
      %parallel_loop3A_298 = tpu.vector_load %arg6[%parallel_loop3A_295, %parallel_loop3A_296, %parallel_loop3A_297] {strides = array<i32>} : memref<29x8x128xf32, #tpu.memory_space<vmem>>, vector<16xf32>,
      %parallel_loop3A_299 = arith.constant 8 : i32
      %parallel_loop3A_300 = arith.divsi %parallel_loop3A_80, %parallel_loop3A_299 : i32
      %parallel_loop3A_301 = arith.constant 0 : i32
      %parallel_loop3A_302 = arith.cmpi sgt, %parallel_loop3A_80, %parallel_loop3A_301 : i32
      %parallel_loop3A_303 = arith.extui %parallel_loop3A_302 : i1 to i32
      %parallel_loop3A_304 = arith.constant 0 : i32
      %parallel_loop3A_305 = arith.cmpi slt, %parallel_loop3A_80, %parallel_loop3A_304 : i32
      %parallel_loop3A_306 = arith.extui %parallel_loop3A_305 : i1 to i32
      %parallel_loop3A_307 = arith.subi %parallel_loop3A_303, %parallel_loop3A_306 : i32
      %parallel_loop3A_308 = arith.constant 0 : i32
      %parallel_loop3A_309 = arith.cmpi sgt, %parallel_loop3A_299, %parallel_loop3A_308 : i32
      %parallel_loop3A_310 = arith.extui %parallel_loop3A_309 : i1 to i32
      %parallel_loop3A_311 = arith.constant 0 : i32
      %parallel_loop3A_312 = arith.cmpi slt, %parallel_loop3A_299, %parallel_loop3A_311 : i32
      %parallel_loop3A_313 = arith.extui %parallel_loop3A_312 : i1 to i32
      %parallel_loop3A_314 = arith.subi %parallel_loop3A_310, %parallel_loop3A_313 : i32
      %parallel_loop3A_315 = arith.cmpi ne, %parallel_loop3A_307, %parallel_loop3A_314 : i32
      %parallel_loop3A_316 = arith.remsi %parallel_loop3A_80, %parallel_loop3A_299 : i32
      %parallel_loop3A_317 = arith.constant 0 : i32
      %parallel_loop3A_318 = arith.cmpi ne, %parallel_loop3A_316, %parallel_loop3A_317 : i32
      %parallel_loop3A_319 = arith.andi %parallel_loop3A_315, %parallel_loop3A_318 : i1
      %parallel_loop3A_320 = arith.constant 1 : i32
      %parallel_loop3A_321 = arith.subi %parallel_loop3A_300, %parallel_loop3A_320 : i32
      %parallel_loop3A_322 = arith.select %parallel_loop3A_319, %parallel_loop3A_321, %parallel_loop3A_300 : i32
      %parallel_loop3A_323 = arith.constant 6 : i32
      %parallel_loop3A_324 = arith.index_cast %parallel_loop3A_323 : i32 to index
      %parallel_loop3A_325 = arith.index_cast %parallel_loop3A_322 : i32 to index
      %parallel_loop3A_326 = arith.index_cast %parallel_loop3A_124 : i32 to index
      %parallel_loop3A_327 = tpu.vector_load %arg6[%parallel_loop3A_324, %parallel_loop3A_325, %parallel_loop3A_326] {strides = array<i32>} : memref<29x8x128xf32, #tpu.memory_space<vmem>>, vector<16xf32>,
      %parallel_loop3A_328 = arith.constant 8 : i32
      %parallel_loop3A_329 = arith.divsi %parallel_loop3A_80, %parallel_loop3A_328 : i32
      %parallel_loop3A_330 = arith.constant 0 : i32
      %parallel_loop3A_331 = arith.cmpi sgt, %parallel_loop3A_80, %parallel_loop3A_330 : i32
      %parallel_loop3A_332 = arith.extui %parallel_loop3A_331 : i1 to i32
      %parallel_loop3A_333 = arith.constant 0 : i32
      %parallel_loop3A_334 = arith.cmpi slt, %parallel_loop3A_80, %parallel_loop3A_333 : i32
      %parallel_loop3A_335 = arith.extui %parallel_loop3A_334 : i1 to i32
      %parallel_loop3A_336 = arith.subi %parallel_loop3A_332, %parallel_loop3A_335 : i32
      %parallel_loop3A_337 = arith.constant 0 : i32
      %parallel_loop3A_338 = arith.cmpi sgt, %parallel_loop3A_328, %parallel_loop3A_337 : i32
      %parallel_loop3A_339 = arith.extui %parallel_loop3A_338 : i1 to i32
      %parallel_loop3A_340 = arith.constant 0 : i32
      %parallel_loop3A_341 = arith.cmpi slt, %parallel_loop3A_328, %parallel_loop3A_340 : i32
      %parallel_loop3A_342 = arith.extui %parallel_loop3A_341 : i1 to i32
      %parallel_loop3A_343 = arith.subi %parallel_loop3A_339, %parallel_loop3A_342 : i32
      %parallel_loop3A_344 = arith.cmpi ne, %parallel_loop3A_336, %parallel_loop3A_343 : i32
      %parallel_loop3A_345 = arith.remsi %parallel_loop3A_80, %parallel_loop3A_328 : i32
      %parallel_loop3A_346 = arith.constant 0 : i32
      %parallel_loop3A_347 = arith.cmpi ne, %parallel_loop3A_345, %parallel_loop3A_346 : i32
      %parallel_loop3A_348 = arith.andi %parallel_loop3A_344, %parallel_loop3A_347 : i1
      %parallel_loop3A_349 = arith.constant 1 : i32
      %parallel_loop3A_350 = arith.subi %parallel_loop3A_329, %parallel_loop3A_349 : i32
      %parallel_loop3A_351 = arith.select %parallel_loop3A_348, %parallel_loop3A_350, %parallel_loop3A_329 : i32
      %parallel_loop3A_352 = arith.constant 7 : i32
      %parallel_loop3A_353 = arith.index_cast %parallel_loop3A_352 : i32 to index
      %parallel_loop3A_354 = arith.index_cast %parallel_loop3A_351 : i32 to index
      %parallel_loop3A_355 = arith.index_cast %parallel_loop3A_124 : i32 to index
      %parallel_loop3A_356 = tpu.vector_load %arg6[%parallel_loop3A_353, %parallel_loop3A_354, %parallel_loop3A_355] {strides = array<i32>} : memref<29x8x128xf32, #tpu.memory_space<vmem>>, vector<16xf32>,
      %parallel_loop3A_357 = arith.constant 8 : i32
      %parallel_loop3A_358 = arith.divsi %parallel_loop3A_80, %parallel_loop3A_357 : i32
      %parallel_loop3A_359 = arith.constant 0 : i32
      %parallel_loop3A_360 = arith.cmpi sgt, %parallel_loop3A_80, %parallel_loop3A_359 : i32
      %parallel_loop3A_361 = arith.extui %parallel_loop3A_360 : i1 to i32
      %parallel_loop3A_362 = arith.constant 0 : i32
      %parallel_loop3A_363 = arith.cmpi slt, %parallel_loop3A_80, %parallel_loop3A_362 : i32
      %parallel_loop3A_364 = arith.extui %parallel_loop3A_363 : i1 to i32
      %parallel_loop3A_365 = arith.subi %parallel_loop3A_361, %parallel_loop3A_364 : i32
      %parallel_loop3A_366 = arith.constant 0 : i32
      %parallel_loop3A_367 = arith.cmpi sgt, %parallel_loop3A_357, %parallel_loop3A_366 : i32
      %parallel_loop3A_368 = arith.extui %parallel_loop3A_367 : i1 to i32
      %parallel_loop3A_369 = arith.constant 0 : i32
      %parallel_loop3A_370 = arith.cmpi slt, %parallel_loop3A_357, %parallel_loop3A_369 : i32
      %parallel_loop3A_371 = arith.extui %parallel_loop3A_370 : i1 to i32
      %parallel_loop3A_372 = arith.subi %parallel_loop3A_368, %parallel_loop3A_371 : i32
      %parallel_loop3A_373 = arith.cmpi ne, %parallel_loop3A_365, %parallel_loop3A_372 : i32
      %parallel_loop3A_374 = arith.remsi %parallel_loop3A_80, %parallel_loop3A_357 : i32
      %parallel_loop3A_375 = arith.constant 0 : i32
      %parallel_loop3A_376 = arith.cmpi ne, %parallel_loop3A_374, %parallel_loop3A_375 : i32
      %parallel_loop3A_377 = arith.andi %parallel_loop3A_373, %parallel_loop3A_376 : i1
      %parallel_loop3A_378 = arith.constant 1 : i32
      %parallel_loop3A_379 = arith.subi %parallel_loop3A_358, %parallel_loop3A_378 : i32
      %parallel_loop3A_380 = arith.select %parallel_loop3A_377, %parallel_loop3A_379, %parallel_loop3A_358 : i32
      %parallel_loop3A_381 = arith.constant 8 : i32
      %parallel_loop3A_382 = arith.index_cast %parallel_loop3A_381 : i32 to index
      %parallel_loop3A_383 = arith.index_cast %parallel_loop3A_380 : i32 to index
      %parallel_loop3A_384 = arith.index_cast %parallel_loop3A_124 : i32 to index
      %parallel_loop3A_385 = tpu.vector_load %arg6[%parallel_loop3A_382, %parallel_loop3A_383, %parallel_loop3A_384] {strides = array<i32>} : memref<29x8x128xf32, #tpu.memory_space<vmem>>, vector<16xf32>,
      %parallel_loop3A_386 = arith.constant 8 : i32
      %parallel_loop3A_387 = arith.divsi %parallel_loop3A_80, %parallel_loop3A_386 : i32
      %parallel_loop3A_388 = arith.constant 0 : i32
      %parallel_loop3A_389 = arith.cmpi sgt, %parallel_loop3A_80, %parallel_loop3A_388 : i32
      %parallel_loop3A_390 = arith.extui %parallel_loop3A_389 : i1 to i32
      %parallel_loop3A_391 = arith.constant 0 : i32
      %parallel_loop3A_392 = arith.cmpi slt, %parallel_loop3A_80, %parallel_loop3A_391 : i32
      %parallel_loop3A_393 = arith.extui %parallel_loop3A_392 : i1 to i32
      %parallel_loop3A_394 = arith.subi %parallel_loop3A_390, %parallel_loop3A_393 : i32
      %parallel_loop3A_395 = arith.constant 0 : i32
      %parallel_loop3A_396 = arith.cmpi sgt, %parallel_loop3A_386, %parallel_loop3A_395 : i32
      %parallel_loop3A_397 = arith.extui %parallel_loop3A_396 : i1 to i32
      %parallel_loop3A_398 = arith.constant 0 : i32
      %parallel_loop3A_399 = arith.cmpi slt, %parallel_loop3A_386, %parallel_loop3A_398 : i32
      %parallel_loop3A_400 = arith.extui %parallel_loop3A_399 : i1 to i32
      %parallel_loop3A_401 = arith.subi %parallel_loop3A_397, %parallel_loop3A_400 : i32
      %parallel_loop3A_402 = arith.cmpi ne, %parallel_loop3A_394, %parallel_loop3A_401 : i32
      %parallel_loop3A_403 = arith.remsi %parallel_loop3A_80, %parallel_loop3A_386 : i32
      %parallel_loop3A_404 = arith.constant 0 : i32
      %parallel_loop3A_405 = arith.cmpi ne, %parallel_loop3A_403, %parallel_loop3A_404 : i32
      %parallel_loop3A_406 = arith.andi %parallel_loop3A_402, %parallel_loop3A_405 : i1
      %parallel_loop3A_407 = arith.constant 1 : i32
      %parallel_loop3A_408 = arith.subi %parallel_loop3A_387, %parallel_loop3A_407 : i32
      %parallel_loop3A_409 = arith.select %parallel_loop3A_406, %parallel_loop3A_408, %parallel_loop3A_387 : i32
      %parallel_loop3A_410 = arith.constant 9 : i32
      %parallel_loop3A_411 = arith.index_cast %parallel_loop3A_410 : i32 to index
      %parallel_loop3A_412 = arith.index_cast %parallel_loop3A_409 : i32 to index
      %parallel_loop3A_413 = arith.index_cast %parallel_loop3A_124 : i32 to index
      %parallel_loop3A_414 = tpu.vector_load %arg6[%parallel_loop3A_411, %parallel_loop3A_412, %parallel_loop3A_413] {strides = array<i32>} : memref<29x8x128xf32, #tpu.memory_space<vmem>>, vector<16xf32>,
      %parallel_loop3A_415 = arith.constant 8 : i32
      %parallel_loop3A_416 = arith.divsi %parallel_loop3A_80, %parallel_loop3A_415 : i32
      %parallel_loop3A_417 = arith.constant 0 : i32
      %parallel_loop3A_418 = arith.cmpi sgt, %parallel_loop3A_80, %parallel_loop3A_417 : i32
      %parallel_loop3A_419 = arith.extui %parallel_loop3A_418 : i1 to i32
      %parallel_loop3A_420 = arith.constant 0 : i32
      %parallel_loop3A_421 = arith.cmpi slt, %parallel_loop3A_80, %parallel_loop3A_420 : i32
      %parallel_loop3A_422 = arith.extui %parallel_loop3A_421 : i1 to i32
      %parallel_loop3A_423 = arith.subi %parallel_loop3A_419, %parallel_loop3A_422 : i32
      %parallel_loop3A_424 = arith.constant 0 : i32
      %parallel_loop3A_425 = arith.cmpi sgt, %parallel_loop3A_415, %parallel_loop3A_424 : i32
      %parallel_loop3A_426 = arith.extui %parallel_loop3A_425 : i1 to i32
      %parallel_loop3A_427 = arith.constant 0 : i32
      %parallel_loop3A_428 = arith.cmpi slt, %parallel_loop3A_415, %parallel_loop3A_427 : i32
      %parallel_loop3A_429 = arith.extui %parallel_loop3A_428 : i1 to i32
      %parallel_loop3A_430 = arith.subi %parallel_loop3A_426, %parallel_loop3A_429 : i32
      %parallel_loop3A_431 = arith.cmpi ne, %parallel_loop3A_423, %parallel_loop3A_430 : i32
      %parallel_loop3A_432 = arith.remsi %parallel_loop3A_80, %parallel_loop3A_415 : i32
      %parallel_loop3A_433 = arith.constant 0 : i32
      %parallel_loop3A_434 = arith.cmpi ne, %parallel_loop3A_432, %parallel_loop3A_433 : i32
      %parallel_loop3A_435 = arith.andi %parallel_loop3A_431, %parallel_loop3A_434 : i1
      %parallel_loop3A_436 = arith.constant 1 : i32
      %parallel_loop3A_437 = arith.subi %parallel_loop3A_416, %parallel_loop3A_436 : i32
      %parallel_loop3A_438 = arith.select %parallel_loop3A_435, %parallel_loop3A_437, %parallel_loop3A_416 : i32
      %parallel_loop3A_439 = arith.constant 10 : i32
      %parallel_loop3A_440 = arith.index_cast %parallel_loop3A_439 : i32 to index
      %parallel_loop3A_441 = arith.index_cast %parallel_loop3A_438 : i32 to index
      %parallel_loop3A_442 = arith.index_cast %parallel_loop3A_124 : i32 to index
      %parallel_loop3A_443 = tpu.vector_load %arg6[%parallel_loop3A_440, %parallel_loop3A_441, %parallel_loop3A_442] {strides = array<i32>} : memref<29x8x128xf32, #tpu.memory_space<vmem>>, vector<16xf32>,
      %parallel_loop3A_444 = arith.constant 8 : i32
      %parallel_loop3A_445 = arith.divsi %parallel_loop3A_80, %parallel_loop3A_444 : i32
      %parallel_loop3A_446 = arith.constant 0 : i32
      %parallel_loop3A_447 = arith.cmpi sgt, %parallel_loop3A_80, %parallel_loop3A_446 : i32
      %parallel_loop3A_448 = arith.extui %parallel_loop3A_447 : i1 to i32
      %parallel_loop3A_449 = arith.constant 0 : i32
      %parallel_loop3A_450 = arith.cmpi slt, %parallel_loop3A_80, %parallel_loop3A_449 : i32
      %parallel_loop3A_451 = arith.extui %parallel_loop3A_450 : i1 to i32
      %parallel_loop3A_452 = arith.subi %parallel_loop3A_448, %parallel_loop3A_451 : i32
      %parallel_loop3A_453 = arith.constant 0 : i32
      %parallel_loop3A_454 = arith.cmpi sgt, %parallel_loop3A_444, %parallel_loop3A_453 : i32
      %parallel_loop3A_455 = arith.extui %parallel_loop3A_454 : i1 to i32
      %parallel_loop3A_456 = arith.constant 0 : i32
      %parallel_loop3A_457 = arith.cmpi slt, %parallel_loop3A_444, %parallel_loop3A_456 : i32
      %parallel_loop3A_458 = arith.extui %parallel_loop3A_457 : i1 to i32
      %parallel_loop3A_459 = arith.subi %parallel_loop3A_455, %parallel_loop3A_458 : i32
      %parallel_loop3A_460 = arith.cmpi ne, %parallel_loop3A_452, %parallel_loop3A_459 : i32
      %parallel_loop3A_461 = arith.remsi %parallel_loop3A_80, %parallel_loop3A_444 : i32
      %parallel_loop3A_462 = arith.constant 0 : i32
      %parallel_loop3A_463 = arith.cmpi ne, %parallel_loop3A_461, %parallel_loop3A_462 : i32
      %parallel_loop3A_464 = arith.andi %parallel_loop3A_460, %parallel_loop3A_463 : i1
      %parallel_loop3A_465 = arith.constant 1 : i32
      %parallel_loop3A_466 = arith.subi %parallel_loop3A_445, %parallel_loop3A_465 : i32
      %parallel_loop3A_467 = arith.select %parallel_loop3A_464, %parallel_loop3A_466, %parallel_loop3A_445 : i32
      %parallel_loop3A_468 = arith.constant 11 : i32
      %parallel_loop3A_469 = arith.index_cast %parallel_loop3A_468 : i32 to index
      %parallel_loop3A_470 = arith.index_cast %parallel_loop3A_467 : i32 to index
      %parallel_loop3A_471 = arith.index_cast %parallel_loop3A_124 : i32 to index
      %parallel_loop3A_472 = tpu.vector_load %arg6[%parallel_loop3A_469, %parallel_loop3A_470, %parallel_loop3A_471] {strides = array<i32>} : memref<29x8x128xf32, #tpu.memory_space<vmem>>, vector<16xf32>,
      %parallel_loop3A_473 = arith.constant 8 : i32
      %parallel_loop3A_474 = arith.divsi %parallel_loop3A_80, %parallel_loop3A_473 : i32
      %parallel_loop3A_475 = arith.constant 0 : i32
      %parallel_loop3A_476 = arith.cmpi sgt, %parallel_loop3A_80, %parallel_loop3A_475 : i32
      %parallel_loop3A_477 = arith.extui %parallel_loop3A_476 : i1 to i32
      %parallel_loop3A_478 = arith.constant 0 : i32
      %parallel_loop3A_479 = arith.cmpi slt, %parallel_loop3A_80, %parallel_loop3A_478 : i32
      %parallel_loop3A_480 = arith.extui %parallel_loop3A_479 : i1 to i32
      %parallel_loop3A_481 = arith.subi %parallel_loop3A_477, %parallel_loop3A_480 : i32
      %parallel_loop3A_482 = arith.constant 0 : i32
      %parallel_loop3A_483 = arith.cmpi sgt, %parallel_loop3A_473, %parallel_loop3A_482 : i32
      %parallel_loop3A_484 = arith.extui %parallel_loop3A_483 : i1 to i32
      %parallel_loop3A_485 = arith.constant 0 : i32
      %parallel_loop3A_486 = arith.cmpi slt, %parallel_loop3A_473, %parallel_loop3A_485 : i32
      %parallel_loop3A_487 = arith.extui %parallel_loop3A_486 : i1 to i32
      %parallel_loop3A_488 = arith.subi %parallel_loop3A_484, %parallel_loop3A_487 : i32
      %parallel_loop3A_489 = arith.cmpi ne, %parallel_loop3A_481, %parallel_loop3A_488 : i32
      %parallel_loop3A_490 = arith.remsi %parallel_loop3A_80, %parallel_loop3A_473 : i32
      %parallel_loop3A_491 = arith.constant 0 : i32
      %parallel_loop3A_492 = arith.cmpi ne, %parallel_loop3A_490, %parallel_loop3A_491 : i32
      %parallel_loop3A_493 = arith.andi %parallel_loop3A_489, %parallel_loop3A_492 : i1
      %parallel_loop3A_494 = arith.constant 1 : i32
      %parallel_loop3A_495 = arith.subi %parallel_loop3A_474, %parallel_loop3A_494 : i32
      %parallel_loop3A_496 = arith.select %parallel_loop3A_493, %parallel_loop3A_495, %parallel_loop3A_474 : i32
      %parallel_loop3A_497 = arith.constant 12 : i32
      %parallel_loop3A_498 = arith.index_cast %parallel_loop3A_497 : i32 to index
      %parallel_loop3A_499 = arith.index_cast %parallel_loop3A_496 : i32 to index
      %parallel_loop3A_500 = arith.index_cast %parallel_loop3A_124 : i32 to index
      %parallel_loop3A_501 = tpu.vector_load %arg6[%parallel_loop3A_498, %parallel_loop3A_499, %parallel_loop3A_500] {strides = array<i32>} : memref<29x8x128xf32, #tpu.memory_space<vmem>>, vector<16xf32>,
      %parallel_loop3A_502 = arith.constant 8 : i32
      %parallel_loop3A_503 = arith.divsi %parallel_loop3A_80, %parallel_loop3A_502 : i32
      %parallel_loop3A_504 = arith.constant 0 : i32
      %parallel_loop3A_505 = arith.cmpi sgt, %parallel_loop3A_80, %parallel_loop3A_504 : i32
      %parallel_loop3A_506 = arith.extui %parallel_loop3A_505 : i1 to i32
      %parallel_loop3A_507 = arith.constant 0 : i32
      %parallel_loop3A_508 = arith.cmpi slt, %parallel_loop3A_80, %parallel_loop3A_507 : i32
      %parallel_loop3A_509 = arith.extui %parallel_loop3A_508 : i1 to i32
      %parallel_loop3A_510 = arith.subi %parallel_loop3A_506, %parallel_loop3A_509 : i32
      %parallel_loop3A_511 = arith.constant 0 : i32
      %parallel_loop3A_512 = arith.cmpi sgt, %parallel_loop3A_502, %parallel_loop3A_511 : i32
      %parallel_loop3A_513 = arith.extui %parallel_loop3A_512 : i1 to i32
      %parallel_loop3A_514 = arith.constant 0 : i32
      %parallel_loop3A_515 = arith.cmpi slt, %parallel_loop3A_502, %parallel_loop3A_514 : i32
      %parallel_loop3A_516 = arith.extui %parallel_loop3A_515 : i1 to i32
      %parallel_loop3A_517 = arith.subi %parallel_loop3A_513, %parallel_loop3A_516 : i32
      %parallel_loop3A_518 = arith.cmpi ne, %parallel_loop3A_510, %parallel_loop3A_517 : i32
      %parallel_loop3A_519 = arith.remsi %parallel_loop3A_80, %parallel_loop3A_502 : i32
      %parallel_loop3A_520 = arith.constant 0 : i32
      %parallel_loop3A_521 = arith.cmpi ne, %parallel_loop3A_519, %parallel_loop3A_520 : i32
      %parallel_loop3A_522 = arith.andi %parallel_loop3A_518, %parallel_loop3A_521 : i1
      %parallel_loop3A_523 = arith.constant 1 : i32
      %parallel_loop3A_524 = arith.subi %parallel_loop3A_503, %parallel_loop3A_523 : i32
      %parallel_loop3A_525 = arith.select %parallel_loop3A_522, %parallel_loop3A_524, %parallel_loop3A_503 : i32
      %parallel_loop3A_526 = arith.constant 13 : i32
      %parallel_loop3A_527 = arith.index_cast %parallel_loop3A_526 : i32 to index
      %parallel_loop3A_528 = arith.index_cast %parallel_loop3A_525 : i32 to index
      %parallel_loop3A_529 = arith.index_cast %parallel_loop3A_124 : i32 to index
      %parallel_loop3A_530 = tpu.vector_load %arg6[%parallel_loop3A_527, %parallel_loop3A_528, %parallel_loop3A_529] {strides = array<i32>} : memref<29x8x128xf32, #tpu.memory_space<vmem>>, vector<16xf32>,
      %parallel_loop3A_531 = arith.constant 8 : i32
      %parallel_loop3A_532 = arith.divsi %parallel_loop3A_80, %parallel_loop3A_531 : i32
      %parallel_loop3A_533 = arith.constant 0 : i32
      %parallel_loop3A_534 = arith.cmpi sgt, %parallel_loop3A_80, %parallel_loop3A_533 : i32
      %parallel_loop3A_535 = arith.extui %parallel_loop3A_534 : i1 to i32
      %parallel_loop3A_536 = arith.constant 0 : i32
      %parallel_loop3A_537 = arith.cmpi slt, %parallel_loop3A_80, %parallel_loop3A_536 : i32
      %parallel_loop3A_538 = arith.extui %parallel_loop3A_537 : i1 to i32
      %parallel_loop3A_539 = arith.subi %parallel_loop3A_535, %parallel_loop3A_538 : i32
      %parallel_loop3A_540 = arith.constant 0 : i32
      %parallel_loop3A_541 = arith.cmpi sgt, %parallel_loop3A_531, %parallel_loop3A_540 : i32
      %parallel_loop3A_542 = arith.extui %parallel_loop3A_541 : i1 to i32
      %parallel_loop3A_543 = arith.constant 0 : i32
      %parallel_loop3A_544 = arith.cmpi slt, %parallel_loop3A_531, %parallel_loop3A_543 : i32
      %parallel_loop3A_545 = arith.extui %parallel_loop3A_544 : i1 to i32
      %parallel_loop3A_546 = arith.subi %parallel_loop3A_542, %parallel_loop3A_545 : i32
      %parallel_loop3A_547 = arith.cmpi ne, %parallel_loop3A_539, %parallel_loop3A_546 : i32
      %parallel_loop3A_548 = arith.remsi %parallel_loop3A_80, %parallel_loop3A_531 : i32
      %parallel_loop3A_549 = arith.constant 0 : i32
      %parallel_loop3A_550 = arith.cmpi ne, %parallel_loop3A_548, %parallel_loop3A_549 : i32
      %parallel_loop3A_551 = arith.andi %parallel_loop3A_547, %parallel_loop3A_550 : i1
      %parallel_loop3A_552 = arith.constant 1 : i32
      %parallel_loop3A_553 = arith.subi %parallel_loop3A_532, %parallel_loop3A_552 : i32
      %parallel_loop3A_554 = arith.select %parallel_loop3A_551, %parallel_loop3A_553, %parallel_loop3A_532 : i32
      %parallel_loop3A_555 = arith.constant 14 : i32
      %parallel_loop3A_556 = arith.index_cast %parallel_loop3A_555 : i32 to index
      %parallel_loop3A_557 = arith.index_cast %parallel_loop3A_554 : i32 to index
      %parallel_loop3A_558 = arith.index_cast %parallel_loop3A_124 : i32 to index
      %parallel_loop3A_559 = tpu.vector_load %arg6[%parallel_loop3A_556, %parallel_loop3A_557, %parallel_loop3A_558] {strides = array<i32>} : memref<29x8x128xf32, #tpu.memory_space<vmem>>, vector<16xf32>,
      %parallel_loop3A_560 = arith.constant 8 : i32
      %parallel_loop3A_561 = arith.divsi %parallel_loop3A_80, %parallel_loop3A_560 : i32
      %parallel_loop3A_562 = arith.constant 0 : i32
      %parallel_loop3A_563 = arith.cmpi sgt, %parallel_loop3A_80, %parallel_loop3A_562 : i32
      %parallel_loop3A_564 = arith.extui %parallel_loop3A_563 : i1 to i32
      %parallel_loop3A_565 = arith.constant 0 : i32
      %parallel_loop3A_566 = arith.cmpi slt, %parallel_loop3A_80, %parallel_loop3A_565 : i32
      %parallel_loop3A_567 = arith.extui %parallel_loop3A_566 : i1 to i32
      %parallel_loop3A_568 = arith.subi %parallel_loop3A_564, %parallel_loop3A_567 : i32
      %parallel_loop3A_569 = arith.constant 0 : i32
      %parallel_loop3A_570 = arith.cmpi sgt, %parallel_loop3A_560, %parallel_loop3A_569 : i32
      %parallel_loop3A_571 = arith.extui %parallel_loop3A_570 : i1 to i32
      %parallel_loop3A_572 = arith.constant 0 : i32
      %parallel_loop3A_573 = arith.cmpi slt, %parallel_loop3A_560, %parallel_loop3A_572 : i32
      %parallel_loop3A_574 = arith.extui %parallel_loop3A_573 : i1 to i32
      %parallel_loop3A_575 = arith.subi %parallel_loop3A_571, %parallel_loop3A_574 : i32
      %parallel_loop3A_576 = arith.cmpi ne, %parallel_loop3A_568, %parallel_loop3A_575 : i32
      %parallel_loop3A_577 = arith.remsi %parallel_loop3A_80, %parallel_loop3A_560 : i32
      %parallel_loop3A_578 = arith.constant 0 : i32
      %parallel_loop3A_579 = arith.cmpi ne, %parallel_loop3A_577, %parallel_loop3A_578 : i32
      %parallel_loop3A_580 = arith.andi %parallel_loop3A_576, %parallel_loop3A_579 : i1
      %parallel_loop3A_581 = arith.constant 1 : i32
      %parallel_loop3A_582 = arith.subi %parallel_loop3A_561, %parallel_loop3A_581 : i32
      %parallel_loop3A_583 = arith.select %parallel_loop3A_580, %parallel_loop3A_582, %parallel_loop3A_561 : i32
      %parallel_loop3A_584 = arith.constant 15 : i32
      %parallel_loop3A_585 = arith.index_cast %parallel_loop3A_584 : i32 to index
      %parallel_loop3A_586 = arith.index_cast %parallel_loop3A_583 : i32 to index
      %parallel_loop3A_587 = arith.index_cast %parallel_loop3A_124 : i32 to index
      %parallel_loop3A_588 = tpu.vector_load %arg6[%parallel_loop3A_585, %parallel_loop3A_586, %parallel_loop3A_587] {strides = array<i32>} : memref<29x8x128xf32, #tpu.memory_space<vmem>>, vector<16xf32>,
      %parallel_loop3A_589 = arith.constant 8 : i32
      %parallel_loop3A_590 = arith.divsi %parallel_loop3A_80, %parallel_loop3A_589 : i32
      %parallel_loop3A_591 = arith.constant 0 : i32
      %parallel_loop3A_592 = arith.cmpi sgt, %parallel_loop3A_80, %parallel_loop3A_591 : i32
      %parallel_loop3A_593 = arith.extui %parallel_loop3A_592 : i1 to i32
      %parallel_loop3A_594 = arith.constant 0 : i32
      %parallel_loop3A_595 = arith.cmpi slt, %parallel_loop3A_80, %parallel_loop3A_594 : i32
      %parallel_loop3A_596 = arith.extui %parallel_loop3A_595 : i1 to i32
      %parallel_loop3A_597 = arith.subi %parallel_loop3A_593, %parallel_loop3A_596 : i32
      %parallel_loop3A_598 = arith.constant 0 : i32
      %parallel_loop3A_599 = arith.cmpi sgt, %parallel_loop3A_589, %parallel_loop3A_598 : i32
      %parallel_loop3A_600 = arith.extui %parallel_loop3A_599 : i1 to i32
      %parallel_loop3A_601 = arith.constant 0 : i32
      %parallel_loop3A_602 = arith.cmpi slt, %parallel_loop3A_589, %parallel_loop3A_601 : i32
      %parallel_loop3A_603 = arith.extui %parallel_loop3A_602 : i1 to i32
      %parallel_loop3A_604 = arith.subi %parallel_loop3A_600, %parallel_loop3A_603 : i32
      %parallel_loop3A_605 = arith.cmpi ne, %parallel_loop3A_597, %parallel_loop3A_604 : i32
      %parallel_loop3A_606 = arith.remsi %parallel_loop3A_80, %parallel_loop3A_589 : i32
      %parallel_loop3A_607 = arith.constant 0 : i32
      %parallel_loop3A_608 = arith.cmpi ne, %parallel_loop3A_606, %parallel_loop3A_607 : i32
      %parallel_loop3A_609 = arith.andi %parallel_loop3A_605, %parallel_loop3A_608 : i1
      %parallel_loop3A_610 = arith.constant 1 : i32
      %parallel_loop3A_611 = arith.subi %parallel_loop3A_590, %parallel_loop3A_610 : i32
      %parallel_loop3A_612 = arith.select %parallel_loop3A_609, %parallel_loop3A_611, %parallel_loop3A_590 : i32
      %parallel_loop3A_613 = arith.constant 16 : i32
      %parallel_loop3A_614 = arith.index_cast %parallel_loop3A_613 : i32 to index
      %parallel_loop3A_615 = arith.index_cast %parallel_loop3A_612 : i32 to index
      %parallel_loop3A_616 = arith.index_cast %parallel_loop3A_124 : i32 to index
      %parallel_loop3A_617 = tpu.vector_load %arg6[%parallel_loop3A_614, %parallel_loop3A_615, %parallel_loop3A_616] {strides = array<i32>} : memref<29x8x128xf32, #tpu.memory_space<vmem>>, vector<16xf32>,
      %parallel_loop3A_618 = arith.constant 8 : i32
      %parallel_loop3A_619 = arith.divsi %parallel_loop3A_80, %parallel_loop3A_618 : i32
      %parallel_loop3A_620 = arith.constant 0 : i32
      %parallel_loop3A_621 = arith.cmpi sgt, %parallel_loop3A_80, %parallel_loop3A_620 : i32
      %parallel_loop3A_622 = arith.extui %parallel_loop3A_621 : i1 to i32
      %parallel_loop3A_623 = arith.constant 0 : i32
      %parallel_loop3A_624 = arith.cmpi slt, %parallel_loop3A_80, %parallel_loop3A_623 : i32
      %parallel_loop3A_625 = arith.extui %parallel_loop3A_624 : i1 to i32
      %parallel_loop3A_626 = arith.subi %parallel_loop3A_622, %parallel_loop3A_625 : i32
      %parallel_loop3A_627 = arith.constant 0 : i32
      %parallel_loop3A_628 = arith.cmpi sgt, %parallel_loop3A_618, %parallel_loop3A_627 : i32
      %parallel_loop3A_629 = arith.extui %parallel_loop3A_628 : i1 to i32
      %parallel_loop3A_630 = arith.constant 0 : i32
      %parallel_loop3A_631 = arith.cmpi slt, %parallel_loop3A_618, %parallel_loop3A_630 : i32
      %parallel_loop3A_632 = arith.extui %parallel_loop3A_631 : i1 to i32
      %parallel_loop3A_633 = arith.subi %parallel_loop3A_629, %parallel_loop3A_632 : i32
      %parallel_loop3A_634 = arith.cmpi ne, %parallel_loop3A_626, %parallel_loop3A_633 : i32
      %parallel_loop3A_635 = arith.remsi %parallel_loop3A_80, %parallel_loop3A_618 : i32
      %parallel_loop3A_636 = arith.constant 0 : i32
      %parallel_loop3A_637 = arith.cmpi ne, %parallel_loop3A_635, %parallel_loop3A_636 : i32
      %parallel_loop3A_638 = arith.andi %parallel_loop3A_634, %parallel_loop3A_637 : i1
      %parallel_loop3A_639 = arith.constant 1 : i32
      %parallel_loop3A_640 = arith.subi %parallel_loop3A_619, %parallel_loop3A_639 : i32
      %parallel_loop3A_641 = arith.select %parallel_loop3A_638, %parallel_loop3A_640, %parallel_loop3A_619 : i32
      %parallel_loop3A_642 = arith.constant 17 : i32
      %parallel_loop3A_643 = arith.index_cast %parallel_loop3A_642 : i32 to index
      %parallel_loop3A_644 = arith.index_cast %parallel_loop3A_641 : i32 to index
      %parallel_loop3A_645 = arith.index_cast %parallel_loop3A_124 : i32 to index
      %parallel_loop3A_646 = tpu.vector_load %arg6[%parallel_loop3A_643, %parallel_loop3A_644, %parallel_loop3A_645] {strides = array<i32>} : memref<29x8x128xf32, #tpu.memory_space<vmem>>, vector<16xf32>,
      %parallel_loop3A_647 = arith.constant 8 : i32
      %parallel_loop3A_648 = arith.divsi %parallel_loop3A_80, %parallel_loop3A_647 : i32
      %parallel_loop3A_649 = arith.constant 0 : i32
      %parallel_loop3A_650 = arith.cmpi sgt, %parallel_loop3A_80, %parallel_loop3A_649 : i32
      %parallel_loop3A_651 = arith.extui %parallel_loop3A_650 : i1 to i32
      %parallel_loop3A_652 = arith.constant 0 : i32
      %parallel_loop3A_653 = arith.cmpi slt, %parallel_loop3A_80, %parallel_loop3A_652 : i32
      %parallel_loop3A_654 = arith.extui %parallel_loop3A_653 : i1 to i32
      %parallel_loop3A_655 = arith.subi %parallel_loop3A_651, %parallel_loop3A_654 : i32
      %parallel_loop3A_656 = arith.constant 0 : i32
      %parallel_loop3A_657 = arith.cmpi sgt, %parallel_loop3A_647, %parallel_loop3A_656 : i32
      %parallel_loop3A_658 = arith.extui %parallel_loop3A_657 : i1 to i32
      %parallel_loop3A_659 = arith.constant 0 : i32
      %parallel_loop3A_660 = arith.cmpi slt, %parallel_loop3A_647, %parallel_loop3A_659 : i32
      %parallel_loop3A_661 = arith.extui %parallel_loop3A_660 : i1 to i32
      %parallel_loop3A_662 = arith.subi %parallel_loop3A_658, %parallel_loop3A_661 : i32
      %parallel_loop3A_663 = arith.cmpi ne, %parallel_loop3A_655, %parallel_loop3A_662 : i32
      %parallel_loop3A_664 = arith.remsi %parallel_loop3A_80, %parallel_loop3A_647 : i32
      %parallel_loop3A_665 = arith.constant 0 : i32
      %parallel_loop3A_666 = arith.cmpi ne, %parallel_loop3A_664, %parallel_loop3A_665 : i32
      %parallel_loop3A_667 = arith.andi %parallel_loop3A_663, %parallel_loop3A_666 : i1
      %parallel_loop3A_668 = arith.constant 1 : i32
      %parallel_loop3A_669 = arith.subi %parallel_loop3A_648, %parallel_loop3A_668 : i32
      %parallel_loop3A_670 = arith.select %parallel_loop3A_667, %parallel_loop3A_669, %parallel_loop3A_648 : i32
      %parallel_loop3A_671 = arith.constant 18 : i32
      %parallel_loop3A_672 = arith.index_cast %parallel_loop3A_671 : i32 to index
      %parallel_loop3A_673 = arith.index_cast %parallel_loop3A_670 : i32 to index
      %parallel_loop3A_674 = arith.index_cast %parallel_loop3A_124 : i32 to index
      %parallel_loop3A_675 = tpu.vector_load %arg6[%parallel_loop3A_672, %parallel_loop3A_673, %parallel_loop3A_674] {strides = array<i32>} : memref<29x8x128xf32, #tpu.memory_space<vmem>>, vector<16xf32>,
      %parallel_loop3A_676 = arith.constant 8 : i32
      %parallel_loop3A_677 = arith.divsi %parallel_loop3A_80, %parallel_loop3A_676 : i32
      %parallel_loop3A_678 = arith.constant 0 : i32
      %parallel_loop3A_679 = arith.cmpi sgt, %parallel_loop3A_80, %parallel_loop3A_678 : i32
      %parallel_loop3A_680 = arith.extui %parallel_loop3A_679 : i1 to i32
      %parallel_loop3A_681 = arith.constant 0 : i32
      %parallel_loop3A_682 = arith.cmpi slt, %parallel_loop3A_80, %parallel_loop3A_681 : i32
      %parallel_loop3A_683 = arith.extui %parallel_loop3A_682 : i1 to i32
      %parallel_loop3A_684 = arith.subi %parallel_loop3A_680, %parallel_loop3A_683 : i32
      %parallel_loop3A_685 = arith.constant 0 : i32
      %parallel_loop3A_686 = arith.cmpi sgt, %parallel_loop3A_676, %parallel_loop3A_685 : i32
      %parallel_loop3A_687 = arith.extui %parallel_loop3A_686 : i1 to i32
      %parallel_loop3A_688 = arith.constant 0 : i32
      %parallel_loop3A_689 = arith.cmpi slt, %parallel_loop3A_676, %parallel_loop3A_688 : i32
      %parallel_loop3A_690 = arith.extui %parallel_loop3A_689 : i1 to i32
      %parallel_loop3A_691 = arith.subi %parallel_loop3A_687, %parallel_loop3A_690 : i32
      %parallel_loop3A_692 = arith.cmpi ne, %parallel_loop3A_684, %parallel_loop3A_691 : i32
      %parallel_loop3A_693 = arith.remsi %parallel_loop3A_80, %parallel_loop3A_676 : i32
      %parallel_loop3A_694 = arith.constant 0 : i32
      %parallel_loop3A_695 = arith.cmpi ne, %parallel_loop3A_693, %parallel_loop3A_694 : i32
      %parallel_loop3A_696 = arith.andi %parallel_loop3A_692, %parallel_loop3A_695 : i1
      %parallel_loop3A_697 = arith.constant 1 : i32
      %parallel_loop3A_698 = arith.subi %parallel_loop3A_677, %parallel_loop3A_697 : i32
      %parallel_loop3A_699 = arith.select %parallel_loop3A_696, %parallel_loop3A_698, %parallel_loop3A_677 : i32
      %parallel_loop3A_700 = arith.constant 19 : i32
      %parallel_loop3A_701 = arith.index_cast %parallel_loop3A_700 : i32 to index
      %parallel_loop3A_702 = arith.index_cast %parallel_loop3A_699 : i32 to index
      %parallel_loop3A_703 = arith.index_cast %parallel_loop3A_124 : i32 to index
      %parallel_loop3A_704 = tpu.vector_load %arg6[%parallel_loop3A_701, %parallel_loop3A_702, %parallel_loop3A_703] {strides = array<i32>} : memref<29x8x128xf32, #tpu.memory_space<vmem>>, vector<16xf32>,
      %parallel_loop3A_705 = arith.constant 8 : i32
      %parallel_loop3A_706 = arith.divsi %parallel_loop3A_80, %parallel_loop3A_705 : i32
      %parallel_loop3A_707 = arith.constant 0 : i32
      %parallel_loop3A_708 = arith.cmpi sgt, %parallel_loop3A_80, %parallel_loop3A_707 : i32
      %parallel_loop3A_709 = arith.extui %parallel_loop3A_708 : i1 to i32
      %parallel_loop3A_710 = arith.constant 0 : i32
      %parallel_loop3A_711 = arith.cmpi slt, %parallel_loop3A_80, %parallel_loop3A_710 : i32
      %parallel_loop3A_712 = arith.extui %parallel_loop3A_711 : i1 to i32
      %parallel_loop3A_713 = arith.subi %parallel_loop3A_709, %parallel_loop3A_712 : i32
      %parallel_loop3A_714 = arith.constant 0 : i32
      %parallel_loop3A_715 = arith.cmpi sgt, %parallel_loop3A_705, %parallel_loop3A_714 : i32
      %parallel_loop3A_716 = arith.extui %parallel_loop3A_715 : i1 to i32
      %parallel_loop3A_717 = arith.constant 0 : i32
      %parallel_loop3A_718 = arith.cmpi slt, %parallel_loop3A_705, %parallel_loop3A_717 : i32
      %parallel_loop3A_719 = arith.extui %parallel_loop3A_718 : i1 to i32
      %parallel_loop3A_720 = arith.subi %parallel_loop3A_716, %parallel_loop3A_719 : i32
      %parallel_loop3A_721 = arith.cmpi ne, %parallel_loop3A_713, %parallel_loop3A_720 : i32
      %parallel_loop3A_722 = arith.remsi %parallel_loop3A_80, %parallel_loop3A_705 : i32
      %parallel_loop3A_723 = arith.constant 0 : i32
      %parallel_loop3A_724 = arith.cmpi ne, %parallel_loop3A_722, %parallel_loop3A_723 : i32
      %parallel_loop3A_725 = arith.andi %parallel_loop3A_721, %parallel_loop3A_724 : i1
      %parallel_loop3A_726 = arith.constant 1 : i32
      %parallel_loop3A_727 = arith.subi %parallel_loop3A_706, %parallel_loop3A_726 : i32
      %parallel_loop3A_728 = arith.select %parallel_loop3A_725, %parallel_loop3A_727, %parallel_loop3A_706 : i32
      %parallel_loop3A_729 = arith.constant 20 : i32
      %parallel_loop3A_730 = arith.index_cast %parallel_loop3A_729 : i32 to index
      %parallel_loop3A_731 = arith.index_cast %parallel_loop3A_728 : i32 to index
      %parallel_loop3A_732 = arith.index_cast %parallel_loop3A_124 : i32 to index
      %parallel_loop3A_733 = tpu.vector_load %arg6[%parallel_loop3A_730, %parallel_loop3A_731, %parallel_loop3A_732] {strides = array<i32>} : memref<29x8x128xf32, #tpu.memory_space<vmem>>, vector<16xf32>,
      %parallel_loop3A_734 = arith.constant 8 : i32
      %parallel_loop3A_735 = arith.divsi %parallel_loop3A_80, %parallel_loop3A_734 : i32
      %parallel_loop3A_736 = arith.constant 0 : i32
      %parallel_loop3A_737 = arith.cmpi sgt, %parallel_loop3A_80, %parallel_loop3A_736 : i32
      %parallel_loop3A_738 = arith.extui %parallel_loop3A_737 : i1 to i32
      %parallel_loop3A_739 = arith.constant 0 : i32
      %parallel_loop3A_740 = arith.cmpi slt, %parallel_loop3A_80, %parallel_loop3A_739 : i32
      %parallel_loop3A_741 = arith.extui %parallel_loop3A_740 : i1 to i32
      %parallel_loop3A_742 = arith.subi %parallel_loop3A_738, %parallel_loop3A_741 : i32
      %parallel_loop3A_743 = arith.constant 0 : i32
      %parallel_loop3A_744 = arith.cmpi sgt, %parallel_loop3A_734, %parallel_loop3A_743 : i32
      %parallel_loop3A_745 = arith.extui %parallel_loop3A_744 : i1 to i32
      %parallel_loop3A_746 = arith.constant 0 : i32
      %parallel_loop3A_747 = arith.cmpi slt, %parallel_loop3A_734, %parallel_loop3A_746 : i32
      %parallel_loop3A_748 = arith.extui %parallel_loop3A_747 : i1 to i32
      %parallel_loop3A_749 = arith.subi %parallel_loop3A_745, %parallel_loop3A_748 : i32
      %parallel_loop3A_750 = arith.cmpi ne, %parallel_loop3A_742, %parallel_loop3A_749 : i32
      %parallel_loop3A_751 = arith.remsi %parallel_loop3A_80, %parallel_loop3A_734 : i32
      %parallel_loop3A_752 = arith.constant 0 : i32
      %parallel_loop3A_753 = arith.cmpi ne, %parallel_loop3A_751, %parallel_loop3A_752 : i32
      %parallel_loop3A_754 = arith.andi %parallel_loop3A_750, %parallel_loop3A_753 : i1
      %parallel_loop3A_755 = arith.constant 1 : i32
      %parallel_loop3A_756 = arith.subi %parallel_loop3A_735, %parallel_loop3A_755 : i32
      %parallel_loop3A_757 = arith.select %parallel_loop3A_754, %parallel_loop3A_756, %parallel_loop3A_735 : i32
      %parallel_loop3A_758 = arith.constant 21 : i32
      %parallel_loop3A_759 = arith.index_cast %parallel_loop3A_758 : i32 to index
      %parallel_loop3A_760 = arith.index_cast %parallel_loop3A_757 : i32 to index
      %parallel_loop3A_761 = arith.index_cast %parallel_loop3A_124 : i32 to index
      %parallel_loop3A_762 = tpu.vector_load %arg6[%parallel_loop3A_759, %parallel_loop3A_760, %parallel_loop3A_761] {strides = array<i32>} : memref<29x8x128xf32, #tpu.memory_space<vmem>>, vector<16xf32>,
      %parallel_loop3A_763 = arith.constant 8 : i32
      %parallel_loop3A_764 = arith.divsi %parallel_loop3A_80, %parallel_loop3A_763 : i32
      %parallel_loop3A_765 = arith.constant 0 : i32
      %parallel_loop3A_766 = arith.cmpi sgt, %parallel_loop3A_80, %parallel_loop3A_765 : i32
      %parallel_loop3A_767 = arith.extui %parallel_loop3A_766 : i1 to i32
      %parallel_loop3A_768 = arith.constant 0 : i32
      %parallel_loop3A_769 = arith.cmpi slt, %parallel_loop3A_80, %parallel_loop3A_768 : i32
      %parallel_loop3A_770 = arith.extui %parallel_loop3A_769 : i1 to i32
      %parallel_loop3A_771 = arith.subi %parallel_loop3A_767, %parallel_loop3A_770 : i32
      %parallel_loop3A_772 = arith.constant 0 : i32
      %parallel_loop3A_773 = arith.cmpi sgt, %parallel_loop3A_763, %parallel_loop3A_772 : i32
      %parallel_loop3A_774 = arith.extui %parallel_loop3A_773 : i1 to i32
      %parallel_loop3A_775 = arith.constant 0 : i32
      %parallel_loop3A_776 = arith.cmpi slt, %parallel_loop3A_763, %parallel_loop3A_775 : i32
      %parallel_loop3A_777 = arith.extui %parallel_loop3A_776 : i1 to i32
      %parallel_loop3A_778 = arith.subi %parallel_loop3A_774, %parallel_loop3A_777 : i32
      %parallel_loop3A_779 = arith.cmpi ne, %parallel_loop3A_771, %parallel_loop3A_778 : i32
      %parallel_loop3A_780 = arith.remsi %parallel_loop3A_80, %parallel_loop3A_763 : i32
      %parallel_loop3A_781 = arith.constant 0 : i32
      %parallel_loop3A_782 = arith.cmpi ne, %parallel_loop3A_780, %parallel_loop3A_781 : i32
      %parallel_loop3A_783 = arith.andi %parallel_loop3A_779, %parallel_loop3A_782 : i1
      %parallel_loop3A_784 = arith.constant 1 : i32
      %parallel_loop3A_785 = arith.subi %parallel_loop3A_764, %parallel_loop3A_784 : i32
      %parallel_loop3A_786 = arith.select %parallel_loop3A_783, %parallel_loop3A_785, %parallel_loop3A_764 : i32
      %parallel_loop3A_787 = arith.constant 22 : i32
      %parallel_loop3A_788 = arith.index_cast %parallel_loop3A_787 : i32 to index
      %parallel_loop3A_789 = arith.index_cast %parallel_loop3A_786 : i32 to index
      %parallel_loop3A_790 = arith.index_cast %parallel_loop3A_124 : i32 to index
      %parallel_loop3A_791 = tpu.vector_load %arg6[%parallel_loop3A_788, %parallel_loop3A_789, %parallel_loop3A_790] {strides = array<i32>} : memref<29x8x128xf32, #tpu.memory_space<vmem>>, vector<16xf32>,
      %parallel_loop3A_792 = arith.constant 8 : i32
      %parallel_loop3A_793 = arith.divsi %parallel_loop3A_80, %parallel_loop3A_792 : i32
      %parallel_loop3A_794 = arith.constant 0 : i32
      %parallel_loop3A_795 = arith.cmpi sgt, %parallel_loop3A_80, %parallel_loop3A_794 : i32
      %parallel_loop3A_796 = arith.extui %parallel_loop3A_795 : i1 to i32
      %parallel_loop3A_797 = arith.constant 0 : i32
      %parallel_loop3A_798 = arith.cmpi slt, %parallel_loop3A_80, %parallel_loop3A_797 : i32
      %parallel_loop3A_799 = arith.extui %parallel_loop3A_798 : i1 to i32
      %parallel_loop3A_800 = arith.subi %parallel_loop3A_796, %parallel_loop3A_799 : i32
      %parallel_loop3A_801 = arith.constant 0 : i32
      %parallel_loop3A_802 = arith.cmpi sgt, %parallel_loop3A_792, %parallel_loop3A_801 : i32
      %parallel_loop3A_803 = arith.extui %parallel_loop3A_802 : i1 to i32
      %parallel_loop3A_804 = arith.constant 0 : i32
      %parallel_loop3A_805 = arith.cmpi slt, %parallel_loop3A_792, %parallel_loop3A_804 : i32
      %parallel_loop3A_806 = arith.extui %parallel_loop3A_805 : i1 to i32
      %parallel_loop3A_807 = arith.subi %parallel_loop3A_803, %parallel_loop3A_806 : i32
      %parallel_loop3A_808 = arith.cmpi ne, %parallel_loop3A_800, %parallel_loop3A_807 : i32
      %parallel_loop3A_809 = arith.remsi %parallel_loop3A_80, %parallel_loop3A_792 : i32
      %parallel_loop3A_810 = arith.constant 0 : i32
      %parallel_loop3A_811 = arith.cmpi ne, %parallel_loop3A_809, %parallel_loop3A_810 : i32
      %parallel_loop3A_812 = arith.andi %parallel_loop3A_808, %parallel_loop3A_811 : i1
      %parallel_loop3A_813 = arith.constant 1 : i32
      %parallel_loop3A_814 = arith.subi %parallel_loop3A_793, %parallel_loop3A_813 : i32
      %parallel_loop3A_815 = arith.select %parallel_loop3A_812, %parallel_loop3A_814, %parallel_loop3A_793 : i32
      %parallel_loop3A_816 = arith.constant 23 : i32
      %parallel_loop3A_817 = arith.index_cast %parallel_loop3A_816 : i32 to index
      %parallel_loop3A_818 = arith.index_cast %parallel_loop3A_815 : i32 to index
      %parallel_loop3A_819 = arith.index_cast %parallel_loop3A_124 : i32 to index
      %parallel_loop3A_820 = tpu.vector_load %arg6[%parallel_loop3A_817, %parallel_loop3A_818, %parallel_loop3A_819] {strides = array<i32>} : memref<29x8x128xf32, #tpu.memory_space<vmem>>, vector<16xf32>,
      %parallel_loop3A_821 = arith.constant 8 : i32
      %parallel_loop3A_822 = arith.divsi %parallel_loop3A_80, %parallel_loop3A_821 : i32
      %parallel_loop3A_823 = arith.constant 0 : i32
      %parallel_loop3A_824 = arith.cmpi sgt, %parallel_loop3A_80, %parallel_loop3A_823 : i32
      %parallel_loop3A_825 = arith.extui %parallel_loop3A_824 : i1 to i32
      %parallel_loop3A_826 = arith.constant 0 : i32
      %parallel_loop3A_827 = arith.cmpi slt, %parallel_loop3A_80, %parallel_loop3A_826 : i32
      %parallel_loop3A_828 = arith.extui %parallel_loop3A_827 : i1 to i32
      %parallel_loop3A_829 = arith.subi %parallel_loop3A_825, %parallel_loop3A_828 : i32
      %parallel_loop3A_830 = arith.constant 0 : i32
      %parallel_loop3A_831 = arith.cmpi sgt, %parallel_loop3A_821, %parallel_loop3A_830 : i32
      %parallel_loop3A_832 = arith.extui %parallel_loop3A_831 : i1 to i32
      %parallel_loop3A_833 = arith.constant 0 : i32
      %parallel_loop3A_834 = arith.cmpi slt, %parallel_loop3A_821, %parallel_loop3A_833 : i32
      %parallel_loop3A_835 = arith.extui %parallel_loop3A_834 : i1 to i32
      %parallel_loop3A_836 = arith.subi %parallel_loop3A_832, %parallel_loop3A_835 : i32
      %parallel_loop3A_837 = arith.cmpi ne, %parallel_loop3A_829, %parallel_loop3A_836 : i32
      %parallel_loop3A_838 = arith.remsi %parallel_loop3A_80, %parallel_loop3A_821 : i32
      %parallel_loop3A_839 = arith.constant 0 : i32
      %parallel_loop3A_840 = arith.cmpi ne, %parallel_loop3A_838, %parallel_loop3A_839 : i32
      %parallel_loop3A_841 = arith.andi %parallel_loop3A_837, %parallel_loop3A_840 : i1
      %parallel_loop3A_842 = arith.constant 1 : i32
      %parallel_loop3A_843 = arith.subi %parallel_loop3A_822, %parallel_loop3A_842 : i32
      %parallel_loop3A_844 = arith.select %parallel_loop3A_841, %parallel_loop3A_843, %parallel_loop3A_822 : i32
      %parallel_loop3A_845 = arith.constant 24 : i32
      %parallel_loop3A_846 = arith.index_cast %parallel_loop3A_845 : i32 to index
      %parallel_loop3A_847 = arith.index_cast %parallel_loop3A_844 : i32 to index
      %parallel_loop3A_848 = arith.index_cast %parallel_loop3A_124 : i32 to index
      %parallel_loop3A_849 = tpu.vector_load %arg6[%parallel_loop3A_846, %parallel_loop3A_847, %parallel_loop3A_848] {strides = array<i32>} : memref<29x8x128xf32, #tpu.memory_space<vmem>>, vector<16xf32>,
      %parallel_loop3A_850 = arith.constant 8 : i32
      %parallel_loop3A_851 = arith.divsi %parallel_loop3A_80, %parallel_loop3A_850 : i32
      %parallel_loop3A_852 = arith.constant 0 : i32
      %parallel_loop3A_853 = arith.cmpi sgt, %parallel_loop3A_80, %parallel_loop3A_852 : i32
      %parallel_loop3A_854 = arith.extui %parallel_loop3A_853 : i1 to i32
      %parallel_loop3A_855 = arith.constant 0 : i32
      %parallel_loop3A_856 = arith.cmpi slt, %parallel_loop3A_80, %parallel_loop3A_855 : i32
      %parallel_loop3A_857 = arith.extui %parallel_loop3A_856 : i1 to i32
      %parallel_loop3A_858 = arith.subi %parallel_loop3A_854, %parallel_loop3A_857 : i32
      %parallel_loop3A_859 = arith.constant 0 : i32
      %parallel_loop3A_860 = arith.cmpi sgt, %parallel_loop3A_850, %parallel_loop3A_859 : i32
      %parallel_loop3A_861 = arith.extui %parallel_loop3A_860 : i1 to i32
      %parallel_loop3A_862 = arith.constant 0 : i32
      %parallel_loop3A_863 = arith.cmpi slt, %parallel_loop3A_850, %parallel_loop3A_862 : i32
      %parallel_loop3A_864 = arith.extui %parallel_loop3A_863 : i1 to i32
      %parallel_loop3A_865 = arith.subi %parallel_loop3A_861, %parallel_loop3A_864 : i32
      %parallel_loop3A_866 = arith.cmpi ne, %parallel_loop3A_858, %parallel_loop3A_865 : i32
      %parallel_loop3A_867 = arith.remsi %parallel_loop3A_80, %parallel_loop3A_850 : i32
      %parallel_loop3A_868 = arith.constant 0 : i32
      %parallel_loop3A_869 = arith.cmpi ne, %parallel_loop3A_867, %parallel_loop3A_868 : i32
      %parallel_loop3A_870 = arith.andi %parallel_loop3A_866, %parallel_loop3A_869 : i1
      %parallel_loop3A_871 = arith.constant 1 : i32
      %parallel_loop3A_872 = arith.subi %parallel_loop3A_851, %parallel_loop3A_871 : i32
      %parallel_loop3A_873 = arith.select %parallel_loop3A_870, %parallel_loop3A_872, %parallel_loop3A_851 : i32
      %parallel_loop3A_874 = arith.constant 25 : i32
      %parallel_loop3A_875 = arith.index_cast %parallel_loop3A_874 : i32 to index
      %parallel_loop3A_876 = arith.index_cast %parallel_loop3A_873 : i32 to index
      %parallel_loop3A_877 = arith.index_cast %parallel_loop3A_124 : i32 to index
      %parallel_loop3A_878 = tpu.vector_load %arg6[%parallel_loop3A_875, %parallel_loop3A_876, %parallel_loop3A_877] {strides = array<i32>} : memref<29x8x128xf32, #tpu.memory_space<vmem>>, vector<16xf32>,
      %parallel_loop3A_879 = arith.constant 8 : i32
      %parallel_loop3A_880 = arith.divsi %parallel_loop3A_80, %parallel_loop3A_879 : i32
      %parallel_loop3A_881 = arith.constant 0 : i32
      %parallel_loop3A_882 = arith.cmpi sgt, %parallel_loop3A_80, %parallel_loop3A_881 : i32
      %parallel_loop3A_883 = arith.extui %parallel_loop3A_882 : i1 to i32
      %parallel_loop3A_884 = arith.constant 0 : i32
      %parallel_loop3A_885 = arith.cmpi slt, %parallel_loop3A_80, %parallel_loop3A_884 : i32
      %parallel_loop3A_886 = arith.extui %parallel_loop3A_885 : i1 to i32
      %parallel_loop3A_887 = arith.subi %parallel_loop3A_883, %parallel_loop3A_886 : i32
      %parallel_loop3A_888 = arith.constant 0 : i32
      %parallel_loop3A_889 = arith.cmpi sgt, %parallel_loop3A_879, %parallel_loop3A_888 : i32
      %parallel_loop3A_890 = arith.extui %parallel_loop3A_889 : i1 to i32
      %parallel_loop3A_891 = arith.constant 0 : i32
      %parallel_loop3A_892 = arith.cmpi slt, %parallel_loop3A_879, %parallel_loop3A_891 : i32
      %parallel_loop3A_893 = arith.extui %parallel_loop3A_892 : i1 to i32
      %parallel_loop3A_894 = arith.subi %parallel_loop3A_890, %parallel_loop3A_893 : i32
      %parallel_loop3A_895 = arith.cmpi ne, %parallel_loop3A_887, %parallel_loop3A_894 : i32
      %parallel_loop3A_896 = arith.remsi %parallel_loop3A_80, %parallel_loop3A_879 : i32
      %parallel_loop3A_897 = arith.constant 0 : i32
      %parallel_loop3A_898 = arith.cmpi ne, %parallel_loop3A_896, %parallel_loop3A_897 : i32
      %parallel_loop3A_899 = arith.andi %parallel_loop3A_895, %parallel_loop3A_898 : i1
      %parallel_loop3A_900 = arith.constant 1 : i32
      %parallel_loop3A_901 = arith.subi %parallel_loop3A_880, %parallel_loop3A_900 : i32
      %parallel_loop3A_902 = arith.select %parallel_loop3A_899, %parallel_loop3A_901, %parallel_loop3A_880 : i32
      %parallel_loop3A_903 = arith.constant 26 : i32
      %parallel_loop3A_904 = arith.index_cast %parallel_loop3A_903 : i32 to index
      %parallel_loop3A_905 = arith.index_cast %parallel_loop3A_902 : i32 to index
      %parallel_loop3A_906 = arith.index_cast %parallel_loop3A_124 : i32 to index
      %parallel_loop3A_907 = tpu.vector_load %arg6[%parallel_loop3A_904, %parallel_loop3A_905, %parallel_loop3A_906] {strides = array<i32>} : memref<29x8x128xf32, #tpu.memory_space<vmem>>, vector<16xf32>,
      %parallel_loop3A_908 = arith.constant 8 : i32
      %parallel_loop3A_909 = arith.divsi %parallel_loop3A_80, %parallel_loop3A_908 : i32
      %parallel_loop3A_910 = arith.constant 0 : i32
      %parallel_loop3A_911 = arith.cmpi sgt, %parallel_loop3A_80, %parallel_loop3A_910 : i32
      %parallel_loop3A_912 = arith.extui %parallel_loop3A_911 : i1 to i32
      %parallel_loop3A_913 = arith.constant 0 : i32
      %parallel_loop3A_914 = arith.cmpi slt, %parallel_loop3A_80, %parallel_loop3A_913 : i32
      %parallel_loop3A_915 = arith.extui %parallel_loop3A_914 : i1 to i32
      %parallel_loop3A_916 = arith.subi %parallel_loop3A_912, %parallel_loop3A_915 : i32
      %parallel_loop3A_917 = arith.constant 0 : i32
      %parallel_loop3A_918 = arith.cmpi sgt, %parallel_loop3A_908, %parallel_loop3A_917 : i32
      %parallel_loop3A_919 = arith.extui %parallel_loop3A_918 : i1 to i32
      %parallel_loop3A_920 = arith.constant 0 : i32
      %parallel_loop3A_921 = arith.cmpi slt, %parallel_loop3A_908, %parallel_loop3A_920 : i32
      %parallel_loop3A_922 = arith.extui %parallel_loop3A_921 : i1 to i32
      %parallel_loop3A_923 = arith.subi %parallel_loop3A_919, %parallel_loop3A_922 : i32
      %parallel_loop3A_924 = arith.cmpi ne, %parallel_loop3A_916, %parallel_loop3A_923 : i32
      %parallel_loop3A_925 = arith.remsi %parallel_loop3A_80, %parallel_loop3A_908 : i32
      %parallel_loop3A_926 = arith.constant 0 : i32
      %parallel_loop3A_927 = arith.cmpi ne, %parallel_loop3A_925, %parallel_loop3A_926 : i32
      %parallel_loop3A_928 = arith.andi %parallel_loop3A_924, %parallel_loop3A_927 : i1
      %parallel_loop3A_929 = arith.constant 1 : i32
      %parallel_loop3A_930 = arith.subi %parallel_loop3A_909, %parallel_loop3A_929 : i32
      %parallel_loop3A_931 = arith.select %parallel_loop3A_928, %parallel_loop3A_930, %parallel_loop3A_909 : i32
      %parallel_loop3A_932 = arith.constant 27 : i32
      %parallel_loop3A_933 = arith.index_cast %parallel_loop3A_932 : i32 to index
      %parallel_loop3A_934 = arith.index_cast %parallel_loop3A_931 : i32 to index
      %parallel_loop3A_935 = arith.index_cast %parallel_loop3A_124 : i32 to index
      %parallel_loop3A_936 = tpu.vector_load %arg6[%parallel_loop3A_933, %parallel_loop3A_934, %parallel_loop3A_935] {strides = array<i32>} : memref<29x8x128xf32, #tpu.memory_space<vmem>>, vector<16xf32>,
      %parallel_loop3A_937 = arith.constant 8 : i32
      %parallel_loop3A_938 = arith.divsi %parallel_loop3A_80, %parallel_loop3A_937 : i32
      %parallel_loop3A_939 = arith.constant 0 : i32
      %parallel_loop3A_940 = arith.cmpi sgt, %parallel_loop3A_80, %parallel_loop3A_939 : i32
      %parallel_loop3A_941 = arith.extui %parallel_loop3A_940 : i1 to i32
      %parallel_loop3A_942 = arith.constant 0 : i32
      %parallel_loop3A_943 = arith.cmpi slt, %parallel_loop3A_80, %parallel_loop3A_942 : i32
      %parallel_loop3A_944 = arith.extui %parallel_loop3A_943 : i1 to i32
      %parallel_loop3A_945 = arith.subi %parallel_loop3A_941, %parallel_loop3A_944 : i32
      %parallel_loop3A_946 = arith.constant 0 : i32
      %parallel_loop3A_947 = arith.cmpi sgt, %parallel_loop3A_937, %parallel_loop3A_946 : i32
      %parallel_loop3A_948 = arith.extui %parallel_loop3A_947 : i1 to i32
      %parallel_loop3A_949 = arith.constant 0 : i32
      %parallel_loop3A_950 = arith.cmpi slt, %parallel_loop3A_937, %parallel_loop3A_949 : i32
      %parallel_loop3A_951 = arith.extui %parallel_loop3A_950 : i1 to i32
      %parallel_loop3A_952 = arith.subi %parallel_loop3A_948, %parallel_loop3A_951 : i32
      %parallel_loop3A_953 = arith.cmpi ne, %parallel_loop3A_945, %parallel_loop3A_952 : i32
      %parallel_loop3A_954 = arith.remsi %parallel_loop3A_80, %parallel_loop3A_937 : i32
      %parallel_loop3A_955 = arith.constant 0 : i32
      %parallel_loop3A_956 = arith.cmpi ne, %parallel_loop3A_954, %parallel_loop3A_955 : i32
      %parallel_loop3A_957 = arith.andi %parallel_loop3A_953, %parallel_loop3A_956 : i1
      %parallel_loop3A_958 = arith.constant 1 : i32
      %parallel_loop3A_959 = arith.subi %parallel_loop3A_938, %parallel_loop3A_958 : i32
      %parallel_loop3A_960 = arith.select %parallel_loop3A_957, %parallel_loop3A_959, %parallel_loop3A_938 : i32
      %parallel_loop3A_961 = arith.constant 28 : i32
      %parallel_loop3A_962 = arith.index_cast %parallel_loop3A_961 : i32 to index
      %parallel_loop3A_963 = arith.index_cast %parallel_loop3A_960 : i32 to index
      %parallel_loop3A_964 = arith.index_cast %parallel_loop3A_124 : i32 to index
      %parallel_loop3A_965 = tpu.vector_load %arg6[%parallel_loop3A_962, %parallel_loop3A_963, %parallel_loop3A_964] {strides = array<i32>} : memref<29x8x128xf32, #tpu.memory_space<vmem>>, vector<16xf32>,
      %parallel_loop3A_966 = arith.cmpf ogt, %parallel_loop3A_182, %parallel_loop3A_153 : vector<16xf32>
      %parallel_loop3A_967 = arith.select %parallel_loop3A_966, %parallel_loop3A_182, %parallel_loop3A_153 : vector<16xi1>, vector<16xf32>
      %parallel_loop3A_968 = arith.constant 1 : i32
      %parallel_loop3A_969 = arith.constant 0 : i32
      %parallel_loop3A_970 = vector.broadcast %parallel_loop3A_968 : i32 to vector<16xi32>
      %parallel_loop3A_971 = vector.broadcast %parallel_loop3A_969 : i32 to vector<16xi32>
      %parallel_loop3A_972 = arith.select %parallel_loop3A_966, %parallel_loop3A_970, %parallel_loop3A_971 : vector<16xi1>, vector<16xi32>
      %parallel_loop3A_973 = arith.cmpf ogt, %parallel_loop3A_240, %parallel_loop3A_211 : vector<16xf32>
      %parallel_loop3A_974 = arith.select %parallel_loop3A_973, %parallel_loop3A_240, %parallel_loop3A_211 : vector<16xi1>, vector<16xf32>
      %parallel_loop3A_975 = arith.constant 3 : i32
      %parallel_loop3A_976 = arith.constant 2 : i32
      %parallel_loop3A_977 = vector.broadcast %parallel_loop3A_975 : i32 to vector<16xi32>
      %parallel_loop3A_978 = vector.broadcast %parallel_loop3A_976 : i32 to vector<16xi32>
      %parallel_loop3A_979 = arith.select %parallel_loop3A_973, %parallel_loop3A_977, %parallel_loop3A_978 : vector<16xi1>, vector<16xi32>
      %parallel_loop3A_980 = arith.cmpf ogt, %parallel_loop3A_298, %parallel_loop3A_269 : vector<16xf32>
      %parallel_loop3A_981 = arith.select %parallel_loop3A_980, %parallel_loop3A_298, %parallel_loop3A_269 : vector<16xi1>, vector<16xf32>
      %parallel_loop3A_982 = arith.constant 5 : i32
      %parallel_loop3A_983 = arith.constant 4 : i32
      %parallel_loop3A_984 = vector.broadcast %parallel_loop3A_982 : i32 to vector<16xi32>
      %parallel_loop3A_985 = vector.broadcast %parallel_loop3A_983 : i32 to vector<16xi32>
      %parallel_loop3A_986 = arith.select %parallel_loop3A_980, %parallel_loop3A_984, %parallel_loop3A_985 : vector<16xi1>, vector<16xi32>
      %parallel_loop3A_987 = arith.cmpf ogt, %parallel_loop3A_356, %parallel_loop3A_327 : vector<16xf32>
      %parallel_loop3A_988 = arith.select %parallel_loop3A_987, %parallel_loop3A_356, %parallel_loop3A_327 : vector<16xi1>, vector<16xf32>
      %parallel_loop3A_989 = arith.constant 7 : i32
      %parallel_loop3A_990 = arith.constant 6 : i32
      %parallel_loop3A_991 = vector.broadcast %parallel_loop3A_989 : i32 to vector<16xi32>
      %parallel_loop3A_992 = vector.broadcast %parallel_loop3A_990 : i32 to vector<16xi32>
      %parallel_loop3A_993 = arith.select %parallel_loop3A_987, %parallel_loop3A_991, %parallel_loop3A_992 : vector<16xi1>, vector<16xi32>
      %parallel_loop3A_994 = arith.cmpf ogt, %parallel_loop3A_414, %parallel_loop3A_385 : vector<16xf32>
      %parallel_loop3A_995 = arith.select %parallel_loop3A_994, %parallel_loop3A_414, %parallel_loop3A_385 : vector<16xi1>, vector<16xf32>
      %parallel_loop3A_996 = arith.constant 9 : i32
      %parallel_loop3A_997 = arith.constant 8 : i32
      %parallel_loop3A_998 = vector.broadcast %parallel_loop3A_996 : i32 to vector<16xi32>
      %parallel_loop3A_999 = vector.broadcast %parallel_loop3A_997 : i32 to vector<16xi32>
      %parallel_loop3A_1000 = arith.select %parallel_loop3A_994, %parallel_loop3A_998, %parallel_loop3A_999 : vector<16xi1>, vector<16xi32>
      %parallel_loop3A_1001 = arith.cmpf ogt, %parallel_loop3A_472, %parallel_loop3A_443 : vector<16xf32>
      %parallel_loop3A_1002 = arith.select %parallel_loop3A_1001, %parallel_loop3A_472, %parallel_loop3A_443 : vector<16xi1>, vector<16xf32>
      %parallel_loop3A_1003 = arith.constant 11 : i32
      %parallel_loop3A_1004 = arith.constant 10 : i32
      %parallel_loop3A_1005 = vector.broadcast %parallel_loop3A_1003 : i32 to vector<16xi32>
      %parallel_loop3A_1006 = vector.broadcast %parallel_loop3A_1004 : i32 to vector<16xi32>
      %parallel_loop3A_1007 = arith.select %parallel_loop3A_1001, %parallel_loop3A_1005, %parallel_loop3A_1006 : vector<16xi1>, vector<16xi32>
      %parallel_loop3A_1008 = arith.cmpf ogt, %parallel_loop3A_530, %parallel_loop3A_501 : vector<16xf32>
      %parallel_loop3A_1009 = arith.select %parallel_loop3A_1008, %parallel_loop3A_530, %parallel_loop3A_501 : vector<16xi1>, vector<16xf32>
      %parallel_loop3A_1010 = arith.constant 13 : i32
      %parallel_loop3A_1011 = arith.constant 12 : i32
      %parallel_loop3A_1012 = vector.broadcast %parallel_loop3A_1010 : i32 to vector<16xi32>
      %parallel_loop3A_1013 = vector.broadcast %parallel_loop3A_1011 : i32 to vector<16xi32>
      %parallel_loop3A_1014 = arith.select %parallel_loop3A_1008, %parallel_loop3A_1012, %parallel_loop3A_1013 : vector<16xi1>, vector<16xi32>
      %parallel_loop3A_1015 = arith.cmpf ogt, %parallel_loop3A_588, %parallel_loop3A_559 : vector<16xf32>
      %parallel_loop3A_1016 = arith.select %parallel_loop3A_1015, %parallel_loop3A_588, %parallel_loop3A_559 : vector<16xi1>, vector<16xf32>
      %parallel_loop3A_1017 = arith.constant 15 : i32
      %parallel_loop3A_1018 = arith.constant 14 : i32
      %parallel_loop3A_1019 = vector.broadcast %parallel_loop3A_1017 : i32 to vector<16xi32>
      %parallel_loop3A_1020 = vector.broadcast %parallel_loop3A_1018 : i32 to vector<16xi32>
      %parallel_loop3A_1021 = arith.select %parallel_loop3A_1015, %parallel_loop3A_1019, %parallel_loop3A_1020 : vector<16xi1>, vector<16xi32>
      %parallel_loop3A_1022 = arith.cmpf ogt, %parallel_loop3A_646, %parallel_loop3A_617 : vector<16xf32>
      %parallel_loop3A_1023 = arith.select %parallel_loop3A_1022, %parallel_loop3A_646, %parallel_loop3A_617 : vector<16xi1>, vector<16xf32>
      %parallel_loop3A_1024 = arith.constant 17 : i32
      %parallel_loop3A_1025 = arith.constant 16 : i32
      %parallel_loop3A_1026 = vector.broadcast %parallel_loop3A_1024 : i32 to vector<16xi32>
      %parallel_loop3A_1027 = vector.broadcast %parallel_loop3A_1025 : i32 to vector<16xi32>
      %parallel_loop3A_1028 = arith.select %parallel_loop3A_1022, %parallel_loop3A_1026, %parallel_loop3A_1027 : vector<16xi1>, vector<16xi32>
      %parallel_loop3A_1029 = arith.cmpf ogt, %parallel_loop3A_704, %parallel_loop3A_675 : vector<16xf32>
      %parallel_loop3A_1030 = arith.select %parallel_loop3A_1029, %parallel_loop3A_704, %parallel_loop3A_675 : vector<16xi1>, vector<16xf32>
      %parallel_loop3A_1031 = arith.constant 19 : i32
      %parallel_loop3A_1032 = arith.constant 18 : i32
      %parallel_loop3A_1033 = vector.broadcast %parallel_loop3A_1031 : i32 to vector<16xi32>
      %parallel_loop3A_1034 = vector.broadcast %parallel_loop3A_1032 : i32 to vector<16xi32>
      %parallel_loop3A_1035 = arith.select %parallel_loop3A_1029, %parallel_loop3A_1033, %parallel_loop3A_1034 : vector<16xi1>, vector<16xi32>
      %parallel_loop3A_1036 = arith.cmpf ogt, %parallel_loop3A_762, %parallel_loop3A_733 : vector<16xf32>
      %parallel_loop3A_1037 = arith.select %parallel_loop3A_1036, %parallel_loop3A_762, %parallel_loop3A_733 : vector<16xi1>, vector<16xf32>
      %parallel_loop3A_1038 = arith.constant 21 : i32
      %parallel_loop3A_1039 = arith.constant 20 : i32
      %parallel_loop3A_1040 = vector.broadcast %parallel_loop3A_1038 : i32 to vector<16xi32>
      %parallel_loop3A_1041 = vector.broadcast %parallel_loop3A_1039 : i32 to vector<16xi32>
      %parallel_loop3A_1042 = arith.select %parallel_loop3A_1036, %parallel_loop3A_1040, %parallel_loop3A_1041 : vector<16xi1>, vector<16xi32>
      %parallel_loop3A_1043 = arith.cmpf ogt, %parallel_loop3A_820, %parallel_loop3A_791 : vector<16xf32>
      %parallel_loop3A_1044 = arith.select %parallel_loop3A_1043, %parallel_loop3A_820, %parallel_loop3A_791 : vector<16xi1>, vector<16xf32>
      %parallel_loop3A_1045 = arith.constant 23 : i32
      %parallel_loop3A_1046 = arith.constant 22 : i32
      %parallel_loop3A_1047 = vector.broadcast %parallel_loop3A_1045 : i32 to vector<16xi32>
      %parallel_loop3A_1048 = vector.broadcast %parallel_loop3A_1046 : i32 to vector<16xi32>
      %parallel_loop3A_1049 = arith.select %parallel_loop3A_1043, %parallel_loop3A_1047, %parallel_loop3A_1048 : vector<16xi1>, vector<16xi32>
      %parallel_loop3A_1050 = arith.cmpf ogt, %parallel_loop3A_878, %parallel_loop3A_849 : vector<16xf32>
      %parallel_loop3A_1051 = arith.select %parallel_loop3A_1050, %parallel_loop3A_878, %parallel_loop3A_849 : vector<16xi1>, vector<16xf32>
      %parallel_loop3A_1052 = arith.constant 25 : i32
      %parallel_loop3A_1053 = arith.constant 24 : i32
      %parallel_loop3A_1054 = vector.broadcast %parallel_loop3A_1052 : i32 to vector<16xi32>
      %parallel_loop3A_1055 = vector.broadcast %parallel_loop3A_1053 : i32 to vector<16xi32>
      %parallel_loop3A_1056 = arith.select %parallel_loop3A_1050, %parallel_loop3A_1054, %parallel_loop3A_1055 : vector<16xi1>, vector<16xi32>
      %parallel_loop3A_1057 = arith.cmpf ogt, %parallel_loop3A_936, %parallel_loop3A_907 : vector<16xf32>
      %parallel_loop3A_1058 = arith.select %parallel_loop3A_1057, %parallel_loop3A_936, %parallel_loop3A_907 : vector<16xi1>, vector<16xf32>
      %parallel_loop3A_1059 = arith.constant 27 : i32
      %parallel_loop3A_1060 = arith.constant 26 : i32
      %parallel_loop3A_1061 = vector.broadcast %parallel_loop3A_1059 : i32 to vector<16xi32>
      %parallel_loop3A_1062 = vector.broadcast %parallel_loop3A_1060 : i32 to vector<16xi32>
      %parallel_loop3A_1063 = arith.select %parallel_loop3A_1057, %parallel_loop3A_1061, %parallel_loop3A_1062 : vector<16xi1>, vector<16xi32>
      %parallel_loop3A_1064 = arith.constant 28 : i32
      %parallel_loop3A_1065 = vector.broadcast %parallel_loop3A_1064 : i32 to vector<16xi32>
      %parallel_loop3A_1066 = arith.cmpf ogt, %parallel_loop3A_974, %parallel_loop3A_967 : vector<16xf32>
      %parallel_loop3A_1067 = arith.select %parallel_loop3A_1066, %parallel_loop3A_974, %parallel_loop3A_967 : vector<16xi1>, vector<16xf32>
      %parallel_loop3A_1068 = arith.select %parallel_loop3A_1066, %parallel_loop3A_979, %parallel_loop3A_972 : vector<16xi1>, vector<16xi32>
      %parallel_loop3A_1069 = arith.cmpf ogt, %parallel_loop3A_988, %parallel_loop3A_981 : vector<16xf32>
      %parallel_loop3A_1070 = arith.select %parallel_loop3A_1069, %parallel_loop3A_988, %parallel_loop3A_981 : vector<16xi1>, vector<16xf32>
      %parallel_loop3A_1071 = arith.select %parallel_loop3A_1069, %parallel_loop3A_993, %parallel_loop3A_986 : vector<16xi1>, vector<16xi32>
      %parallel_loop3A_1072 = arith.cmpf ogt, %parallel_loop3A_1002, %parallel_loop3A_995 : vector<16xf32>
      %parallel_loop3A_1073 = arith.select %parallel_loop3A_1072, %parallel_loop3A_1002, %parallel_loop3A_995 : vector<16xi1>, vector<16xf32>
      %parallel_loop3A_1074 = arith.select %parallel_loop3A_1072, %parallel_loop3A_1007, %parallel_loop3A_1000 : vector<16xi1>, vector<16xi32>
      %parallel_loop3A_1075 = arith.cmpf ogt, %parallel_loop3A_1016, %parallel_loop3A_1009 : vector<16xf32>
      %parallel_loop3A_1076 = arith.select %parallel_loop3A_1075, %parallel_loop3A_1016, %parallel_loop3A_1009 : vector<16xi1>, vector<16xf32>
      %parallel_loop3A_1077 = arith.select %parallel_loop3A_1075, %parallel_loop3A_1021, %parallel_loop3A_1014 : vector<16xi1>, vector<16xi32>
      %parallel_loop3A_1078 = arith.cmpf ogt, %parallel_loop3A_1030, %parallel_loop3A_1023 : vector<16xf32>
      %parallel_loop3A_1079 = arith.select %parallel_loop3A_1078, %parallel_loop3A_1030, %parallel_loop3A_1023 : vector<16xi1>, vector<16xf32>
      %parallel_loop3A_1080 = arith.select %parallel_loop3A_1078, %parallel_loop3A_1035, %parallel_loop3A_1028 : vector<16xi1>, vector<16xi32>
      %parallel_loop3A_1081 = arith.cmpf ogt, %parallel_loop3A_1044, %parallel_loop3A_1037 : vector<16xf32>
      %parallel_loop3A_1082 = arith.select %parallel_loop3A_1081, %parallel_loop3A_1044, %parallel_loop3A_1037 : vector<16xi1>, vector<16xf32>
      %parallel_loop3A_1083 = arith.select %parallel_loop3A_1081, %parallel_loop3A_1049, %parallel_loop3A_1042 : vector<16xi1>, vector<16xi32>
      %parallel_loop3A_1084 = arith.cmpf ogt, %parallel_loop3A_1058, %parallel_loop3A_1051 : vector<16xf32>
      %parallel_loop3A_1085 = arith.select %parallel_loop3A_1084, %parallel_loop3A_1058, %parallel_loop3A_1051 : vector<16xi1>, vector<16xf32>
      %parallel_loop3A_1086 = arith.select %parallel_loop3A_1084, %parallel_loop3A_1063, %parallel_loop3A_1056 : vector<16xi1>, vector<16xi32>
      %parallel_loop3A_1087 = arith.cmpf ogt, %parallel_loop3A_1070, %parallel_loop3A_1067 : vector<16xf32>
      %parallel_loop3A_1088 = arith.select %parallel_loop3A_1087, %parallel_loop3A_1070, %parallel_loop3A_1067 : vector<16xi1>, vector<16xf32>
      %parallel_loop3A_1089 = arith.select %parallel_loop3A_1087, %parallel_loop3A_1071, %parallel_loop3A_1068 : vector<16xi1>, vector<16xi32>
      %parallel_loop3A_1090 = arith.cmpf ogt, %parallel_loop3A_1076, %parallel_loop3A_1073 : vector<16xf32>
      %parallel_loop3A_1091 = arith.select %parallel_loop3A_1090, %parallel_loop3A_1076, %parallel_loop3A_1073 : vector<16xi1>, vector<16xf32>
      %parallel_loop3A_1092 = arith.select %parallel_loop3A_1090, %parallel_loop3A_1077, %parallel_loop3A_1074 : vector<16xi1>, vector<16xi32>
      %parallel_loop3A_1093 = arith.cmpf ogt, %parallel_loop3A_1082, %parallel_loop3A_1079 : vector<16xf32>
      %parallel_loop3A_1094 = arith.select %parallel_loop3A_1093, %parallel_loop3A_1082, %parallel_loop3A_1079 : vector<16xi1>, vector<16xf32>
      %parallel_loop3A_1095 = arith.select %parallel_loop3A_1093, %parallel_loop3A_1083, %parallel_loop3A_1080 : vector<16xi1>, vector<16xi32>
      %parallel_loop3A_1096 = arith.cmpf ogt, %parallel_loop3A_965, %parallel_loop3A_1085 : vector<16xf32>
      %parallel_loop3A_1097 = arith.select %parallel_loop3A_1096, %parallel_loop3A_965, %parallel_loop3A_1085 : vector<16xi1>, vector<16xf32>
      %parallel_loop3A_1098 = arith.select %parallel_loop3A_1096, %parallel_loop3A_1065, %parallel_loop3A_1086 : vector<16xi1>, vector<16xi32>
      %parallel_loop3A_1099 = arith.cmpf ogt, %parallel_loop3A_1091, %parallel_loop3A_1088 : vector<16xf32>
      %parallel_loop3A_1100 = arith.select %parallel_loop3A_1099, %parallel_loop3A_1091, %parallel_loop3A_1088 : vector<16xi1>, vector<16xf32>
      %parallel_loop3A_1101 = arith.select %parallel_loop3A_1099, %parallel_loop3A_1092, %parallel_loop3A_1089 : vector<16xi1>, vector<16xi32>
      %parallel_loop3A_1102 = arith.cmpf ogt, %parallel_loop3A_1097, %parallel_loop3A_1094 : vector<16xf32>
      %parallel_loop3A_1103 = arith.select %parallel_loop3A_1102, %parallel_loop3A_1097, %parallel_loop3A_1094 : vector<16xi1>, vector<16xf32>
      %parallel_loop3A_1104 = arith.select %parallel_loop3A_1102, %parallel_loop3A_1098, %parallel_loop3A_1095 : vector<16xi1>, vector<16xi32>
      %parallel_loop3A_1105 = arith.cmpf ogt, %parallel_loop3A_1103, %parallel_loop3A_1100 : vector<16xf32>
      %parallel_loop3A_1106 = arith.select %parallel_loop3A_1105, %parallel_loop3A_1103, %parallel_loop3A_1100 : vector<16xi1>, vector<16xf32>
      %parallel_loop3A_1107 = arith.select %parallel_loop3A_1105, %parallel_loop3A_1104, %parallel_loop3A_1101 : vector<16xi1>, vector<16xi32>
      %parallel_loop3A_1108 = arith.index_cast %parallel_loop3A_106 : i32 to index
      %parallel_loop3A_1109 = arith.index_cast %parallel_loop3A_124 : i32 to index
      %parallel_loop3A_1110 = tpu.vector_load %arg8[%parallel_loop3A_1108, %parallel_loop3A_1109] {strides = array<i32>} : memref<16x128xi32, #tpu.memory_space<vmem>>, vector<16xi32>,
      tpu.vector_store %arg8[%parallel_loop3A_1108, %parallel_loop3A_1109], %parallel_loop3A_1107 {strides = array<i32>} : memref<16x128xi32, #tpu.memory_space<vmem>>, vector<16xi32>,
      %parallel_loop3A_1111 = math.exp %parallel_loop3A_1106 : vector<16xf32>
      %parallel_loop3A_1112 = arith.index_cast %parallel_loop3A_106 : i32 to index
      %parallel_loop3A_1113 = arith.index_cast %parallel_loop3A_124 : i32 to index
      %parallel_loop3A_1114 = tpu.vector_load %arg10[%parallel_loop3A_1112, %parallel_loop3A_1113] {strides = array<i32>} : memref<16x128xf32, #tpu.memory_space<vmem>>, vector<16xf32>,
      tpu.vector_store %arg10[%parallel_loop3A_1112, %parallel_loop3A_1113], %parallel_loop3A_1111 {strides = array<i32>} : memref<16x128xf32, #tpu.memory_space<vmem>>, vector<16xf32>,
    } {sc.loop_unroll_factor = 1 : i64, sc.parallel_access}
    %parallel_loop3A_61 = arith.constant 0 : i32
    %parallel_loop3A_62 = arith.constant 64 : i32
    %parallel_loop3A_63 = arith.constant 1 : i32
    scf.for %parallel_loop3A_80 = %parallel_loop3A_61 to %parallel_loop3A_62 step %parallel_loop3A_63  : i32 {
      %parallel_loop3A_81 = arith.constant 8 : i32
      %parallel_loop3A_82 = arith.divsi %parallel_loop3A_80, %parallel_loop3A_81 : i32
      %parallel_loop3A_83 = arith.constant 0 : i32
      %parallel_loop3A_84 = arith.cmpi sgt, %parallel_loop3A_80, %parallel_loop3A_83 : i32
      %parallel_loop3A_85 = arith.extui %parallel_loop3A_84 : i1 to i32
      %parallel_loop3A_86 = arith.constant 0 : i32
      %parallel_loop3A_87 = arith.cmpi slt, %parallel_loop3A_80, %parallel_loop3A_86 : i32
      %parallel_loop3A_88 = arith.extui %parallel_loop3A_87 : i1 to i32
      %parallel_loop3A_89 = arith.subi %parallel_loop3A_85, %parallel_loop3A_88 : i32
      %parallel_loop3A_90 = arith.constant 0 : i32
      %parallel_loop3A_91 = arith.cmpi sgt, %parallel_loop3A_81, %parallel_loop3A_90 : i32
      %parallel_loop3A_92 = arith.extui %parallel_loop3A_91 : i1 to i32
      %parallel_loop3A_93 = arith.constant 0 : i32
      %parallel_loop3A_94 = arith.cmpi slt, %parallel_loop3A_81, %parallel_loop3A_93 : i32
      %parallel_loop3A_95 = arith.extui %parallel_loop3A_94 : i1 to i32
      %parallel_loop3A_96 = arith.subi %parallel_loop3A_92, %parallel_loop3A_95 : i32
      %parallel_loop3A_97 = arith.cmpi ne, %parallel_loop3A_89, %parallel_loop3A_96 : i32
      %parallel_loop3A_98 = arith.remsi %parallel_loop3A_80, %parallel_loop3A_81 : i32
      %parallel_loop3A_99 = arith.constant 0 : i32
      %parallel_loop3A_100 = arith.cmpi ne, %parallel_loop3A_98, %parallel_loop3A_99 : i32
      %parallel_loop3A_101 = arith.andi %parallel_loop3A_97, %parallel_loop3A_100 : i1
      %parallel_loop3A_102 = arith.constant 1 : i32
      %parallel_loop3A_103 = arith.subi %parallel_loop3A_82, %parallel_loop3A_102 : i32
      %parallel_loop3A_104 = arith.select %parallel_loop3A_101, %parallel_loop3A_103, %parallel_loop3A_82 : i32
      %parallel_loop3A_105 = arith.constant 0 : i32
      %parallel_loop3A_106 = arith.addi %parallel_loop3A_105, %parallel_loop3A_104 : i32
      %parallel_loop3A_107 = arith.constant 8 : i32
      %parallel_loop3A_108 = arith.constant 0 : i32
      %parallel_loop3A_109 = arith.cmpi eq, %parallel_loop3A_107, %parallel_loop3A_108 : i32
      %parallel_loop3A_110 = arith.constant 1 : i32
      %parallel_loop3A_111 = arith.select %parallel_loop3A_109, %parallel_loop3A_110, %parallel_loop3A_107 : i32
      %parallel_loop3A_112 = arith.remsi %parallel_loop3A_80, %parallel_loop3A_111 : i32
      %parallel_loop3A_113 = arith.constant 0 : i32
      %parallel_loop3A_114 = arith.cmpi ne, %parallel_loop3A_112, %parallel_loop3A_113 : i32
      %parallel_loop3A_115 = arith.constant 0 : i32
      %parallel_loop3A_116 = arith.cmpi slt, %parallel_loop3A_112, %parallel_loop3A_115 : i32
      %parallel_loop3A_117 = arith.constant 0 : i32
      %parallel_loop3A_118 = arith.cmpi slt, %parallel_loop3A_111, %parallel_loop3A_117 : i32
      %parallel_loop3A_119 = arith.xori %parallel_loop3A_116, %parallel_loop3A_118 : i1
      %parallel_loop3A_120 = arith.andi %parallel_loop3A_119, %parallel_loop3A_114 : i1
      %parallel_loop3A_121 = arith.addi %parallel_loop3A_112, %parallel_loop3A_111 : i32
      %parallel_loop3A_122 = arith.select %parallel_loop3A_120, %parallel_loop3A_121, %parallel_loop3A_112 : i32
      %parallel_loop3A_123 = arith.constant 16 : i32
      %parallel_loop3A_124 = arith.muli %parallel_loop3A_122, %parallel_loop3A_123 : i32
      %parallel_loop3A_125 = arith.index_cast %parallel_loop3A_106 : i32 to index
      %parallel_loop3A_126 = arith.index_cast %parallel_loop3A_124 : i32 to index
      %parallel_loop3A_127 = tpu.vector_load %arg8[%parallel_loop3A_125, %parallel_loop3A_126] {strides = array<i32>} : memref<16x128xi32, #tpu.memory_space<vmem>>, vector<16xi32>,
      %parallel_loop3A_128 = arith.constant 128 : i32
      %parallel_loop3A_129 = arith.muli %parallel_loop3A_106, %parallel_loop3A_128 : i32
      %parallel_loop3A_130 = arith.addi %parallel_loop3A_129, %parallel_loop3A_124 : i32
      %parallel_loop3A_131 = vector.broadcast %parallel_loop3A_130 : i32 to vector<16xi32>
      %parallel_loop3A_132 = arith.addi %parallel_loop3A_131, %iota3A : vector<16xi32>
      %parallel_loop3A_133 = arith.constant 1 : i32
      %parallel_loop3A_134 = vector.broadcast %parallel_loop3A_133 : i32 to vector<16xi32>
      %parallel_loop3A_135 = arith.subi %parallel_loop3A_132, %parallel_loop3A_134 : vector<16xi32>
      %parallel_loop3A_136 = arith.constant 0 : i32
      %parallel_loop3A_137 = vector.broadcast %parallel_loop3A_136 : i32 to vector<16xi32>
      %parallel_loop3A_138 = arith.maxsi %parallel_loop3A_135, %parallel_loop3A_137 : vector<16xi32>
      %parallel_loop3A_139 = arith.constant 7 : i32
      %parallel_loop3A_140 = vector.broadcast %parallel_loop3A_139 : i32 to vector<16xi32>
      %parallel_loop3A_141 = arith.shrui %parallel_loop3A_138, %parallel_loop3A_140 : vector<16xi32>
      %parallel_loop3A_142 = arith.constant 127 : i32
      %parallel_loop3A_143 = vector.broadcast %parallel_loop3A_142 : i32 to vector<16xi32>
      %parallel_loop3A_144 = arith.andi %parallel_loop3A_138, %parallel_loop3A_143 : vector<16xi32>
      %parallel_loop3A_145 = tpu.vector_load_idx %arg8[%parallel_loop3A_141, %parallel_loop3A_144] : memref<16x128xi32, #tpu.memory_space<vmem>>[vector<16xi32>, vector<16xi32>], vector<16xi32>,
      %parallel_loop3A_146 = arith.constant 0 : i32
      %parallel_loop3A_147 = vector.broadcast %parallel_loop3A_146 : i32 to vector<16xi32>
      %parallel_loop3A_148 = arith.cmpi ne, %parallel_loop3A_127, %parallel_loop3A_147 : vector<16xi32>
      %parallel_loop3A_149 = arith.cmpi ne, %parallel_loop3A_127, %parallel_loop3A_145 : vector<16xi32>
      %parallel_loop3A_150 = arith.constant 0 : i32
      %parallel_loop3A_151 = vector.broadcast %parallel_loop3A_150 : i32 to vector<16xi32>
      %parallel_loop3A_152 = arith.cmpi eq, %parallel_loop3A_132, %parallel_loop3A_151 : vector<16xi32>
      %parallel_loop3A_153 = arith.ori %parallel_loop3A_149, %parallel_loop3A_152 : vector<16xi1>
      %parallel_loop3A_154 = arith.andi %parallel_loop3A_148, %parallel_loop3A_153 : vector<16xi1>
      %parallel_loop3A_155 = arith.extui %parallel_loop3A_154 : vector<16xi1> to vector<16xi32>
      %parallel_loop3A_156 = arith.index_cast %parallel_loop3A_106 : i32 to index
      %parallel_loop3A_157 = arith.index_cast %parallel_loop3A_124 : i32 to index
      %parallel_loop3A_158 = tpu.vector_load %arg9[%parallel_loop3A_156, %parallel_loop3A_157] {strides = array<i32>} : memref<16x128xi32, #tpu.memory_space<vmem>>, vector<16xi32>,
      tpu.vector_store %arg9[%parallel_loop3A_156, %parallel_loop3A_157], %parallel_loop3A_155 {strides = array<i32>} : memref<16x128xi32, #tpu.memory_space<vmem>>, vector<16xi32>,
    } {sc.loop_unroll_factor = 1 : i64, sc.parallel_access}
    %dma_wait3A_64 = arith.constant 0 : i32
    %dma_wait3A_65 = arith.constant 8 : i32
    %dma_wait3A_66 = arith.constant 0 : i32
    %dma_wait3A_67 = tpu.memref_slice %arg2[%dma_wait3A_64, %select_n3A, %dma_wait3A_65, %select_n3A_30, %dma_wait3A_66] : memref<29x16x16x8x128xf32, #tpu.memory_space<hbm>> -> memref<29x1x8x1x128xf32, #tpu.memory_space<hbm>>
    %dma_wait3A_68 = tpu.memref_squeeze %dma_wait3A_67 : memref<29x1x8x1x128xf32, #tpu.memory_space<hbm>> -> memref<29x8x128xf32, #tpu.memory_space<hbm>>
    %dma_wait3A_69 = arith.constant 0 : i32
    %dma_wait3A_70 = arith.constant 8 : i32
    %dma_wait3A_71 = arith.constant 0 : i32
    %dma_wait3A_72 = tpu.memref_slice %arg2[%dma_wait3A_69, %select_n3A, %dma_wait3A_70, %select_n3A_30, %dma_wait3A_71] : memref<29x16x16x8x128xf32, #tpu.memory_space<hbm>> -> memref<29x1x8x1x128xf32, #tpu.memory_space<hbm>>
    %dma_wait3A_73 = tpu.memref_squeeze %dma_wait3A_72 : memref<29x1x8x1x128xf32, #tpu.memory_space<hbm>> -> memref<29x8x128xf32, #tpu.memory_space<hbm>>
    tpu.wait_dma2 semaphore(%arg12 : memref<!tpu.dma_semaphore, #tpu.memory_space<semaphore_mem>>) src(%dma_wait3A_73 : memref<29x8x128xf32, #tpu.memory_space<hbm>>) dst(%arg7 : memref<29x8x128xf32, #tpu.memory_space<vmem>>)
    %parallel_loop3A_74 = arith.constant 0 : i32
    %parallel_loop3A_75 = arith.constant 64 : i32
    %parallel_loop3A_76 = arith.constant 1 : i32
    scf.for %parallel_loop3A_80 = %parallel_loop3A_74 to %parallel_loop3A_75 step %parallel_loop3A_76  : i32 {
      %parallel_loop3A_81 = arith.constant 8 : i32
      %parallel_loop3A_82 = arith.divsi %parallel_loop3A_80, %parallel_loop3A_81 : i32
      %parallel_loop3A_83 = arith.constant 0 : i32
      %parallel_loop3A_84 = arith.cmpi sgt, %parallel_loop3A_80, %parallel_loop3A_83 : i32
      %parallel_loop3A_85 = arith.extui %parallel_loop3A_84 : i1 to i32
      %parallel_loop3A_86 = arith.constant 0 : i32
      %parallel_loop3A_87 = arith.cmpi slt, %parallel_loop3A_80, %parallel_loop3A_86 : i32
      %parallel_loop3A_88 = arith.extui %parallel_loop3A_87 : i1 to i32
      %parallel_loop3A_89 = arith.subi %parallel_loop3A_85, %parallel_loop3A_88 : i32
      %parallel_loop3A_90 = arith.constant 0 : i32
      %parallel_loop3A_91 = arith.cmpi sgt, %parallel_loop3A_81, %parallel_loop3A_90 : i32
      %parallel_loop3A_92 = arith.extui %parallel_loop3A_91 : i1 to i32
      %parallel_loop3A_93 = arith.constant 0 : i32
      %parallel_loop3A_94 = arith.cmpi slt, %parallel_loop3A_81, %parallel_loop3A_93 : i32
      %parallel_loop3A_95 = arith.extui %parallel_loop3A_94 : i1 to i32
      %parallel_loop3A_96 = arith.subi %parallel_loop3A_92, %parallel_loop3A_95 : i32
      %parallel_loop3A_97 = arith.cmpi ne, %parallel_loop3A_89, %parallel_loop3A_96 : i32
      %parallel_loop3A_98 = arith.remsi %parallel_loop3A_80, %parallel_loop3A_81 : i32
      %parallel_loop3A_99 = arith.constant 0 : i32
      %parallel_loop3A_100 = arith.cmpi ne, %parallel_loop3A_98, %parallel_loop3A_99 : i32
      %parallel_loop3A_101 = arith.andi %parallel_loop3A_97, %parallel_loop3A_100 : i1
      %parallel_loop3A_102 = arith.constant 1 : i32
      %parallel_loop3A_103 = arith.subi %parallel_loop3A_82, %parallel_loop3A_102 : i32
      %parallel_loop3A_104 = arith.select %parallel_loop3A_101, %parallel_loop3A_103, %parallel_loop3A_82 : i32
      %parallel_loop3A_105 = arith.constant 8 : i32
      %parallel_loop3A_106 = arith.addi %parallel_loop3A_105, %parallel_loop3A_104 : i32
      %parallel_loop3A_107 = arith.constant 8 : i32
      %parallel_loop3A_108 = arith.constant 0 : i32
      %parallel_loop3A_109 = arith.cmpi eq, %parallel_loop3A_107, %parallel_loop3A_108 : i32
      %parallel_loop3A_110 = arith.constant 1 : i32
      %parallel_loop3A_111 = arith.select %parallel_loop3A_109, %parallel_loop3A_110, %parallel_loop3A_107 : i32
      %parallel_loop3A_112 = arith.remsi %parallel_loop3A_80, %parallel_loop3A_111 : i32
      %parallel_loop3A_113 = arith.constant 0 : i32
      %parallel_loop3A_114 = arith.cmpi ne, %parallel_loop3A_112, %parallel_loop3A_113 : i32
      %parallel_loop3A_115 = arith.constant 0 : i32
      %parallel_loop3A_116 = arith.cmpi slt, %parallel_loop3A_112, %parallel_loop3A_115 : i32
      %parallel_loop3A_117 = arith.constant 0 : i32
      %parallel_loop3A_118 = arith.cmpi slt, %parallel_loop3A_111, %parallel_loop3A_117 : i32
      %parallel_loop3A_119 = arith.xori %parallel_loop3A_116, %parallel_loop3A_118 : i1
      %parallel_loop3A_120 = arith.andi %parallel_loop3A_119, %parallel_loop3A_114 : i1
      %parallel_loop3A_121 = arith.addi %parallel_loop3A_112, %parallel_loop3A_111 : i32
      %parallel_loop3A_122 = arith.select %parallel_loop3A_120, %parallel_loop3A_121, %parallel_loop3A_112 : i32
      %parallel_loop3A_123 = arith.constant 16 : i32
      %parallel_loop3A_124 = arith.muli %parallel_loop3A_122, %parallel_loop3A_123 : i32
      %parallel_loop3A_125 = arith.constant 8 : i32
      %parallel_loop3A_126 = arith.divsi %parallel_loop3A_80, %parallel_loop3A_125 : i32
      %parallel_loop3A_127 = arith.constant 0 : i32
      %parallel_loop3A_128 = arith.cmpi sgt, %parallel_loop3A_80, %parallel_loop3A_127 : i32
      %parallel_loop3A_129 = arith.extui %parallel_loop3A_128 : i1 to i32
      %parallel_loop3A_130 = arith.constant 0 : i32
      %parallel_loop3A_131 = arith.cmpi slt, %parallel_loop3A_80, %parallel_loop3A_130 : i32
      %parallel_loop3A_132 = arith.extui %parallel_loop3A_131 : i1 to i32
      %parallel_loop3A_133 = arith.subi %parallel_loop3A_129, %parallel_loop3A_132 : i32
      %parallel_loop3A_134 = arith.constant 0 : i32
      %parallel_loop3A_135 = arith.cmpi sgt, %parallel_loop3A_125, %parallel_loop3A_134 : i32
      %parallel_loop3A_136 = arith.extui %parallel_loop3A_135 : i1 to i32
      %parallel_loop3A_137 = arith.constant 0 : i32
      %parallel_loop3A_138 = arith.cmpi slt, %parallel_loop3A_125, %parallel_loop3A_137 : i32
      %parallel_loop3A_139 = arith.extui %parallel_loop3A_138 : i1 to i32
      %parallel_loop3A_140 = arith.subi %parallel_loop3A_136, %parallel_loop3A_139 : i32
      %parallel_loop3A_141 = arith.cmpi ne, %parallel_loop3A_133, %parallel_loop3A_140 : i32
      %parallel_loop3A_142 = arith.remsi %parallel_loop3A_80, %parallel_loop3A_125 : i32
      %parallel_loop3A_143 = arith.constant 0 : i32
      %parallel_loop3A_144 = arith.cmpi ne, %parallel_loop3A_142, %parallel_loop3A_143 : i32
      %parallel_loop3A_145 = arith.andi %parallel_loop3A_141, %parallel_loop3A_144 : i1
      %parallel_loop3A_146 = arith.constant 1 : i32
      %parallel_loop3A_147 = arith.subi %parallel_loop3A_126, %parallel_loop3A_146 : i32
      %parallel_loop3A_148 = arith.select %parallel_loop3A_145, %parallel_loop3A_147, %parallel_loop3A_126 : i32
      %parallel_loop3A_149 = arith.constant 0 : i32
      %parallel_loop3A_150 = arith.index_cast %parallel_loop3A_149 : i32 to index
      %parallel_loop3A_151 = arith.index_cast %parallel_loop3A_148 : i32 to index
      %parallel_loop3A_152 = arith.index_cast %parallel_loop3A_124 : i32 to index
      %parallel_loop3A_153 = tpu.vector_load %arg7[%parallel_loop3A_150, %parallel_loop3A_151, %parallel_loop3A_152] {strides = array<i32>} : memref<29x8x128xf32, #tpu.memory_space<vmem>>, vector<16xf32>,
      %parallel_loop3A_154 = arith.constant 8 : i32
      %parallel_loop3A_155 = arith.divsi %parallel_loop3A_80, %parallel_loop3A_154 : i32
      %parallel_loop3A_156 = arith.constant 0 : i32
      %parallel_loop3A_157 = arith.cmpi sgt, %parallel_loop3A_80, %parallel_loop3A_156 : i32
      %parallel_loop3A_158 = arith.extui %parallel_loop3A_157 : i1 to i32
      %parallel_loop3A_159 = arith.constant 0 : i32
      %parallel_loop3A_160 = arith.cmpi slt, %parallel_loop3A_80, %parallel_loop3A_159 : i32
      %parallel_loop3A_161 = arith.extui %parallel_loop3A_160 : i1 to i32
      %parallel_loop3A_162 = arith.subi %parallel_loop3A_158, %parallel_loop3A_161 : i32
      %parallel_loop3A_163 = arith.constant 0 : i32
      %parallel_loop3A_164 = arith.cmpi sgt, %parallel_loop3A_154, %parallel_loop3A_163 : i32
      %parallel_loop3A_165 = arith.extui %parallel_loop3A_164 : i1 to i32
      %parallel_loop3A_166 = arith.constant 0 : i32
      %parallel_loop3A_167 = arith.cmpi slt, %parallel_loop3A_154, %parallel_loop3A_166 : i32
      %parallel_loop3A_168 = arith.extui %parallel_loop3A_167 : i1 to i32
      %parallel_loop3A_169 = arith.subi %parallel_loop3A_165, %parallel_loop3A_168 : i32
      %parallel_loop3A_170 = arith.cmpi ne, %parallel_loop3A_162, %parallel_loop3A_169 : i32
      %parallel_loop3A_171 = arith.remsi %parallel_loop3A_80, %parallel_loop3A_154 : i32
      %parallel_loop3A_172 = arith.constant 0 : i32
      %parallel_loop3A_173 = arith.cmpi ne, %parallel_loop3A_171, %parallel_loop3A_172 : i32
      %parallel_loop3A_174 = arith.andi %parallel_loop3A_170, %parallel_loop3A_173 : i1
      %parallel_loop3A_175 = arith.constant 1 : i32
      %parallel_loop3A_176 = arith.subi %parallel_loop3A_155, %parallel_loop3A_175 : i32
      %parallel_loop3A_177 = arith.select %parallel_loop3A_174, %parallel_loop3A_176, %parallel_loop3A_155 : i32
      %parallel_loop3A_178 = arith.constant 1 : i32
      %parallel_loop3A_179 = arith.index_cast %parallel_loop3A_178 : i32 to index
      %parallel_loop3A_180 = arith.index_cast %parallel_loop3A_177 : i32 to index
      %parallel_loop3A_181 = arith.index_cast %parallel_loop3A_124 : i32 to index
      %parallel_loop3A_182 = tpu.vector_load %arg7[%parallel_loop3A_179, %parallel_loop3A_180, %parallel_loop3A_181] {strides = array<i32>} : memref<29x8x128xf32, #tpu.memory_space<vmem>>, vector<16xf32>,
      %parallel_loop3A_183 = arith.constant 8 : i32
      %parallel_loop3A_184 = arith.divsi %parallel_loop3A_80, %parallel_loop3A_183 : i32
      %parallel_loop3A_185 = arith.constant 0 : i32
      %parallel_loop3A_186 = arith.cmpi sgt, %parallel_loop3A_80, %parallel_loop3A_185 : i32
      %parallel_loop3A_187 = arith.extui %parallel_loop3A_186 : i1 to i32
      %parallel_loop3A_188 = arith.constant 0 : i32
      %parallel_loop3A_189 = arith.cmpi slt, %parallel_loop3A_80, %parallel_loop3A_188 : i32
      %parallel_loop3A_190 = arith.extui %parallel_loop3A_189 : i1 to i32
      %parallel_loop3A_191 = arith.subi %parallel_loop3A_187, %parallel_loop3A_190 : i32
      %parallel_loop3A_192 = arith.constant 0 : i32
      %parallel_loop3A_193 = arith.cmpi sgt, %parallel_loop3A_183, %parallel_loop3A_192 : i32
      %parallel_loop3A_194 = arith.extui %parallel_loop3A_193 : i1 to i32
      %parallel_loop3A_195 = arith.constant 0 : i32
      %parallel_loop3A_196 = arith.cmpi slt, %parallel_loop3A_183, %parallel_loop3A_195 : i32
      %parallel_loop3A_197 = arith.extui %parallel_loop3A_196 : i1 to i32
      %parallel_loop3A_198 = arith.subi %parallel_loop3A_194, %parallel_loop3A_197 : i32
      %parallel_loop3A_199 = arith.cmpi ne, %parallel_loop3A_191, %parallel_loop3A_198 : i32
      %parallel_loop3A_200 = arith.remsi %parallel_loop3A_80, %parallel_loop3A_183 : i32
      %parallel_loop3A_201 = arith.constant 0 : i32
      %parallel_loop3A_202 = arith.cmpi ne, %parallel_loop3A_200, %parallel_loop3A_201 : i32
      %parallel_loop3A_203 = arith.andi %parallel_loop3A_199, %parallel_loop3A_202 : i1
      %parallel_loop3A_204 = arith.constant 1 : i32
      %parallel_loop3A_205 = arith.subi %parallel_loop3A_184, %parallel_loop3A_204 : i32
      %parallel_loop3A_206 = arith.select %parallel_loop3A_203, %parallel_loop3A_205, %parallel_loop3A_184 : i32
      %parallel_loop3A_207 = arith.constant 2 : i32
      %parallel_loop3A_208 = arith.index_cast %parallel_loop3A_207 : i32 to index
      %parallel_loop3A_209 = arith.index_cast %parallel_loop3A_206 : i32 to index
      %parallel_loop3A_210 = arith.index_cast %parallel_loop3A_124 : i32 to index
      %parallel_loop3A_211 = tpu.vector_load %arg7[%parallel_loop3A_208, %parallel_loop3A_209, %parallel_loop3A_210] {strides = array<i32>} : memref<29x8x128xf32, #tpu.memory_space<vmem>>, vector<16xf32>,
      %parallel_loop3A_212 = arith.constant 8 : i32
      %parallel_loop3A_213 = arith.divsi %parallel_loop3A_80, %parallel_loop3A_212 : i32
      %parallel_loop3A_214 = arith.constant 0 : i32
      %parallel_loop3A_215 = arith.cmpi sgt, %parallel_loop3A_80, %parallel_loop3A_214 : i32
      %parallel_loop3A_216 = arith.extui %parallel_loop3A_215 : i1 to i32
      %parallel_loop3A_217 = arith.constant 0 : i32
      %parallel_loop3A_218 = arith.cmpi slt, %parallel_loop3A_80, %parallel_loop3A_217 : i32
      %parallel_loop3A_219 = arith.extui %parallel_loop3A_218 : i1 to i32
      %parallel_loop3A_220 = arith.subi %parallel_loop3A_216, %parallel_loop3A_219 : i32
      %parallel_loop3A_221 = arith.constant 0 : i32
      %parallel_loop3A_222 = arith.cmpi sgt, %parallel_loop3A_212, %parallel_loop3A_221 : i32
      %parallel_loop3A_223 = arith.extui %parallel_loop3A_222 : i1 to i32
      %parallel_loop3A_224 = arith.constant 0 : i32
      %parallel_loop3A_225 = arith.cmpi slt, %parallel_loop3A_212, %parallel_loop3A_224 : i32
      %parallel_loop3A_226 = arith.extui %parallel_loop3A_225 : i1 to i32
      %parallel_loop3A_227 = arith.subi %parallel_loop3A_223, %parallel_loop3A_226 : i32
      %parallel_loop3A_228 = arith.cmpi ne, %parallel_loop3A_220, %parallel_loop3A_227 : i32
      %parallel_loop3A_229 = arith.remsi %parallel_loop3A_80, %parallel_loop3A_212 : i32
      %parallel_loop3A_230 = arith.constant 0 : i32
      %parallel_loop3A_231 = arith.cmpi ne, %parallel_loop3A_229, %parallel_loop3A_230 : i32
      %parallel_loop3A_232 = arith.andi %parallel_loop3A_228, %parallel_loop3A_231 : i1
      %parallel_loop3A_233 = arith.constant 1 : i32
      %parallel_loop3A_234 = arith.subi %parallel_loop3A_213, %parallel_loop3A_233 : i32
      %parallel_loop3A_235 = arith.select %parallel_loop3A_232, %parallel_loop3A_234, %parallel_loop3A_213 : i32
      %parallel_loop3A_236 = arith.constant 3 : i32
      %parallel_loop3A_237 = arith.index_cast %parallel_loop3A_236 : i32 to index
      %parallel_loop3A_238 = arith.index_cast %parallel_loop3A_235 : i32 to index
      %parallel_loop3A_239 = arith.index_cast %parallel_loop3A_124 : i32 to index
      %parallel_loop3A_240 = tpu.vector_load %arg7[%parallel_loop3A_237, %parallel_loop3A_238, %parallel_loop3A_239] {strides = array<i32>} : memref<29x8x128xf32, #tpu.memory_space<vmem>>, vector<16xf32>,
      %parallel_loop3A_241 = arith.constant 8 : i32
      %parallel_loop3A_242 = arith.divsi %parallel_loop3A_80, %parallel_loop3A_241 : i32
      %parallel_loop3A_243 = arith.constant 0 : i32
      %parallel_loop3A_244 = arith.cmpi sgt, %parallel_loop3A_80, %parallel_loop3A_243 : i32
      %parallel_loop3A_245 = arith.extui %parallel_loop3A_244 : i1 to i32
      %parallel_loop3A_246 = arith.constant 0 : i32
      %parallel_loop3A_247 = arith.cmpi slt, %parallel_loop3A_80, %parallel_loop3A_246 : i32
      %parallel_loop3A_248 = arith.extui %parallel_loop3A_247 : i1 to i32
      %parallel_loop3A_249 = arith.subi %parallel_loop3A_245, %parallel_loop3A_248 : i32
      %parallel_loop3A_250 = arith.constant 0 : i32
      %parallel_loop3A_251 = arith.cmpi sgt, %parallel_loop3A_241, %parallel_loop3A_250 : i32
      %parallel_loop3A_252 = arith.extui %parallel_loop3A_251 : i1 to i32
      %parallel_loop3A_253 = arith.constant 0 : i32
      %parallel_loop3A_254 = arith.cmpi slt, %parallel_loop3A_241, %parallel_loop3A_253 : i32
      %parallel_loop3A_255 = arith.extui %parallel_loop3A_254 : i1 to i32
      %parallel_loop3A_256 = arith.subi %parallel_loop3A_252, %parallel_loop3A_255 : i32
      %parallel_loop3A_257 = arith.cmpi ne, %parallel_loop3A_249, %parallel_loop3A_256 : i32
      %parallel_loop3A_258 = arith.remsi %parallel_loop3A_80, %parallel_loop3A_241 : i32
      %parallel_loop3A_259 = arith.constant 0 : i32
      %parallel_loop3A_260 = arith.cmpi ne, %parallel_loop3A_258, %parallel_loop3A_259 : i32
      %parallel_loop3A_261 = arith.andi %parallel_loop3A_257, %parallel_loop3A_260 : i1
      %parallel_loop3A_262 = arith.constant 1 : i32
      %parallel_loop3A_263 = arith.subi %parallel_loop3A_242, %parallel_loop3A_262 : i32
      %parallel_loop3A_264 = arith.select %parallel_loop3A_261, %parallel_loop3A_263, %parallel_loop3A_242 : i32
      %parallel_loop3A_265 = arith.constant 4 : i32
      %parallel_loop3A_266 = arith.index_cast %parallel_loop3A_265 : i32 to index
      %parallel_loop3A_267 = arith.index_cast %parallel_loop3A_264 : i32 to index
      %parallel_loop3A_268 = arith.index_cast %parallel_loop3A_124 : i32 to index
      %parallel_loop3A_269 = tpu.vector_load %arg7[%parallel_loop3A_266, %parallel_loop3A_267, %parallel_loop3A_268] {strides = array<i32>} : memref<29x8x128xf32, #tpu.memory_space<vmem>>, vector<16xf32>,
      %parallel_loop3A_270 = arith.constant 8 : i32
      %parallel_loop3A_271 = arith.divsi %parallel_loop3A_80, %parallel_loop3A_270 : i32
      %parallel_loop3A_272 = arith.constant 0 : i32
      %parallel_loop3A_273 = arith.cmpi sgt, %parallel_loop3A_80, %parallel_loop3A_272 : i32
      %parallel_loop3A_274 = arith.extui %parallel_loop3A_273 : i1 to i32
      %parallel_loop3A_275 = arith.constant 0 : i32
      %parallel_loop3A_276 = arith.cmpi slt, %parallel_loop3A_80, %parallel_loop3A_275 : i32
      %parallel_loop3A_277 = arith.extui %parallel_loop3A_276 : i1 to i32
      %parallel_loop3A_278 = arith.subi %parallel_loop3A_274, %parallel_loop3A_277 : i32
      %parallel_loop3A_279 = arith.constant 0 : i32
      %parallel_loop3A_280 = arith.cmpi sgt, %parallel_loop3A_270, %parallel_loop3A_279 : i32
      %parallel_loop3A_281 = arith.extui %parallel_loop3A_280 : i1 to i32
      %parallel_loop3A_282 = arith.constant 0 : i32
      %parallel_loop3A_283 = arith.cmpi slt, %parallel_loop3A_270, %parallel_loop3A_282 : i32
      %parallel_loop3A_284 = arith.extui %parallel_loop3A_283 : i1 to i32
      %parallel_loop3A_285 = arith.subi %parallel_loop3A_281, %parallel_loop3A_284 : i32
      %parallel_loop3A_286 = arith.cmpi ne, %parallel_loop3A_278, %parallel_loop3A_285 : i32
      %parallel_loop3A_287 = arith.remsi %parallel_loop3A_80, %parallel_loop3A_270 : i32
      %parallel_loop3A_288 = arith.constant 0 : i32
      %parallel_loop3A_289 = arith.cmpi ne, %parallel_loop3A_287, %parallel_loop3A_288 : i32
      %parallel_loop3A_290 = arith.andi %parallel_loop3A_286, %parallel_loop3A_289 : i1
      %parallel_loop3A_291 = arith.constant 1 : i32
      %parallel_loop3A_292 = arith.subi %parallel_loop3A_271, %parallel_loop3A_291 : i32
      %parallel_loop3A_293 = arith.select %parallel_loop3A_290, %parallel_loop3A_292, %parallel_loop3A_271 : i32
      %parallel_loop3A_294 = arith.constant 5 : i32
      %parallel_loop3A_295 = arith.index_cast %parallel_loop3A_294 : i32 to index
      %parallel_loop3A_296 = arith.index_cast %parallel_loop3A_293 : i32 to index
      %parallel_loop3A_297 = arith.index_cast %parallel_loop3A_124 : i32 to index
      %parallel_loop3A_298 = tpu.vector_load %arg7[%parallel_loop3A_295, %parallel_loop3A_296, %parallel_loop3A_297] {strides = array<i32>} : memref<29x8x128xf32, #tpu.memory_space<vmem>>, vector<16xf32>,
      %parallel_loop3A_299 = arith.constant 8 : i32
      %parallel_loop3A_300 = arith.divsi %parallel_loop3A_80, %parallel_loop3A_299 : i32
      %parallel_loop3A_301 = arith.constant 0 : i32
      %parallel_loop3A_302 = arith.cmpi sgt, %parallel_loop3A_80, %parallel_loop3A_301 : i32
      %parallel_loop3A_303 = arith.extui %parallel_loop3A_302 : i1 to i32
      %parallel_loop3A_304 = arith.constant 0 : i32
      %parallel_loop3A_305 = arith.cmpi slt, %parallel_loop3A_80, %parallel_loop3A_304 : i32
      %parallel_loop3A_306 = arith.extui %parallel_loop3A_305 : i1 to i32
      %parallel_loop3A_307 = arith.subi %parallel_loop3A_303, %parallel_loop3A_306 : i32
      %parallel_loop3A_308 = arith.constant 0 : i32
      %parallel_loop3A_309 = arith.cmpi sgt, %parallel_loop3A_299, %parallel_loop3A_308 : i32
      %parallel_loop3A_310 = arith.extui %parallel_loop3A_309 : i1 to i32
      %parallel_loop3A_311 = arith.constant 0 : i32
      %parallel_loop3A_312 = arith.cmpi slt, %parallel_loop3A_299, %parallel_loop3A_311 : i32
      %parallel_loop3A_313 = arith.extui %parallel_loop3A_312 : i1 to i32
      %parallel_loop3A_314 = arith.subi %parallel_loop3A_310, %parallel_loop3A_313 : i32
      %parallel_loop3A_315 = arith.cmpi ne, %parallel_loop3A_307, %parallel_loop3A_314 : i32
      %parallel_loop3A_316 = arith.remsi %parallel_loop3A_80, %parallel_loop3A_299 : i32
      %parallel_loop3A_317 = arith.constant 0 : i32
      %parallel_loop3A_318 = arith.cmpi ne, %parallel_loop3A_316, %parallel_loop3A_317 : i32
      %parallel_loop3A_319 = arith.andi %parallel_loop3A_315, %parallel_loop3A_318 : i1
      %parallel_loop3A_320 = arith.constant 1 : i32
      %parallel_loop3A_321 = arith.subi %parallel_loop3A_300, %parallel_loop3A_320 : i32
      %parallel_loop3A_322 = arith.select %parallel_loop3A_319, %parallel_loop3A_321, %parallel_loop3A_300 : i32
      %parallel_loop3A_323 = arith.constant 6 : i32
      %parallel_loop3A_324 = arith.index_cast %parallel_loop3A_323 : i32 to index
      %parallel_loop3A_325 = arith.index_cast %parallel_loop3A_322 : i32 to index
      %parallel_loop3A_326 = arith.index_cast %parallel_loop3A_124 : i32 to index
      %parallel_loop3A_327 = tpu.vector_load %arg7[%parallel_loop3A_324, %parallel_loop3A_325, %parallel_loop3A_326] {strides = array<i32>} : memref<29x8x128xf32, #tpu.memory_space<vmem>>, vector<16xf32>,
      %parallel_loop3A_328 = arith.constant 8 : i32
      %parallel_loop3A_329 = arith.divsi %parallel_loop3A_80, %parallel_loop3A_328 : i32
      %parallel_loop3A_330 = arith.constant 0 : i32
      %parallel_loop3A_331 = arith.cmpi sgt, %parallel_loop3A_80, %parallel_loop3A_330 : i32
      %parallel_loop3A_332 = arith.extui %parallel_loop3A_331 : i1 to i32
      %parallel_loop3A_333 = arith.constant 0 : i32
      %parallel_loop3A_334 = arith.cmpi slt, %parallel_loop3A_80, %parallel_loop3A_333 : i32
      %parallel_loop3A_335 = arith.extui %parallel_loop3A_334 : i1 to i32
      %parallel_loop3A_336 = arith.subi %parallel_loop3A_332, %parallel_loop3A_335 : i32
      %parallel_loop3A_337 = arith.constant 0 : i32
      %parallel_loop3A_338 = arith.cmpi sgt, %parallel_loop3A_328, %parallel_loop3A_337 : i32
      %parallel_loop3A_339 = arith.extui %parallel_loop3A_338 : i1 to i32
      %parallel_loop3A_340 = arith.constant 0 : i32
      %parallel_loop3A_341 = arith.cmpi slt, %parallel_loop3A_328, %parallel_loop3A_340 : i32
      %parallel_loop3A_342 = arith.extui %parallel_loop3A_341 : i1 to i32
      %parallel_loop3A_343 = arith.subi %parallel_loop3A_339, %parallel_loop3A_342 : i32
      %parallel_loop3A_344 = arith.cmpi ne, %parallel_loop3A_336, %parallel_loop3A_343 : i32
      %parallel_loop3A_345 = arith.remsi %parallel_loop3A_80, %parallel_loop3A_328 : i32
      %parallel_loop3A_346 = arith.constant 0 : i32
      %parallel_loop3A_347 = arith.cmpi ne, %parallel_loop3A_345, %parallel_loop3A_346 : i32
      %parallel_loop3A_348 = arith.andi %parallel_loop3A_344, %parallel_loop3A_347 : i1
      %parallel_loop3A_349 = arith.constant 1 : i32
      %parallel_loop3A_350 = arith.subi %parallel_loop3A_329, %parallel_loop3A_349 : i32
      %parallel_loop3A_351 = arith.select %parallel_loop3A_348, %parallel_loop3A_350, %parallel_loop3A_329 : i32
      %parallel_loop3A_352 = arith.constant 7 : i32
      %parallel_loop3A_353 = arith.index_cast %parallel_loop3A_352 : i32 to index
      %parallel_loop3A_354 = arith.index_cast %parallel_loop3A_351 : i32 to index
      %parallel_loop3A_355 = arith.index_cast %parallel_loop3A_124 : i32 to index
      %parallel_loop3A_356 = tpu.vector_load %arg7[%parallel_loop3A_353, %parallel_loop3A_354, %parallel_loop3A_355] {strides = array<i32>} : memref<29x8x128xf32, #tpu.memory_space<vmem>>, vector<16xf32>,
      %parallel_loop3A_357 = arith.constant 8 : i32
      %parallel_loop3A_358 = arith.divsi %parallel_loop3A_80, %parallel_loop3A_357 : i32
      %parallel_loop3A_359 = arith.constant 0 : i32
      %parallel_loop3A_360 = arith.cmpi sgt, %parallel_loop3A_80, %parallel_loop3A_359 : i32
      %parallel_loop3A_361 = arith.extui %parallel_loop3A_360 : i1 to i32
      %parallel_loop3A_362 = arith.constant 0 : i32
      %parallel_loop3A_363 = arith.cmpi slt, %parallel_loop3A_80, %parallel_loop3A_362 : i32
      %parallel_loop3A_364 = arith.extui %parallel_loop3A_363 : i1 to i32
      %parallel_loop3A_365 = arith.subi %parallel_loop3A_361, %parallel_loop3A_364 : i32
      %parallel_loop3A_366 = arith.constant 0 : i32
      %parallel_loop3A_367 = arith.cmpi sgt, %parallel_loop3A_357, %parallel_loop3A_366 : i32
      %parallel_loop3A_368 = arith.extui %parallel_loop3A_367 : i1 to i32
      %parallel_loop3A_369 = arith.constant 0 : i32
      %parallel_loop3A_370 = arith.cmpi slt, %parallel_loop3A_357, %parallel_loop3A_369 : i32
      %parallel_loop3A_371 = arith.extui %parallel_loop3A_370 : i1 to i32
      %parallel_loop3A_372 = arith.subi %parallel_loop3A_368, %parallel_loop3A_371 : i32
      %parallel_loop3A_373 = arith.cmpi ne, %parallel_loop3A_365, %parallel_loop3A_372 : i32
      %parallel_loop3A_374 = arith.remsi %parallel_loop3A_80, %parallel_loop3A_357 : i32
      %parallel_loop3A_375 = arith.constant 0 : i32
      %parallel_loop3A_376 = arith.cmpi ne, %parallel_loop3A_374, %parallel_loop3A_375 : i32
      %parallel_loop3A_377 = arith.andi %parallel_loop3A_373, %parallel_loop3A_376 : i1
      %parallel_loop3A_378 = arith.constant 1 : i32
      %parallel_loop3A_379 = arith.subi %parallel_loop3A_358, %parallel_loop3A_378 : i32
      %parallel_loop3A_380 = arith.select %parallel_loop3A_377, %parallel_loop3A_379, %parallel_loop3A_358 : i32
      %parallel_loop3A_381 = arith.constant 8 : i32
      %parallel_loop3A_382 = arith.index_cast %parallel_loop3A_381 : i32 to index
      %parallel_loop3A_383 = arith.index_cast %parallel_loop3A_380 : i32 to index
      %parallel_loop3A_384 = arith.index_cast %parallel_loop3A_124 : i32 to index
      %parallel_loop3A_385 = tpu.vector_load %arg7[%parallel_loop3A_382, %parallel_loop3A_383, %parallel_loop3A_384] {strides = array<i32>} : memref<29x8x128xf32, #tpu.memory_space<vmem>>, vector<16xf32>,
      %parallel_loop3A_386 = arith.constant 8 : i32
      %parallel_loop3A_387 = arith.divsi %parallel_loop3A_80, %parallel_loop3A_386 : i32
      %parallel_loop3A_388 = arith.constant 0 : i32
      %parallel_loop3A_389 = arith.cmpi sgt, %parallel_loop3A_80, %parallel_loop3A_388 : i32
      %parallel_loop3A_390 = arith.extui %parallel_loop3A_389 : i1 to i32
      %parallel_loop3A_391 = arith.constant 0 : i32
      %parallel_loop3A_392 = arith.cmpi slt, %parallel_loop3A_80, %parallel_loop3A_391 : i32
      %parallel_loop3A_393 = arith.extui %parallel_loop3A_392 : i1 to i32
      %parallel_loop3A_394 = arith.subi %parallel_loop3A_390, %parallel_loop3A_393 : i32
      %parallel_loop3A_395 = arith.constant 0 : i32
      %parallel_loop3A_396 = arith.cmpi sgt, %parallel_loop3A_386, %parallel_loop3A_395 : i32
      %parallel_loop3A_397 = arith.extui %parallel_loop3A_396 : i1 to i32
      %parallel_loop3A_398 = arith.constant 0 : i32
      %parallel_loop3A_399 = arith.cmpi slt, %parallel_loop3A_386, %parallel_loop3A_398 : i32
      %parallel_loop3A_400 = arith.extui %parallel_loop3A_399 : i1 to i32
      %parallel_loop3A_401 = arith.subi %parallel_loop3A_397, %parallel_loop3A_400 : i32
      %parallel_loop3A_402 = arith.cmpi ne, %parallel_loop3A_394, %parallel_loop3A_401 : i32
      %parallel_loop3A_403 = arith.remsi %parallel_loop3A_80, %parallel_loop3A_386 : i32
      %parallel_loop3A_404 = arith.constant 0 : i32
      %parallel_loop3A_405 = arith.cmpi ne, %parallel_loop3A_403, %parallel_loop3A_404 : i32
      %parallel_loop3A_406 = arith.andi %parallel_loop3A_402, %parallel_loop3A_405 : i1
      %parallel_loop3A_407 = arith.constant 1 : i32
      %parallel_loop3A_408 = arith.subi %parallel_loop3A_387, %parallel_loop3A_407 : i32
      %parallel_loop3A_409 = arith.select %parallel_loop3A_406, %parallel_loop3A_408, %parallel_loop3A_387 : i32
      %parallel_loop3A_410 = arith.constant 9 : i32
      %parallel_loop3A_411 = arith.index_cast %parallel_loop3A_410 : i32 to index
      %parallel_loop3A_412 = arith.index_cast %parallel_loop3A_409 : i32 to index
      %parallel_loop3A_413 = arith.index_cast %parallel_loop3A_124 : i32 to index
      %parallel_loop3A_414 = tpu.vector_load %arg7[%parallel_loop3A_411, %parallel_loop3A_412, %parallel_loop3A_413] {strides = array<i32>} : memref<29x8x128xf32, #tpu.memory_space<vmem>>, vector<16xf32>,
      %parallel_loop3A_415 = arith.constant 8 : i32
      %parallel_loop3A_416 = arith.divsi %parallel_loop3A_80, %parallel_loop3A_415 : i32
      %parallel_loop3A_417 = arith.constant 0 : i32
      %parallel_loop3A_418 = arith.cmpi sgt, %parallel_loop3A_80, %parallel_loop3A_417 : i32
      %parallel_loop3A_419 = arith.extui %parallel_loop3A_418 : i1 to i32
      %parallel_loop3A_420 = arith.constant 0 : i32
      %parallel_loop3A_421 = arith.cmpi slt, %parallel_loop3A_80, %parallel_loop3A_420 : i32
      %parallel_loop3A_422 = arith.extui %parallel_loop3A_421 : i1 to i32
      %parallel_loop3A_423 = arith.subi %parallel_loop3A_419, %parallel_loop3A_422 : i32
      %parallel_loop3A_424 = arith.constant 0 : i32
      %parallel_loop3A_425 = arith.cmpi sgt, %parallel_loop3A_415, %parallel_loop3A_424 : i32
      %parallel_loop3A_426 = arith.extui %parallel_loop3A_425 : i1 to i32
      %parallel_loop3A_427 = arith.constant 0 : i32
      %parallel_loop3A_428 = arith.cmpi slt, %parallel_loop3A_415, %parallel_loop3A_427 : i32
      %parallel_loop3A_429 = arith.extui %parallel_loop3A_428 : i1 to i32
      %parallel_loop3A_430 = arith.subi %parallel_loop3A_426, %parallel_loop3A_429 : i32
      %parallel_loop3A_431 = arith.cmpi ne, %parallel_loop3A_423, %parallel_loop3A_430 : i32
      %parallel_loop3A_432 = arith.remsi %parallel_loop3A_80, %parallel_loop3A_415 : i32
      %parallel_loop3A_433 = arith.constant 0 : i32
      %parallel_loop3A_434 = arith.cmpi ne, %parallel_loop3A_432, %parallel_loop3A_433 : i32
      %parallel_loop3A_435 = arith.andi %parallel_loop3A_431, %parallel_loop3A_434 : i1
      %parallel_loop3A_436 = arith.constant 1 : i32
      %parallel_loop3A_437 = arith.subi %parallel_loop3A_416, %parallel_loop3A_436 : i32
      %parallel_loop3A_438 = arith.select %parallel_loop3A_435, %parallel_loop3A_437, %parallel_loop3A_416 : i32
      %parallel_loop3A_439 = arith.constant 10 : i32
      %parallel_loop3A_440 = arith.index_cast %parallel_loop3A_439 : i32 to index
      %parallel_loop3A_441 = arith.index_cast %parallel_loop3A_438 : i32 to index
      %parallel_loop3A_442 = arith.index_cast %parallel_loop3A_124 : i32 to index
      %parallel_loop3A_443 = tpu.vector_load %arg7[%parallel_loop3A_440, %parallel_loop3A_441, %parallel_loop3A_442] {strides = array<i32>} : memref<29x8x128xf32, #tpu.memory_space<vmem>>, vector<16xf32>,
      %parallel_loop3A_444 = arith.constant 8 : i32
      %parallel_loop3A_445 = arith.divsi %parallel_loop3A_80, %parallel_loop3A_444 : i32
      %parallel_loop3A_446 = arith.constant 0 : i32
      %parallel_loop3A_447 = arith.cmpi sgt, %parallel_loop3A_80, %parallel_loop3A_446 : i32
      %parallel_loop3A_448 = arith.extui %parallel_loop3A_447 : i1 to i32
      %parallel_loop3A_449 = arith.constant 0 : i32
      %parallel_loop3A_450 = arith.cmpi slt, %parallel_loop3A_80, %parallel_loop3A_449 : i32
      %parallel_loop3A_451 = arith.extui %parallel_loop3A_450 : i1 to i32
      %parallel_loop3A_452 = arith.subi %parallel_loop3A_448, %parallel_loop3A_451 : i32
      %parallel_loop3A_453 = arith.constant 0 : i32
      %parallel_loop3A_454 = arith.cmpi sgt, %parallel_loop3A_444, %parallel_loop3A_453 : i32
      %parallel_loop3A_455 = arith.extui %parallel_loop3A_454 : i1 to i32
      %parallel_loop3A_456 = arith.constant 0 : i32
      %parallel_loop3A_457 = arith.cmpi slt, %parallel_loop3A_444, %parallel_loop3A_456 : i32
      %parallel_loop3A_458 = arith.extui %parallel_loop3A_457 : i1 to i32
      %parallel_loop3A_459 = arith.subi %parallel_loop3A_455, %parallel_loop3A_458 : i32
      %parallel_loop3A_460 = arith.cmpi ne, %parallel_loop3A_452, %parallel_loop3A_459 : i32
      %parallel_loop3A_461 = arith.remsi %parallel_loop3A_80, %parallel_loop3A_444 : i32
      %parallel_loop3A_462 = arith.constant 0 : i32
      %parallel_loop3A_463 = arith.cmpi ne, %parallel_loop3A_461, %parallel_loop3A_462 : i32
      %parallel_loop3A_464 = arith.andi %parallel_loop3A_460, %parallel_loop3A_463 : i1
      %parallel_loop3A_465 = arith.constant 1 : i32
      %parallel_loop3A_466 = arith.subi %parallel_loop3A_445, %parallel_loop3A_465 : i32
      %parallel_loop3A_467 = arith.select %parallel_loop3A_464, %parallel_loop3A_466, %parallel_loop3A_445 : i32
      %parallel_loop3A_468 = arith.constant 11 : i32
      %parallel_loop3A_469 = arith.index_cast %parallel_loop3A_468 : i32 to index
      %parallel_loop3A_470 = arith.index_cast %parallel_loop3A_467 : i32 to index
      %parallel_loop3A_471 = arith.index_cast %parallel_loop3A_124 : i32 to index
      %parallel_loop3A_472 = tpu.vector_load %arg7[%parallel_loop3A_469, %parallel_loop3A_470, %parallel_loop3A_471] {strides = array<i32>} : memref<29x8x128xf32, #tpu.memory_space<vmem>>, vector<16xf32>,
      %parallel_loop3A_473 = arith.constant 8 : i32
      %parallel_loop3A_474 = arith.divsi %parallel_loop3A_80, %parallel_loop3A_473 : i32
      %parallel_loop3A_475 = arith.constant 0 : i32
      %parallel_loop3A_476 = arith.cmpi sgt, %parallel_loop3A_80, %parallel_loop3A_475 : i32
      %parallel_loop3A_477 = arith.extui %parallel_loop3A_476 : i1 to i32
      %parallel_loop3A_478 = arith.constant 0 : i32
      %parallel_loop3A_479 = arith.cmpi slt, %parallel_loop3A_80, %parallel_loop3A_478 : i32
      %parallel_loop3A_480 = arith.extui %parallel_loop3A_479 : i1 to i32
      %parallel_loop3A_481 = arith.subi %parallel_loop3A_477, %parallel_loop3A_480 : i32
      %parallel_loop3A_482 = arith.constant 0 : i32
      %parallel_loop3A_483 = arith.cmpi sgt, %parallel_loop3A_473, %parallel_loop3A_482 : i32
      %parallel_loop3A_484 = arith.extui %parallel_loop3A_483 : i1 to i32
      %parallel_loop3A_485 = arith.constant 0 : i32
      %parallel_loop3A_486 = arith.cmpi slt, %parallel_loop3A_473, %parallel_loop3A_485 : i32
      %parallel_loop3A_487 = arith.extui %parallel_loop3A_486 : i1 to i32
      %parallel_loop3A_488 = arith.subi %parallel_loop3A_484, %parallel_loop3A_487 : i32
      %parallel_loop3A_489 = arith.cmpi ne, %parallel_loop3A_481, %parallel_loop3A_488 : i32
      %parallel_loop3A_490 = arith.remsi %parallel_loop3A_80, %parallel_loop3A_473 : i32
      %parallel_loop3A_491 = arith.constant 0 : i32
      %parallel_loop3A_492 = arith.cmpi ne, %parallel_loop3A_490, %parallel_loop3A_491 : i32
      %parallel_loop3A_493 = arith.andi %parallel_loop3A_489, %parallel_loop3A_492 : i1
      %parallel_loop3A_494 = arith.constant 1 : i32
      %parallel_loop3A_495 = arith.subi %parallel_loop3A_474, %parallel_loop3A_494 : i32
      %parallel_loop3A_496 = arith.select %parallel_loop3A_493, %parallel_loop3A_495, %parallel_loop3A_474 : i32
      %parallel_loop3A_497 = arith.constant 12 : i32
      %parallel_loop3A_498 = arith.index_cast %parallel_loop3A_497 : i32 to index
      %parallel_loop3A_499 = arith.index_cast %parallel_loop3A_496 : i32 to index
      %parallel_loop3A_500 = arith.index_cast %parallel_loop3A_124 : i32 to index
      %parallel_loop3A_501 = tpu.vector_load %arg7[%parallel_loop3A_498, %parallel_loop3A_499, %parallel_loop3A_500] {strides = array<i32>} : memref<29x8x128xf32, #tpu.memory_space<vmem>>, vector<16xf32>,
      %parallel_loop3A_502 = arith.constant 8 : i32
      %parallel_loop3A_503 = arith.divsi %parallel_loop3A_80, %parallel_loop3A_502 : i32
      %parallel_loop3A_504 = arith.constant 0 : i32
      %parallel_loop3A_505 = arith.cmpi sgt, %parallel_loop3A_80, %parallel_loop3A_504 : i32
      %parallel_loop3A_506 = arith.extui %parallel_loop3A_505 : i1 to i32
      %parallel_loop3A_507 = arith.constant 0 : i32
      %parallel_loop3A_508 = arith.cmpi slt, %parallel_loop3A_80, %parallel_loop3A_507 : i32
      %parallel_loop3A_509 = arith.extui %parallel_loop3A_508 : i1 to i32
      %parallel_loop3A_510 = arith.subi %parallel_loop3A_506, %parallel_loop3A_509 : i32
      %parallel_loop3A_511 = arith.constant 0 : i32
      %parallel_loop3A_512 = arith.cmpi sgt, %parallel_loop3A_502, %parallel_loop3A_511 : i32
      %parallel_loop3A_513 = arith.extui %parallel_loop3A_512 : i1 to i32
      %parallel_loop3A_514 = arith.constant 0 : i32
      %parallel_loop3A_515 = arith.cmpi slt, %parallel_loop3A_502, %parallel_loop3A_514 : i32
      %parallel_loop3A_516 = arith.extui %parallel_loop3A_515 : i1 to i32
      %parallel_loop3A_517 = arith.subi %parallel_loop3A_513, %parallel_loop3A_516 : i32
      %parallel_loop3A_518 = arith.cmpi ne, %parallel_loop3A_510, %parallel_loop3A_517 : i32
      %parallel_loop3A_519 = arith.remsi %parallel_loop3A_80, %parallel_loop3A_502 : i32
      %parallel_loop3A_520 = arith.constant 0 : i32
      %parallel_loop3A_521 = arith.cmpi ne, %parallel_loop3A_519, %parallel_loop3A_520 : i32
      %parallel_loop3A_522 = arith.andi %parallel_loop3A_518, %parallel_loop3A_521 : i1
      %parallel_loop3A_523 = arith.constant 1 : i32
      %parallel_loop3A_524 = arith.subi %parallel_loop3A_503, %parallel_loop3A_523 : i32
      %parallel_loop3A_525 = arith.select %parallel_loop3A_522, %parallel_loop3A_524, %parallel_loop3A_503 : i32
      %parallel_loop3A_526 = arith.constant 13 : i32
      %parallel_loop3A_527 = arith.index_cast %parallel_loop3A_526 : i32 to index
      %parallel_loop3A_528 = arith.index_cast %parallel_loop3A_525 : i32 to index
      %parallel_loop3A_529 = arith.index_cast %parallel_loop3A_124 : i32 to index
      %parallel_loop3A_530 = tpu.vector_load %arg7[%parallel_loop3A_527, %parallel_loop3A_528, %parallel_loop3A_529] {strides = array<i32>} : memref<29x8x128xf32, #tpu.memory_space<vmem>>, vector<16xf32>,
      %parallel_loop3A_531 = arith.constant 8 : i32
      %parallel_loop3A_532 = arith.divsi %parallel_loop3A_80, %parallel_loop3A_531 : i32
      %parallel_loop3A_533 = arith.constant 0 : i32
      %parallel_loop3A_534 = arith.cmpi sgt, %parallel_loop3A_80, %parallel_loop3A_533 : i32
      %parallel_loop3A_535 = arith.extui %parallel_loop3A_534 : i1 to i32
      %parallel_loop3A_536 = arith.constant 0 : i32
      %parallel_loop3A_537 = arith.cmpi slt, %parallel_loop3A_80, %parallel_loop3A_536 : i32
      %parallel_loop3A_538 = arith.extui %parallel_loop3A_537 : i1 to i32
      %parallel_loop3A_539 = arith.subi %parallel_loop3A_535, %parallel_loop3A_538 : i32
      %parallel_loop3A_540 = arith.constant 0 : i32
      %parallel_loop3A_541 = arith.cmpi sgt, %parallel_loop3A_531, %parallel_loop3A_540 : i32
      %parallel_loop3A_542 = arith.extui %parallel_loop3A_541 : i1 to i32
      %parallel_loop3A_543 = arith.constant 0 : i32
      %parallel_loop3A_544 = arith.cmpi slt, %parallel_loop3A_531, %parallel_loop3A_543 : i32
      %parallel_loop3A_545 = arith.extui %parallel_loop3A_544 : i1 to i32
      %parallel_loop3A_546 = arith.subi %parallel_loop3A_542, %parallel_loop3A_545 : i32
      %parallel_loop3A_547 = arith.cmpi ne, %parallel_loop3A_539, %parallel_loop3A_546 : i32
      %parallel_loop3A_548 = arith.remsi %parallel_loop3A_80, %parallel_loop3A_531 : i32
      %parallel_loop3A_549 = arith.constant 0 : i32
      %parallel_loop3A_550 = arith.cmpi ne, %parallel_loop3A_548, %parallel_loop3A_549 : i32
      %parallel_loop3A_551 = arith.andi %parallel_loop3A_547, %parallel_loop3A_550 : i1
      %parallel_loop3A_552 = arith.constant 1 : i32
      %parallel_loop3A_553 = arith.subi %parallel_loop3A_532, %parallel_loop3A_552 : i32
      %parallel_loop3A_554 = arith.select %parallel_loop3A_551, %parallel_loop3A_553, %parallel_loop3A_532 : i32
      %parallel_loop3A_555 = arith.constant 14 : i32
      %parallel_loop3A_556 = arith.index_cast %parallel_loop3A_555 : i32 to index
      %parallel_loop3A_557 = arith.index_cast %parallel_loop3A_554 : i32 to index
      %parallel_loop3A_558 = arith.index_cast %parallel_loop3A_124 : i32 to index
      %parallel_loop3A_559 = tpu.vector_load %arg7[%parallel_loop3A_556, %parallel_loop3A_557, %parallel_loop3A_558] {strides = array<i32>} : memref<29x8x128xf32, #tpu.memory_space<vmem>>, vector<16xf32>,
      %parallel_loop3A_560 = arith.constant 8 : i32
      %parallel_loop3A_561 = arith.divsi %parallel_loop3A_80, %parallel_loop3A_560 : i32
      %parallel_loop3A_562 = arith.constant 0 : i32
      %parallel_loop3A_563 = arith.cmpi sgt, %parallel_loop3A_80, %parallel_loop3A_562 : i32
      %parallel_loop3A_564 = arith.extui %parallel_loop3A_563 : i1 to i32
      %parallel_loop3A_565 = arith.constant 0 : i32
      %parallel_loop3A_566 = arith.cmpi slt, %parallel_loop3A_80, %parallel_loop3A_565 : i32
      %parallel_loop3A_567 = arith.extui %parallel_loop3A_566 : i1 to i32
      %parallel_loop3A_568 = arith.subi %parallel_loop3A_564, %parallel_loop3A_567 : i32
      %parallel_loop3A_569 = arith.constant 0 : i32
      %parallel_loop3A_570 = arith.cmpi sgt, %parallel_loop3A_560, %parallel_loop3A_569 : i32
      %parallel_loop3A_571 = arith.extui %parallel_loop3A_570 : i1 to i32
      %parallel_loop3A_572 = arith.constant 0 : i32
      %parallel_loop3A_573 = arith.cmpi slt, %parallel_loop3A_560, %parallel_loop3A_572 : i32
      %parallel_loop3A_574 = arith.extui %parallel_loop3A_573 : i1 to i32
      %parallel_loop3A_575 = arith.subi %parallel_loop3A_571, %parallel_loop3A_574 : i32
      %parallel_loop3A_576 = arith.cmpi ne, %parallel_loop3A_568, %parallel_loop3A_575 : i32
      %parallel_loop3A_577 = arith.remsi %parallel_loop3A_80, %parallel_loop3A_560 : i32
      %parallel_loop3A_578 = arith.constant 0 : i32
      %parallel_loop3A_579 = arith.cmpi ne, %parallel_loop3A_577, %parallel_loop3A_578 : i32
      %parallel_loop3A_580 = arith.andi %parallel_loop3A_576, %parallel_loop3A_579 : i1
      %parallel_loop3A_581 = arith.constant 1 : i32
      %parallel_loop3A_582 = arith.subi %parallel_loop3A_561, %parallel_loop3A_581 : i32
      %parallel_loop3A_583 = arith.select %parallel_loop3A_580, %parallel_loop3A_582, %parallel_loop3A_561 : i32
      %parallel_loop3A_584 = arith.constant 15 : i32
      %parallel_loop3A_585 = arith.index_cast %parallel_loop3A_584 : i32 to index
      %parallel_loop3A_586 = arith.index_cast %parallel_loop3A_583 : i32 to index
      %parallel_loop3A_587 = arith.index_cast %parallel_loop3A_124 : i32 to index
      %parallel_loop3A_588 = tpu.vector_load %arg7[%parallel_loop3A_585, %parallel_loop3A_586, %parallel_loop3A_587] {strides = array<i32>} : memref<29x8x128xf32, #tpu.memory_space<vmem>>, vector<16xf32>,
      %parallel_loop3A_589 = arith.constant 8 : i32
      %parallel_loop3A_590 = arith.divsi %parallel_loop3A_80, %parallel_loop3A_589 : i32
      %parallel_loop3A_591 = arith.constant 0 : i32
      %parallel_loop3A_592 = arith.cmpi sgt, %parallel_loop3A_80, %parallel_loop3A_591 : i32
      %parallel_loop3A_593 = arith.extui %parallel_loop3A_592 : i1 to i32
      %parallel_loop3A_594 = arith.constant 0 : i32
      %parallel_loop3A_595 = arith.cmpi slt, %parallel_loop3A_80, %parallel_loop3A_594 : i32
      %parallel_loop3A_596 = arith.extui %parallel_loop3A_595 : i1 to i32
      %parallel_loop3A_597 = arith.subi %parallel_loop3A_593, %parallel_loop3A_596 : i32
      %parallel_loop3A_598 = arith.constant 0 : i32
      %parallel_loop3A_599 = arith.cmpi sgt, %parallel_loop3A_589, %parallel_loop3A_598 : i32
      %parallel_loop3A_600 = arith.extui %parallel_loop3A_599 : i1 to i32
      %parallel_loop3A_601 = arith.constant 0 : i32
      %parallel_loop3A_602 = arith.cmpi slt, %parallel_loop3A_589, %parallel_loop3A_601 : i32
      %parallel_loop3A_603 = arith.extui %parallel_loop3A_602 : i1 to i32
      %parallel_loop3A_604 = arith.subi %parallel_loop3A_600, %parallel_loop3A_603 : i32
      %parallel_loop3A_605 = arith.cmpi ne, %parallel_loop3A_597, %parallel_loop3A_604 : i32
      %parallel_loop3A_606 = arith.remsi %parallel_loop3A_80, %parallel_loop3A_589 : i32
      %parallel_loop3A_607 = arith.constant 0 : i32
      %parallel_loop3A_608 = arith.cmpi ne, %parallel_loop3A_606, %parallel_loop3A_607 : i32
      %parallel_loop3A_609 = arith.andi %parallel_loop3A_605, %parallel_loop3A_608 : i1
      %parallel_loop3A_610 = arith.constant 1 : i32
      %parallel_loop3A_611 = arith.subi %parallel_loop3A_590, %parallel_loop3A_610 : i32
      %parallel_loop3A_612 = arith.select %parallel_loop3A_609, %parallel_loop3A_611, %parallel_loop3A_590 : i32
      %parallel_loop3A_613 = arith.constant 16 : i32
      %parallel_loop3A_614 = arith.index_cast %parallel_loop3A_613 : i32 to index
      %parallel_loop3A_615 = arith.index_cast %parallel_loop3A_612 : i32 to index
      %parallel_loop3A_616 = arith.index_cast %parallel_loop3A_124 : i32 to index
      %parallel_loop3A_617 = tpu.vector_load %arg7[%parallel_loop3A_614, %parallel_loop3A_615, %parallel_loop3A_616] {strides = array<i32>} : memref<29x8x128xf32, #tpu.memory_space<vmem>>, vector<16xf32>,
      %parallel_loop3A_618 = arith.constant 8 : i32
      %parallel_loop3A_619 = arith.divsi %parallel_loop3A_80, %parallel_loop3A_618 : i32
      %parallel_loop3A_620 = arith.constant 0 : i32
      %parallel_loop3A_621 = arith.cmpi sgt, %parallel_loop3A_80, %parallel_loop3A_620 : i32
      %parallel_loop3A_622 = arith.extui %parallel_loop3A_621 : i1 to i32
      %parallel_loop3A_623 = arith.constant 0 : i32
      %parallel_loop3A_624 = arith.cmpi slt, %parallel_loop3A_80, %parallel_loop3A_623 : i32
      %parallel_loop3A_625 = arith.extui %parallel_loop3A_624 : i1 to i32
      %parallel_loop3A_626 = arith.subi %parallel_loop3A_622, %parallel_loop3A_625 : i32
      %parallel_loop3A_627 = arith.constant 0 : i32
      %parallel_loop3A_628 = arith.cmpi sgt, %parallel_loop3A_618, %parallel_loop3A_627 : i32
      %parallel_loop3A_629 = arith.extui %parallel_loop3A_628 : i1 to i32
      %parallel_loop3A_630 = arith.constant 0 : i32
      %parallel_loop3A_631 = arith.cmpi slt, %parallel_loop3A_618, %parallel_loop3A_630 : i32
      %parallel_loop3A_632 = arith.extui %parallel_loop3A_631 : i1 to i32
      %parallel_loop3A_633 = arith.subi %parallel_loop3A_629, %parallel_loop3A_632 : i32
      %parallel_loop3A_634 = arith.cmpi ne, %parallel_loop3A_626, %parallel_loop3A_633 : i32
      %parallel_loop3A_635 = arith.remsi %parallel_loop3A_80, %parallel_loop3A_618 : i32
      %parallel_loop3A_636 = arith.constant 0 : i32
      %parallel_loop3A_637 = arith.cmpi ne, %parallel_loop3A_635, %parallel_loop3A_636 : i32
      %parallel_loop3A_638 = arith.andi %parallel_loop3A_634, %parallel_loop3A_637 : i1
      %parallel_loop3A_639 = arith.constant 1 : i32
      %parallel_loop3A_640 = arith.subi %parallel_loop3A_619, %parallel_loop3A_639 : i32
      %parallel_loop3A_641 = arith.select %parallel_loop3A_638, %parallel_loop3A_640, %parallel_loop3A_619 : i32
      %parallel_loop3A_642 = arith.constant 17 : i32
      %parallel_loop3A_643 = arith.index_cast %parallel_loop3A_642 : i32 to index
      %parallel_loop3A_644 = arith.index_cast %parallel_loop3A_641 : i32 to index
      %parallel_loop3A_645 = arith.index_cast %parallel_loop3A_124 : i32 to index
      %parallel_loop3A_646 = tpu.vector_load %arg7[%parallel_loop3A_643, %parallel_loop3A_644, %parallel_loop3A_645] {strides = array<i32>} : memref<29x8x128xf32, #tpu.memory_space<vmem>>, vector<16xf32>,
      %parallel_loop3A_647 = arith.constant 8 : i32
      %parallel_loop3A_648 = arith.divsi %parallel_loop3A_80, %parallel_loop3A_647 : i32
      %parallel_loop3A_649 = arith.constant 0 : i32
      %parallel_loop3A_650 = arith.cmpi sgt, %parallel_loop3A_80, %parallel_loop3A_649 : i32
      %parallel_loop3A_651 = arith.extui %parallel_loop3A_650 : i1 to i32
      %parallel_loop3A_652 = arith.constant 0 : i32
      %parallel_loop3A_653 = arith.cmpi slt, %parallel_loop3A_80, %parallel_loop3A_652 : i32
      %parallel_loop3A_654 = arith.extui %parallel_loop3A_653 : i1 to i32
      %parallel_loop3A_655 = arith.subi %parallel_loop3A_651, %parallel_loop3A_654 : i32
      %parallel_loop3A_656 = arith.constant 0 : i32
      %parallel_loop3A_657 = arith.cmpi sgt, %parallel_loop3A_647, %parallel_loop3A_656 : i32
      %parallel_loop3A_658 = arith.extui %parallel_loop3A_657 : i1 to i32
      %parallel_loop3A_659 = arith.constant 0 : i32
      %parallel_loop3A_660 = arith.cmpi slt, %parallel_loop3A_647, %parallel_loop3A_659 : i32
      %parallel_loop3A_661 = arith.extui %parallel_loop3A_660 : i1 to i32
      %parallel_loop3A_662 = arith.subi %parallel_loop3A_658, %parallel_loop3A_661 : i32
      %parallel_loop3A_663 = arith.cmpi ne, %parallel_loop3A_655, %parallel_loop3A_662 : i32
      %parallel_loop3A_664 = arith.remsi %parallel_loop3A_80, %parallel_loop3A_647 : i32
      %parallel_loop3A_665 = arith.constant 0 : i32
      %parallel_loop3A_666 = arith.cmpi ne, %parallel_loop3A_664, %parallel_loop3A_665 : i32
      %parallel_loop3A_667 = arith.andi %parallel_loop3A_663, %parallel_loop3A_666 : i1
      %parallel_loop3A_668 = arith.constant 1 : i32
      %parallel_loop3A_669 = arith.subi %parallel_loop3A_648, %parallel_loop3A_668 : i32
      %parallel_loop3A_670 = arith.select %parallel_loop3A_667, %parallel_loop3A_669, %parallel_loop3A_648 : i32
      %parallel_loop3A_671 = arith.constant 18 : i32
      %parallel_loop3A_672 = arith.index_cast %parallel_loop3A_671 : i32 to index
      %parallel_loop3A_673 = arith.index_cast %parallel_loop3A_670 : i32 to index
      %parallel_loop3A_674 = arith.index_cast %parallel_loop3A_124 : i32 to index
      %parallel_loop3A_675 = tpu.vector_load %arg7[%parallel_loop3A_672, %parallel_loop3A_673, %parallel_loop3A_674] {strides = array<i32>} : memref<29x8x128xf32, #tpu.memory_space<vmem>>, vector<16xf32>,
      %parallel_loop3A_676 = arith.constant 8 : i32
      %parallel_loop3A_677 = arith.divsi %parallel_loop3A_80, %parallel_loop3A_676 : i32
      %parallel_loop3A_678 = arith.constant 0 : i32
      %parallel_loop3A_679 = arith.cmpi sgt, %parallel_loop3A_80, %parallel_loop3A_678 : i32
      %parallel_loop3A_680 = arith.extui %parallel_loop3A_679 : i1 to i32
      %parallel_loop3A_681 = arith.constant 0 : i32
      %parallel_loop3A_682 = arith.cmpi slt, %parallel_loop3A_80, %parallel_loop3A_681 : i32
      %parallel_loop3A_683 = arith.extui %parallel_loop3A_682 : i1 to i32
      %parallel_loop3A_684 = arith.subi %parallel_loop3A_680, %parallel_loop3A_683 : i32
      %parallel_loop3A_685 = arith.constant 0 : i32
      %parallel_loop3A_686 = arith.cmpi sgt, %parallel_loop3A_676, %parallel_loop3A_685 : i32
      %parallel_loop3A_687 = arith.extui %parallel_loop3A_686 : i1 to i32
      %parallel_loop3A_688 = arith.constant 0 : i32
      %parallel_loop3A_689 = arith.cmpi slt, %parallel_loop3A_676, %parallel_loop3A_688 : i32
      %parallel_loop3A_690 = arith.extui %parallel_loop3A_689 : i1 to i32
      %parallel_loop3A_691 = arith.subi %parallel_loop3A_687, %parallel_loop3A_690 : i32
      %parallel_loop3A_692 = arith.cmpi ne, %parallel_loop3A_684, %parallel_loop3A_691 : i32
      %parallel_loop3A_693 = arith.remsi %parallel_loop3A_80, %parallel_loop3A_676 : i32
      %parallel_loop3A_694 = arith.constant 0 : i32
      %parallel_loop3A_695 = arith.cmpi ne, %parallel_loop3A_693, %parallel_loop3A_694 : i32
      %parallel_loop3A_696 = arith.andi %parallel_loop3A_692, %parallel_loop3A_695 : i1
      %parallel_loop3A_697 = arith.constant 1 : i32
      %parallel_loop3A_698 = arith.subi %parallel_loop3A_677, %parallel_loop3A_697 : i32
      %parallel_loop3A_699 = arith.select %parallel_loop3A_696, %parallel_loop3A_698, %parallel_loop3A_677 : i32
      %parallel_loop3A_700 = arith.constant 19 : i32
      %parallel_loop3A_701 = arith.index_cast %parallel_loop3A_700 : i32 to index
      %parallel_loop3A_702 = arith.index_cast %parallel_loop3A_699 : i32 to index
      %parallel_loop3A_703 = arith.index_cast %parallel_loop3A_124 : i32 to index
      %parallel_loop3A_704 = tpu.vector_load %arg7[%parallel_loop3A_701, %parallel_loop3A_702, %parallel_loop3A_703] {strides = array<i32>} : memref<29x8x128xf32, #tpu.memory_space<vmem>>, vector<16xf32>,
      %parallel_loop3A_705 = arith.constant 8 : i32
      %parallel_loop3A_706 = arith.divsi %parallel_loop3A_80, %parallel_loop3A_705 : i32
      %parallel_loop3A_707 = arith.constant 0 : i32
      %parallel_loop3A_708 = arith.cmpi sgt, %parallel_loop3A_80, %parallel_loop3A_707 : i32
      %parallel_loop3A_709 = arith.extui %parallel_loop3A_708 : i1 to i32
      %parallel_loop3A_710 = arith.constant 0 : i32
      %parallel_loop3A_711 = arith.cmpi slt, %parallel_loop3A_80, %parallel_loop3A_710 : i32
      %parallel_loop3A_712 = arith.extui %parallel_loop3A_711 : i1 to i32
      %parallel_loop3A_713 = arith.subi %parallel_loop3A_709, %parallel_loop3A_712 : i32
      %parallel_loop3A_714 = arith.constant 0 : i32
      %parallel_loop3A_715 = arith.cmpi sgt, %parallel_loop3A_705, %parallel_loop3A_714 : i32
      %parallel_loop3A_716 = arith.extui %parallel_loop3A_715 : i1 to i32
      %parallel_loop3A_717 = arith.constant 0 : i32
      %parallel_loop3A_718 = arith.cmpi slt, %parallel_loop3A_705, %parallel_loop3A_717 : i32
      %parallel_loop3A_719 = arith.extui %parallel_loop3A_718 : i1 to i32
      %parallel_loop3A_720 = arith.subi %parallel_loop3A_716, %parallel_loop3A_719 : i32
      %parallel_loop3A_721 = arith.cmpi ne, %parallel_loop3A_713, %parallel_loop3A_720 : i32
      %parallel_loop3A_722 = arith.remsi %parallel_loop3A_80, %parallel_loop3A_705 : i32
      %parallel_loop3A_723 = arith.constant 0 : i32
      %parallel_loop3A_724 = arith.cmpi ne, %parallel_loop3A_722, %parallel_loop3A_723 : i32
      %parallel_loop3A_725 = arith.andi %parallel_loop3A_721, %parallel_loop3A_724 : i1
      %parallel_loop3A_726 = arith.constant 1 : i32
      %parallel_loop3A_727 = arith.subi %parallel_loop3A_706, %parallel_loop3A_726 : i32
      %parallel_loop3A_728 = arith.select %parallel_loop3A_725, %parallel_loop3A_727, %parallel_loop3A_706 : i32
      %parallel_loop3A_729 = arith.constant 20 : i32
      %parallel_loop3A_730 = arith.index_cast %parallel_loop3A_729 : i32 to index
      %parallel_loop3A_731 = arith.index_cast %parallel_loop3A_728 : i32 to index
      %parallel_loop3A_732 = arith.index_cast %parallel_loop3A_124 : i32 to index
      %parallel_loop3A_733 = tpu.vector_load %arg7[%parallel_loop3A_730, %parallel_loop3A_731, %parallel_loop3A_732] {strides = array<i32>} : memref<29x8x128xf32, #tpu.memory_space<vmem>>, vector<16xf32>,
      %parallel_loop3A_734 = arith.constant 8 : i32
      %parallel_loop3A_735 = arith.divsi %parallel_loop3A_80, %parallel_loop3A_734 : i32
      %parallel_loop3A_736 = arith.constant 0 : i32
      %parallel_loop3A_737 = arith.cmpi sgt, %parallel_loop3A_80, %parallel_loop3A_736 : i32
      %parallel_loop3A_738 = arith.extui %parallel_loop3A_737 : i1 to i32
      %parallel_loop3A_739 = arith.constant 0 : i32
      %parallel_loop3A_740 = arith.cmpi slt, %parallel_loop3A_80, %parallel_loop3A_739 : i32
      %parallel_loop3A_741 = arith.extui %parallel_loop3A_740 : i1 to i32
      %parallel_loop3A_742 = arith.subi %parallel_loop3A_738, %parallel_loop3A_741 : i32
      %parallel_loop3A_743 = arith.constant 0 : i32
      %parallel_loop3A_744 = arith.cmpi sgt, %parallel_loop3A_734, %parallel_loop3A_743 : i32
      %parallel_loop3A_745 = arith.extui %parallel_loop3A_744 : i1 to i32
      %parallel_loop3A_746 = arith.constant 0 : i32
      %parallel_loop3A_747 = arith.cmpi slt, %parallel_loop3A_734, %parallel_loop3A_746 : i32
      %parallel_loop3A_748 = arith.extui %parallel_loop3A_747 : i1 to i32
      %parallel_loop3A_749 = arith.subi %parallel_loop3A_745, %parallel_loop3A_748 : i32
      %parallel_loop3A_750 = arith.cmpi ne, %parallel_loop3A_742, %parallel_loop3A_749 : i32
      %parallel_loop3A_751 = arith.remsi %parallel_loop3A_80, %parallel_loop3A_734 : i32
      %parallel_loop3A_752 = arith.constant 0 : i32
      %parallel_loop3A_753 = arith.cmpi ne, %parallel_loop3A_751, %parallel_loop3A_752 : i32
      %parallel_loop3A_754 = arith.andi %parallel_loop3A_750, %parallel_loop3A_753 : i1
      %parallel_loop3A_755 = arith.constant 1 : i32
      %parallel_loop3A_756 = arith.subi %parallel_loop3A_735, %parallel_loop3A_755 : i32
      %parallel_loop3A_757 = arith.select %parallel_loop3A_754, %parallel_loop3A_756, %parallel_loop3A_735 : i32
      %parallel_loop3A_758 = arith.constant 21 : i32
      %parallel_loop3A_759 = arith.index_cast %parallel_loop3A_758 : i32 to index
      %parallel_loop3A_760 = arith.index_cast %parallel_loop3A_757 : i32 to index
      %parallel_loop3A_761 = arith.index_cast %parallel_loop3A_124 : i32 to index
      %parallel_loop3A_762 = tpu.vector_load %arg7[%parallel_loop3A_759, %parallel_loop3A_760, %parallel_loop3A_761] {strides = array<i32>} : memref<29x8x128xf32, #tpu.memory_space<vmem>>, vector<16xf32>,
      %parallel_loop3A_763 = arith.constant 8 : i32
      %parallel_loop3A_764 = arith.divsi %parallel_loop3A_80, %parallel_loop3A_763 : i32
      %parallel_loop3A_765 = arith.constant 0 : i32
      %parallel_loop3A_766 = arith.cmpi sgt, %parallel_loop3A_80, %parallel_loop3A_765 : i32
      %parallel_loop3A_767 = arith.extui %parallel_loop3A_766 : i1 to i32
      %parallel_loop3A_768 = arith.constant 0 : i32
      %parallel_loop3A_769 = arith.cmpi slt, %parallel_loop3A_80, %parallel_loop3A_768 : i32
      %parallel_loop3A_770 = arith.extui %parallel_loop3A_769 : i1 to i32
      %parallel_loop3A_771 = arith.subi %parallel_loop3A_767, %parallel_loop3A_770 : i32
      %parallel_loop3A_772 = arith.constant 0 : i32
      %parallel_loop3A_773 = arith.cmpi sgt, %parallel_loop3A_763, %parallel_loop3A_772 : i32
      %parallel_loop3A_774 = arith.extui %parallel_loop3A_773 : i1 to i32
      %parallel_loop3A_775 = arith.constant 0 : i32
      %parallel_loop3A_776 = arith.cmpi slt, %parallel_loop3A_763, %parallel_loop3A_775 : i32
      %parallel_loop3A_777 = arith.extui %parallel_loop3A_776 : i1 to i32
      %parallel_loop3A_778 = arith.subi %parallel_loop3A_774, %parallel_loop3A_777 : i32
      %parallel_loop3A_779 = arith.cmpi ne, %parallel_loop3A_771, %parallel_loop3A_778 : i32
      %parallel_loop3A_780 = arith.remsi %parallel_loop3A_80, %parallel_loop3A_763 : i32
      %parallel_loop3A_781 = arith.constant 0 : i32
      %parallel_loop3A_782 = arith.cmpi ne, %parallel_loop3A_780, %parallel_loop3A_781 : i32
      %parallel_loop3A_783 = arith.andi %parallel_loop3A_779, %parallel_loop3A_782 : i1
      %parallel_loop3A_784 = arith.constant 1 : i32
      %parallel_loop3A_785 = arith.subi %parallel_loop3A_764, %parallel_loop3A_784 : i32
      %parallel_loop3A_786 = arith.select %parallel_loop3A_783, %parallel_loop3A_785, %parallel_loop3A_764 : i32
      %parallel_loop3A_787 = arith.constant 22 : i32
      %parallel_loop3A_788 = arith.index_cast %parallel_loop3A_787 : i32 to index
      %parallel_loop3A_789 = arith.index_cast %parallel_loop3A_786 : i32 to index
      %parallel_loop3A_790 = arith.index_cast %parallel_loop3A_124 : i32 to index
      %parallel_loop3A_791 = tpu.vector_load %arg7[%parallel_loop3A_788, %parallel_loop3A_789, %parallel_loop3A_790] {strides = array<i32>} : memref<29x8x128xf32, #tpu.memory_space<vmem>>, vector<16xf32>,
      %parallel_loop3A_792 = arith.constant 8 : i32
      %parallel_loop3A_793 = arith.divsi %parallel_loop3A_80, %parallel_loop3A_792 : i32
      %parallel_loop3A_794 = arith.constant 0 : i32
      %parallel_loop3A_795 = arith.cmpi sgt, %parallel_loop3A_80, %parallel_loop3A_794 : i32
      %parallel_loop3A_796 = arith.extui %parallel_loop3A_795 : i1 to i32
      %parallel_loop3A_797 = arith.constant 0 : i32
      %parallel_loop3A_798 = arith.cmpi slt, %parallel_loop3A_80, %parallel_loop3A_797 : i32
      %parallel_loop3A_799 = arith.extui %parallel_loop3A_798 : i1 to i32
      %parallel_loop3A_800 = arith.subi %parallel_loop3A_796, %parallel_loop3A_799 : i32
      %parallel_loop3A_801 = arith.constant 0 : i32
      %parallel_loop3A_802 = arith.cmpi sgt, %parallel_loop3A_792, %parallel_loop3A_801 : i32
      %parallel_loop3A_803 = arith.extui %parallel_loop3A_802 : i1 to i32
      %parallel_loop3A_804 = arith.constant 0 : i32
      %parallel_loop3A_805 = arith.cmpi slt, %parallel_loop3A_792, %parallel_loop3A_804 : i32
      %parallel_loop3A_806 = arith.extui %parallel_loop3A_805 : i1 to i32
      %parallel_loop3A_807 = arith.subi %parallel_loop3A_803, %parallel_loop3A_806 : i32
      %parallel_loop3A_808 = arith.cmpi ne, %parallel_loop3A_800, %parallel_loop3A_807 : i32
      %parallel_loop3A_809 = arith.remsi %parallel_loop3A_80, %parallel_loop3A_792 : i32
      %parallel_loop3A_810 = arith.constant 0 : i32
      %parallel_loop3A_811 = arith.cmpi ne, %parallel_loop3A_809, %parallel_loop3A_810 : i32
      %parallel_loop3A_812 = arith.andi %parallel_loop3A_808, %parallel_loop3A_811 : i1
      %parallel_loop3A_813 = arith.constant 1 : i32
      %parallel_loop3A_814 = arith.subi %parallel_loop3A_793, %parallel_loop3A_813 : i32
      %parallel_loop3A_815 = arith.select %parallel_loop3A_812, %parallel_loop3A_814, %parallel_loop3A_793 : i32
      %parallel_loop3A_816 = arith.constant 23 : i32
      %parallel_loop3A_817 = arith.index_cast %parallel_loop3A_816 : i32 to index
      %parallel_loop3A_818 = arith.index_cast %parallel_loop3A_815 : i32 to index
      %parallel_loop3A_819 = arith.index_cast %parallel_loop3A_124 : i32 to index
      %parallel_loop3A_820 = tpu.vector_load %arg7[%parallel_loop3A_817, %parallel_loop3A_818, %parallel_loop3A_819] {strides = array<i32>} : memref<29x8x128xf32, #tpu.memory_space<vmem>>, vector<16xf32>,
      %parallel_loop3A_821 = arith.constant 8 : i32
      %parallel_loop3A_822 = arith.divsi %parallel_loop3A_80, %parallel_loop3A_821 : i32
      %parallel_loop3A_823 = arith.constant 0 : i32
      %parallel_loop3A_824 = arith.cmpi sgt, %parallel_loop3A_80, %parallel_loop3A_823 : i32
      %parallel_loop3A_825 = arith.extui %parallel_loop3A_824 : i1 to i32
      %parallel_loop3A_826 = arith.constant 0 : i32
      %parallel_loop3A_827 = arith.cmpi slt, %parallel_loop3A_80, %parallel_loop3A_826 : i32
      %parallel_loop3A_828 = arith.extui %parallel_loop3A_827 : i1 to i32
      %parallel_loop3A_829 = arith.subi %parallel_loop3A_825, %parallel_loop3A_828 : i32
      %parallel_loop3A_830 = arith.constant 0 : i32
      %parallel_loop3A_831 = arith.cmpi sgt, %parallel_loop3A_821, %parallel_loop3A_830 : i32
      %parallel_loop3A_832 = arith.extui %parallel_loop3A_831 : i1 to i32
      %parallel_loop3A_833 = arith.constant 0 : i32
      %parallel_loop3A_834 = arith.cmpi slt, %parallel_loop3A_821, %parallel_loop3A_833 : i32
      %parallel_loop3A_835 = arith.extui %parallel_loop3A_834 : i1 to i32
      %parallel_loop3A_836 = arith.subi %parallel_loop3A_832, %parallel_loop3A_835 : i32
      %parallel_loop3A_837 = arith.cmpi ne, %parallel_loop3A_829, %parallel_loop3A_836 : i32
      %parallel_loop3A_838 = arith.remsi %parallel_loop3A_80, %parallel_loop3A_821 : i32
      %parallel_loop3A_839 = arith.constant 0 : i32
      %parallel_loop3A_840 = arith.cmpi ne, %parallel_loop3A_838, %parallel_loop3A_839 : i32
      %parallel_loop3A_841 = arith.andi %parallel_loop3A_837, %parallel_loop3A_840 : i1
      %parallel_loop3A_842 = arith.constant 1 : i32
      %parallel_loop3A_843 = arith.subi %parallel_loop3A_822, %parallel_loop3A_842 : i32
      %parallel_loop3A_844 = arith.select %parallel_loop3A_841, %parallel_loop3A_843, %parallel_loop3A_822 : i32
      %parallel_loop3A_845 = arith.constant 24 : i32
      %parallel_loop3A_846 = arith.index_cast %parallel_loop3A_845 : i32 to index
      %parallel_loop3A_847 = arith.index_cast %parallel_loop3A_844 : i32 to index
      %parallel_loop3A_848 = arith.index_cast %parallel_loop3A_124 : i32 to index
      %parallel_loop3A_849 = tpu.vector_load %arg7[%parallel_loop3A_846, %parallel_loop3A_847, %parallel_loop3A_848] {strides = array<i32>} : memref<29x8x128xf32, #tpu.memory_space<vmem>>, vector<16xf32>,
      %parallel_loop3A_850 = arith.constant 8 : i32
      %parallel_loop3A_851 = arith.divsi %parallel_loop3A_80, %parallel_loop3A_850 : i32
      %parallel_loop3A_852 = arith.constant 0 : i32
      %parallel_loop3A_853 = arith.cmpi sgt, %parallel_loop3A_80, %parallel_loop3A_852 : i32
      %parallel_loop3A_854 = arith.extui %parallel_loop3A_853 : i1 to i32
      %parallel_loop3A_855 = arith.constant 0 : i32
      %parallel_loop3A_856 = arith.cmpi slt, %parallel_loop3A_80, %parallel_loop3A_855 : i32
      %parallel_loop3A_857 = arith.extui %parallel_loop3A_856 : i1 to i32
      %parallel_loop3A_858 = arith.subi %parallel_loop3A_854, %parallel_loop3A_857 : i32
      %parallel_loop3A_859 = arith.constant 0 : i32
      %parallel_loop3A_860 = arith.cmpi sgt, %parallel_loop3A_850, %parallel_loop3A_859 : i32
      %parallel_loop3A_861 = arith.extui %parallel_loop3A_860 : i1 to i32
      %parallel_loop3A_862 = arith.constant 0 : i32
      %parallel_loop3A_863 = arith.cmpi slt, %parallel_loop3A_850, %parallel_loop3A_862 : i32
      %parallel_loop3A_864 = arith.extui %parallel_loop3A_863 : i1 to i32
      %parallel_loop3A_865 = arith.subi %parallel_loop3A_861, %parallel_loop3A_864 : i32
      %parallel_loop3A_866 = arith.cmpi ne, %parallel_loop3A_858, %parallel_loop3A_865 : i32
      %parallel_loop3A_867 = arith.remsi %parallel_loop3A_80, %parallel_loop3A_850 : i32
      %parallel_loop3A_868 = arith.constant 0 : i32
      %parallel_loop3A_869 = arith.cmpi ne, %parallel_loop3A_867, %parallel_loop3A_868 : i32
      %parallel_loop3A_870 = arith.andi %parallel_loop3A_866, %parallel_loop3A_869 : i1
      %parallel_loop3A_871 = arith.constant 1 : i32
      %parallel_loop3A_872 = arith.subi %parallel_loop3A_851, %parallel_loop3A_871 : i32
      %parallel_loop3A_873 = arith.select %parallel_loop3A_870, %parallel_loop3A_872, %parallel_loop3A_851 : i32
      %parallel_loop3A_874 = arith.constant 25 : i32
      %parallel_loop3A_875 = arith.index_cast %parallel_loop3A_874 : i32 to index
      %parallel_loop3A_876 = arith.index_cast %parallel_loop3A_873 : i32 to index
      %parallel_loop3A_877 = arith.index_cast %parallel_loop3A_124 : i32 to index
      %parallel_loop3A_878 = tpu.vector_load %arg7[%parallel_loop3A_875, %parallel_loop3A_876, %parallel_loop3A_877] {strides = array<i32>} : memref<29x8x128xf32, #tpu.memory_space<vmem>>, vector<16xf32>,
      %parallel_loop3A_879 = arith.constant 8 : i32
      %parallel_loop3A_880 = arith.divsi %parallel_loop3A_80, %parallel_loop3A_879 : i32
      %parallel_loop3A_881 = arith.constant 0 : i32
      %parallel_loop3A_882 = arith.cmpi sgt, %parallel_loop3A_80, %parallel_loop3A_881 : i32
      %parallel_loop3A_883 = arith.extui %parallel_loop3A_882 : i1 to i32
      %parallel_loop3A_884 = arith.constant 0 : i32
      %parallel_loop3A_885 = arith.cmpi slt, %parallel_loop3A_80, %parallel_loop3A_884 : i32
      %parallel_loop3A_886 = arith.extui %parallel_loop3A_885 : i1 to i32
      %parallel_loop3A_887 = arith.subi %parallel_loop3A_883, %parallel_loop3A_886 : i32
      %parallel_loop3A_888 = arith.constant 0 : i32
      %parallel_loop3A_889 = arith.cmpi sgt, %parallel_loop3A_879, %parallel_loop3A_888 : i32
      %parallel_loop3A_890 = arith.extui %parallel_loop3A_889 : i1 to i32
      %parallel_loop3A_891 = arith.constant 0 : i32
      %parallel_loop3A_892 = arith.cmpi slt, %parallel_loop3A_879, %parallel_loop3A_891 : i32
      %parallel_loop3A_893 = arith.extui %parallel_loop3A_892 : i1 to i32
      %parallel_loop3A_894 = arith.subi %parallel_loop3A_890, %parallel_loop3A_893 : i32
      %parallel_loop3A_895 = arith.cmpi ne, %parallel_loop3A_887, %parallel_loop3A_894 : i32
      %parallel_loop3A_896 = arith.remsi %parallel_loop3A_80, %parallel_loop3A_879 : i32
      %parallel_loop3A_897 = arith.constant 0 : i32
      %parallel_loop3A_898 = arith.cmpi ne, %parallel_loop3A_896, %parallel_loop3A_897 : i32
      %parallel_loop3A_899 = arith.andi %parallel_loop3A_895, %parallel_loop3A_898 : i1
      %parallel_loop3A_900 = arith.constant 1 : i32
      %parallel_loop3A_901 = arith.subi %parallel_loop3A_880, %parallel_loop3A_900 : i32
      %parallel_loop3A_902 = arith.select %parallel_loop3A_899, %parallel_loop3A_901, %parallel_loop3A_880 : i32
      %parallel_loop3A_903 = arith.constant 26 : i32
      %parallel_loop3A_904 = arith.index_cast %parallel_loop3A_903 : i32 to index
      %parallel_loop3A_905 = arith.index_cast %parallel_loop3A_902 : i32 to index
      %parallel_loop3A_906 = arith.index_cast %parallel_loop3A_124 : i32 to index
      %parallel_loop3A_907 = tpu.vector_load %arg7[%parallel_loop3A_904, %parallel_loop3A_905, %parallel_loop3A_906] {strides = array<i32>} : memref<29x8x128xf32, #tpu.memory_space<vmem>>, vector<16xf32>,
      %parallel_loop3A_908 = arith.constant 8 : i32
      %parallel_loop3A_909 = arith.divsi %parallel_loop3A_80, %parallel_loop3A_908 : i32
      %parallel_loop3A_910 = arith.constant 0 : i32
      %parallel_loop3A_911 = arith.cmpi sgt, %parallel_loop3A_80, %parallel_loop3A_910 : i32
      %parallel_loop3A_912 = arith.extui %parallel_loop3A_911 : i1 to i32
      %parallel_loop3A_913 = arith.constant 0 : i32
      %parallel_loop3A_914 = arith.cmpi slt, %parallel_loop3A_80, %parallel_loop3A_913 : i32
      %parallel_loop3A_915 = arith.extui %parallel_loop3A_914 : i1 to i32
      %parallel_loop3A_916 = arith.subi %parallel_loop3A_912, %parallel_loop3A_915 : i32
      %parallel_loop3A_917 = arith.constant 0 : i32
      %parallel_loop3A_918 = arith.cmpi sgt, %parallel_loop3A_908, %parallel_loop3A_917 : i32
      %parallel_loop3A_919 = arith.extui %parallel_loop3A_918 : i1 to i32
      %parallel_loop3A_920 = arith.constant 0 : i32
      %parallel_loop3A_921 = arith.cmpi slt, %parallel_loop3A_908, %parallel_loop3A_920 : i32
      %parallel_loop3A_922 = arith.extui %parallel_loop3A_921 : i1 to i32
      %parallel_loop3A_923 = arith.subi %parallel_loop3A_919, %parallel_loop3A_922 : i32
      %parallel_loop3A_924 = arith.cmpi ne, %parallel_loop3A_916, %parallel_loop3A_923 : i32
      %parallel_loop3A_925 = arith.remsi %parallel_loop3A_80, %parallel_loop3A_908 : i32
      %parallel_loop3A_926 = arith.constant 0 : i32
      %parallel_loop3A_927 = arith.cmpi ne, %parallel_loop3A_925, %parallel_loop3A_926 : i32
      %parallel_loop3A_928 = arith.andi %parallel_loop3A_924, %parallel_loop3A_927 : i1
      %parallel_loop3A_929 = arith.constant 1 : i32
      %parallel_loop3A_930 = arith.subi %parallel_loop3A_909, %parallel_loop3A_929 : i32
      %parallel_loop3A_931 = arith.select %parallel_loop3A_928, %parallel_loop3A_930, %parallel_loop3A_909 : i32
      %parallel_loop3A_932 = arith.constant 27 : i32
      %parallel_loop3A_933 = arith.index_cast %parallel_loop3A_932 : i32 to index
      %parallel_loop3A_934 = arith.index_cast %parallel_loop3A_931 : i32 to index
      %parallel_loop3A_935 = arith.index_cast %parallel_loop3A_124 : i32 to index
      %parallel_loop3A_936 = tpu.vector_load %arg7[%parallel_loop3A_933, %parallel_loop3A_934, %parallel_loop3A_935] {strides = array<i32>} : memref<29x8x128xf32, #tpu.memory_space<vmem>>, vector<16xf32>,
      %parallel_loop3A_937 = arith.constant 8 : i32
      %parallel_loop3A_938 = arith.divsi %parallel_loop3A_80, %parallel_loop3A_937 : i32
      %parallel_loop3A_939 = arith.constant 0 : i32
      %parallel_loop3A_940 = arith.cmpi sgt, %parallel_loop3A_80, %parallel_loop3A_939 : i32
      %parallel_loop3A_941 = arith.extui %parallel_loop3A_940 : i1 to i32
      %parallel_loop3A_942 = arith.constant 0 : i32
      %parallel_loop3A_943 = arith.cmpi slt, %parallel_loop3A_80, %parallel_loop3A_942 : i32
      %parallel_loop3A_944 = arith.extui %parallel_loop3A_943 : i1 to i32
      %parallel_loop3A_945 = arith.subi %parallel_loop3A_941, %parallel_loop3A_944 : i32
      %parallel_loop3A_946 = arith.constant 0 : i32
      %parallel_loop3A_947 = arith.cmpi sgt, %parallel_loop3A_937, %parallel_loop3A_946 : i32
      %parallel_loop3A_948 = arith.extui %parallel_loop3A_947 : i1 to i32
      %parallel_loop3A_949 = arith.constant 0 : i32
      %parallel_loop3A_950 = arith.cmpi slt, %parallel_loop3A_937, %parallel_loop3A_949 : i32
      %parallel_loop3A_951 = arith.extui %parallel_loop3A_950 : i1 to i32
      %parallel_loop3A_952 = arith.subi %parallel_loop3A_948, %parallel_loop3A_951 : i32
      %parallel_loop3A_953 = arith.cmpi ne, %parallel_loop3A_945, %parallel_loop3A_952 : i32
      %parallel_loop3A_954 = arith.remsi %parallel_loop3A_80, %parallel_loop3A_937 : i32
      %parallel_loop3A_955 = arith.constant 0 : i32
      %parallel_loop3A_956 = arith.cmpi ne, %parallel_loop3A_954, %parallel_loop3A_955 : i32
      %parallel_loop3A_957 = arith.andi %parallel_loop3A_953, %parallel_loop3A_956 : i1
      %parallel_loop3A_958 = arith.constant 1 : i32
      %parallel_loop3A_959 = arith.subi %parallel_loop3A_938, %parallel_loop3A_958 : i32
      %parallel_loop3A_960 = arith.select %parallel_loop3A_957, %parallel_loop3A_959, %parallel_loop3A_938 : i32
      %parallel_loop3A_961 = arith.constant 28 : i32
      %parallel_loop3A_962 = arith.index_cast %parallel_loop3A_961 : i32 to index
      %parallel_loop3A_963 = arith.index_cast %parallel_loop3A_960 : i32 to index
      %parallel_loop3A_964 = arith.index_cast %parallel_loop3A_124 : i32 to index
      %parallel_loop3A_965 = tpu.vector_load %arg7[%parallel_loop3A_962, %parallel_loop3A_963, %parallel_loop3A_964] {strides = array<i32>} : memref<29x8x128xf32, #tpu.memory_space<vmem>>, vector<16xf32>,
      %parallel_loop3A_966 = arith.cmpf ogt, %parallel_loop3A_182, %parallel_loop3A_153 : vector<16xf32>
      %parallel_loop3A_967 = arith.select %parallel_loop3A_966, %parallel_loop3A_182, %parallel_loop3A_153 : vector<16xi1>, vector<16xf32>
      %parallel_loop3A_968 = arith.constant 1 : i32
      %parallel_loop3A_969 = arith.constant 0 : i32
      %parallel_loop3A_970 = vector.broadcast %parallel_loop3A_968 : i32 to vector<16xi32>
      %parallel_loop3A_971 = vector.broadcast %parallel_loop3A_969 : i32 to vector<16xi32>
      %parallel_loop3A_972 = arith.select %parallel_loop3A_966, %parallel_loop3A_970, %parallel_loop3A_971 : vector<16xi1>, vector<16xi32>
      %parallel_loop3A_973 = arith.cmpf ogt, %parallel_loop3A_240, %parallel_loop3A_211 : vector<16xf32>
      %parallel_loop3A_974 = arith.select %parallel_loop3A_973, %parallel_loop3A_240, %parallel_loop3A_211 : vector<16xi1>, vector<16xf32>
      %parallel_loop3A_975 = arith.constant 3 : i32
      %parallel_loop3A_976 = arith.constant 2 : i32
      %parallel_loop3A_977 = vector.broadcast %parallel_loop3A_975 : i32 to vector<16xi32>
      %parallel_loop3A_978 = vector.broadcast %parallel_loop3A_976 : i32 to vector<16xi32>
      %parallel_loop3A_979 = arith.select %parallel_loop3A_973, %parallel_loop3A_977, %parallel_loop3A_978 : vector<16xi1>, vector<16xi32>
      %parallel_loop3A_980 = arith.cmpf ogt, %parallel_loop3A_298, %parallel_loop3A_269 : vector<16xf32>
      %parallel_loop3A_981 = arith.select %parallel_loop3A_980, %parallel_loop3A_298, %parallel_loop3A_269 : vector<16xi1>, vector<16xf32>
      %parallel_loop3A_982 = arith.constant 5 : i32
      %parallel_loop3A_983 = arith.constant 4 : i32
      %parallel_loop3A_984 = vector.broadcast %parallel_loop3A_982 : i32 to vector<16xi32>
      %parallel_loop3A_985 = vector.broadcast %parallel_loop3A_983 : i32 to vector<16xi32>
      %parallel_loop3A_986 = arith.select %parallel_loop3A_980, %parallel_loop3A_984, %parallel_loop3A_985 : vector<16xi1>, vector<16xi32>
      %parallel_loop3A_987 = arith.cmpf ogt, %parallel_loop3A_356, %parallel_loop3A_327 : vector<16xf32>
      %parallel_loop3A_988 = arith.select %parallel_loop3A_987, %parallel_loop3A_356, %parallel_loop3A_327 : vector<16xi1>, vector<16xf32>
      %parallel_loop3A_989 = arith.constant 7 : i32
      %parallel_loop3A_990 = arith.constant 6 : i32
      %parallel_loop3A_991 = vector.broadcast %parallel_loop3A_989 : i32 to vector<16xi32>
      %parallel_loop3A_992 = vector.broadcast %parallel_loop3A_990 : i32 to vector<16xi32>
      %parallel_loop3A_993 = arith.select %parallel_loop3A_987, %parallel_loop3A_991, %parallel_loop3A_992 : vector<16xi1>, vector<16xi32>
      %parallel_loop3A_994 = arith.cmpf ogt, %parallel_loop3A_414, %parallel_loop3A_385 : vector<16xf32>
      %parallel_loop3A_995 = arith.select %parallel_loop3A_994, %parallel_loop3A_414, %parallel_loop3A_385 : vector<16xi1>, vector<16xf32>
      %parallel_loop3A_996 = arith.constant 9 : i32
      %parallel_loop3A_997 = arith.constant 8 : i32
      %parallel_loop3A_998 = vector.broadcast %parallel_loop3A_996 : i32 to vector<16xi32>
      %parallel_loop3A_999 = vector.broadcast %parallel_loop3A_997 : i32 to vector<16xi32>
      %parallel_loop3A_1000 = arith.select %parallel_loop3A_994, %parallel_loop3A_998, %parallel_loop3A_999 : vector<16xi1>, vector<16xi32>
      %parallel_loop3A_1001 = arith.cmpf ogt, %parallel_loop3A_472, %parallel_loop3A_443 : vector<16xf32>
      %parallel_loop3A_1002 = arith.select %parallel_loop3A_1001, %parallel_loop3A_472, %parallel_loop3A_443 : vector<16xi1>, vector<16xf32>
      %parallel_loop3A_1003 = arith.constant 11 : i32
      %parallel_loop3A_1004 = arith.constant 10 : i32
      %parallel_loop3A_1005 = vector.broadcast %parallel_loop3A_1003 : i32 to vector<16xi32>
      %parallel_loop3A_1006 = vector.broadcast %parallel_loop3A_1004 : i32 to vector<16xi32>
      %parallel_loop3A_1007 = arith.select %parallel_loop3A_1001, %parallel_loop3A_1005, %parallel_loop3A_1006 : vector<16xi1>, vector<16xi32>
      %parallel_loop3A_1008 = arith.cmpf ogt, %parallel_loop3A_530, %parallel_loop3A_501 : vector<16xf32>
      %parallel_loop3A_1009 = arith.select %parallel_loop3A_1008, %parallel_loop3A_530, %parallel_loop3A_501 : vector<16xi1>, vector<16xf32>
      %parallel_loop3A_1010 = arith.constant 13 : i32
      %parallel_loop3A_1011 = arith.constant 12 : i32
      %parallel_loop3A_1012 = vector.broadcast %parallel_loop3A_1010 : i32 to vector<16xi32>
      %parallel_loop3A_1013 = vector.broadcast %parallel_loop3A_1011 : i32 to vector<16xi32>
      %parallel_loop3A_1014 = arith.select %parallel_loop3A_1008, %parallel_loop3A_1012, %parallel_loop3A_1013 : vector<16xi1>, vector<16xi32>
      %parallel_loop3A_1015 = arith.cmpf ogt, %parallel_loop3A_588, %parallel_loop3A_559 : vector<16xf32>
      %parallel_loop3A_1016 = arith.select %parallel_loop3A_1015, %parallel_loop3A_588, %parallel_loop3A_559 : vector<16xi1>, vector<16xf32>
      %parallel_loop3A_1017 = arith.constant 15 : i32
      %parallel_loop3A_1018 = arith.constant 14 : i32
      %parallel_loop3A_1019 = vector.broadcast %parallel_loop3A_1017 : i32 to vector<16xi32>
      %parallel_loop3A_1020 = vector.broadcast %parallel_loop3A_1018 : i32 to vector<16xi32>
      %parallel_loop3A_1021 = arith.select %parallel_loop3A_1015, %parallel_loop3A_1019, %parallel_loop3A_1020 : vector<16xi1>, vector<16xi32>
      %parallel_loop3A_1022 = arith.cmpf ogt, %parallel_loop3A_646, %parallel_loop3A_617 : vector<16xf32>
      %parallel_loop3A_1023 = arith.select %parallel_loop3A_1022, %parallel_loop3A_646, %parallel_loop3A_617 : vector<16xi1>, vector<16xf32>
      %parallel_loop3A_1024 = arith.constant 17 : i32
      %parallel_loop3A_1025 = arith.constant 16 : i32
      %parallel_loop3A_1026 = vector.broadcast %parallel_loop3A_1024 : i32 to vector<16xi32>
      %parallel_loop3A_1027 = vector.broadcast %parallel_loop3A_1025 : i32 to vector<16xi32>
      %parallel_loop3A_1028 = arith.select %parallel_loop3A_1022, %parallel_loop3A_1026, %parallel_loop3A_1027 : vector<16xi1>, vector<16xi32>
      %parallel_loop3A_1029 = arith.cmpf ogt, %parallel_loop3A_704, %parallel_loop3A_675 : vector<16xf32>
      %parallel_loop3A_1030 = arith.select %parallel_loop3A_1029, %parallel_loop3A_704, %parallel_loop3A_675 : vector<16xi1>, vector<16xf32>
      %parallel_loop3A_1031 = arith.constant 19 : i32
      %parallel_loop3A_1032 = arith.constant 18 : i32
      %parallel_loop3A_1033 = vector.broadcast %parallel_loop3A_1031 : i32 to vector<16xi32>
      %parallel_loop3A_1034 = vector.broadcast %parallel_loop3A_1032 : i32 to vector<16xi32>
      %parallel_loop3A_1035 = arith.select %parallel_loop3A_1029, %parallel_loop3A_1033, %parallel_loop3A_1034 : vector<16xi1>, vector<16xi32>
      %parallel_loop3A_1036 = arith.cmpf ogt, %parallel_loop3A_762, %parallel_loop3A_733 : vector<16xf32>
      %parallel_loop3A_1037 = arith.select %parallel_loop3A_1036, %parallel_loop3A_762, %parallel_loop3A_733 : vector<16xi1>, vector<16xf32>
      %parallel_loop3A_1038 = arith.constant 21 : i32
      %parallel_loop3A_1039 = arith.constant 20 : i32
      %parallel_loop3A_1040 = vector.broadcast %parallel_loop3A_1038 : i32 to vector<16xi32>
      %parallel_loop3A_1041 = vector.broadcast %parallel_loop3A_1039 : i32 to vector<16xi32>
      %parallel_loop3A_1042 = arith.select %parallel_loop3A_1036, %parallel_loop3A_1040, %parallel_loop3A_1041 : vector<16xi1>, vector<16xi32>
      %parallel_loop3A_1043 = arith.cmpf ogt, %parallel_loop3A_820, %parallel_loop3A_791 : vector<16xf32>
      %parallel_loop3A_1044 = arith.select %parallel_loop3A_1043, %parallel_loop3A_820, %parallel_loop3A_791 : vector<16xi1>, vector<16xf32>
      %parallel_loop3A_1045 = arith.constant 23 : i32
      %parallel_loop3A_1046 = arith.constant 22 : i32
      %parallel_loop3A_1047 = vector.broadcast %parallel_loop3A_1045 : i32 to vector<16xi32>
      %parallel_loop3A_1048 = vector.broadcast %parallel_loop3A_1046 : i32 to vector<16xi32>
      %parallel_loop3A_1049 = arith.select %parallel_loop3A_1043, %parallel_loop3A_1047, %parallel_loop3A_1048 : vector<16xi1>, vector<16xi32>
      %parallel_loop3A_1050 = arith.cmpf ogt, %parallel_loop3A_878, %parallel_loop3A_849 : vector<16xf32>
      %parallel_loop3A_1051 = arith.select %parallel_loop3A_1050, %parallel_loop3A_878, %parallel_loop3A_849 : vector<16xi1>, vector<16xf32>
      %parallel_loop3A_1052 = arith.constant 25 : i32
      %parallel_loop3A_1053 = arith.constant 24 : i32
      %parallel_loop3A_1054 = vector.broadcast %parallel_loop3A_1052 : i32 to vector<16xi32>
      %parallel_loop3A_1055 = vector.broadcast %parallel_loop3A_1053 : i32 to vector<16xi32>
      %parallel_loop3A_1056 = arith.select %parallel_loop3A_1050, %parallel_loop3A_1054, %parallel_loop3A_1055 : vector<16xi1>, vector<16xi32>
      %parallel_loop3A_1057 = arith.cmpf ogt, %parallel_loop3A_936, %parallel_loop3A_907 : vector<16xf32>
      %parallel_loop3A_1058 = arith.select %parallel_loop3A_1057, %parallel_loop3A_936, %parallel_loop3A_907 : vector<16xi1>, vector<16xf32>
      %parallel_loop3A_1059 = arith.constant 27 : i32
      %parallel_loop3A_1060 = arith.constant 26 : i32
      %parallel_loop3A_1061 = vector.broadcast %parallel_loop3A_1059 : i32 to vector<16xi32>
      %parallel_loop3A_1062 = vector.broadcast %parallel_loop3A_1060 : i32 to vector<16xi32>
      %parallel_loop3A_1063 = arith.select %parallel_loop3A_1057, %parallel_loop3A_1061, %parallel_loop3A_1062 : vector<16xi1>, vector<16xi32>
      %parallel_loop3A_1064 = arith.constant 28 : i32
      %parallel_loop3A_1065 = vector.broadcast %parallel_loop3A_1064 : i32 to vector<16xi32>
      %parallel_loop3A_1066 = arith.cmpf ogt, %parallel_loop3A_974, %parallel_loop3A_967 : vector<16xf32>
      %parallel_loop3A_1067 = arith.select %parallel_loop3A_1066, %parallel_loop3A_974, %parallel_loop3A_967 : vector<16xi1>, vector<16xf32>
      %parallel_loop3A_1068 = arith.select %parallel_loop3A_1066, %parallel_loop3A_979, %parallel_loop3A_972 : vector<16xi1>, vector<16xi32>
      %parallel_loop3A_1069 = arith.cmpf ogt, %parallel_loop3A_988, %parallel_loop3A_981 : vector<16xf32>
      %parallel_loop3A_1070 = arith.select %parallel_loop3A_1069, %parallel_loop3A_988, %parallel_loop3A_981 : vector<16xi1>, vector<16xf32>
      %parallel_loop3A_1071 = arith.select %parallel_loop3A_1069, %parallel_loop3A_993, %parallel_loop3A_986 : vector<16xi1>, vector<16xi32>
      %parallel_loop3A_1072 = arith.cmpf ogt, %parallel_loop3A_1002, %parallel_loop3A_995 : vector<16xf32>
      %parallel_loop3A_1073 = arith.select %parallel_loop3A_1072, %parallel_loop3A_1002, %parallel_loop3A_995 : vector<16xi1>, vector<16xf32>
      %parallel_loop3A_1074 = arith.select %parallel_loop3A_1072, %parallel_loop3A_1007, %parallel_loop3A_1000 : vector<16xi1>, vector<16xi32>
      %parallel_loop3A_1075 = arith.cmpf ogt, %parallel_loop3A_1016, %parallel_loop3A_1009 : vector<16xf32>
      %parallel_loop3A_1076 = arith.select %parallel_loop3A_1075, %parallel_loop3A_1016, %parallel_loop3A_1009 : vector<16xi1>, vector<16xf32>
      %parallel_loop3A_1077 = arith.select %parallel_loop3A_1075, %parallel_loop3A_1021, %parallel_loop3A_1014 : vector<16xi1>, vector<16xi32>
      %parallel_loop3A_1078 = arith.cmpf ogt, %parallel_loop3A_1030, %parallel_loop3A_1023 : vector<16xf32>
      %parallel_loop3A_1079 = arith.select %parallel_loop3A_1078, %parallel_loop3A_1030, %parallel_loop3A_1023 : vector<16xi1>, vector<16xf32>
      %parallel_loop3A_1080 = arith.select %parallel_loop3A_1078, %parallel_loop3A_1035, %parallel_loop3A_1028 : vector<16xi1>, vector<16xi32>
      %parallel_loop3A_1081 = arith.cmpf ogt, %parallel_loop3A_1044, %parallel_loop3A_1037 : vector<16xf32>
      %parallel_loop3A_1082 = arith.select %parallel_loop3A_1081, %parallel_loop3A_1044, %parallel_loop3A_1037 : vector<16xi1>, vector<16xf32>
      %parallel_loop3A_1083 = arith.select %parallel_loop3A_1081, %parallel_loop3A_1049, %parallel_loop3A_1042 : vector<16xi1>, vector<16xi32>
      %parallel_loop3A_1084 = arith.cmpf ogt, %parallel_loop3A_1058, %parallel_loop3A_1051 : vector<16xf32>
      %parallel_loop3A_1085 = arith.select %parallel_loop3A_1084, %parallel_loop3A_1058, %parallel_loop3A_1051 : vector<16xi1>, vector<16xf32>
      %parallel_loop3A_1086 = arith.select %parallel_loop3A_1084, %parallel_loop3A_1063, %parallel_loop3A_1056 : vector<16xi1>, vector<16xi32>
      %parallel_loop3A_1087 = arith.cmpf ogt, %parallel_loop3A_1070, %parallel_loop3A_1067 : vector<16xf32>
      %parallel_loop3A_1088 = arith.select %parallel_loop3A_1087, %parallel_loop3A_1070, %parallel_loop3A_1067 : vector<16xi1>, vector<16xf32>
      %parallel_loop3A_1089 = arith.select %parallel_loop3A_1087, %parallel_loop3A_1071, %parallel_loop3A_1068 : vector<16xi1>, vector<16xi32>
      %parallel_loop3A_1090 = arith.cmpf ogt, %parallel_loop3A_1076, %parallel_loop3A_1073 : vector<16xf32>
      %parallel_loop3A_1091 = arith.select %parallel_loop3A_1090, %parallel_loop3A_1076, %parallel_loop3A_1073 : vector<16xi1>, vector<16xf32>
      %parallel_loop3A_1092 = arith.select %parallel_loop3A_1090, %parallel_loop3A_1077, %parallel_loop3A_1074 : vector<16xi1>, vector<16xi32>
      %parallel_loop3A_1093 = arith.cmpf ogt, %parallel_loop3A_1082, %parallel_loop3A_1079 : vector<16xf32>
      %parallel_loop3A_1094 = arith.select %parallel_loop3A_1093, %parallel_loop3A_1082, %parallel_loop3A_1079 : vector<16xi1>, vector<16xf32>
      %parallel_loop3A_1095 = arith.select %parallel_loop3A_1093, %parallel_loop3A_1083, %parallel_loop3A_1080 : vector<16xi1>, vector<16xi32>
      %parallel_loop3A_1096 = arith.cmpf ogt, %parallel_loop3A_965, %parallel_loop3A_1085 : vector<16xf32>
      %parallel_loop3A_1097 = arith.select %parallel_loop3A_1096, %parallel_loop3A_965, %parallel_loop3A_1085 : vector<16xi1>, vector<16xf32>
      %parallel_loop3A_1098 = arith.select %parallel_loop3A_1096, %parallel_loop3A_1065, %parallel_loop3A_1086 : vector<16xi1>, vector<16xi32>
      %parallel_loop3A_1099 = arith.cmpf ogt, %parallel_loop3A_1091, %parallel_loop3A_1088 : vector<16xf32>
      %parallel_loop3A_1100 = arith.select %parallel_loop3A_1099, %parallel_loop3A_1091, %parallel_loop3A_1088 : vector<16xi1>, vector<16xf32>
      %parallel_loop3A_1101 = arith.select %parallel_loop3A_1099, %parallel_loop3A_1092, %parallel_loop3A_1089 : vector<16xi1>, vector<16xi32>
      %parallel_loop3A_1102 = arith.cmpf ogt, %parallel_loop3A_1097, %parallel_loop3A_1094 : vector<16xf32>
      %parallel_loop3A_1103 = arith.select %parallel_loop3A_1102, %parallel_loop3A_1097, %parallel_loop3A_1094 : vector<16xi1>, vector<16xf32>
      %parallel_loop3A_1104 = arith.select %parallel_loop3A_1102, %parallel_loop3A_1098, %parallel_loop3A_1095 : vector<16xi1>, vector<16xi32>
      %parallel_loop3A_1105 = arith.cmpf ogt, %parallel_loop3A_1103, %parallel_loop3A_1100 : vector<16xf32>
      %parallel_loop3A_1106 = arith.select %parallel_loop3A_1105, %parallel_loop3A_1103, %parallel_loop3A_1100 : vector<16xi1>, vector<16xf32>
      %parallel_loop3A_1107 = arith.select %parallel_loop3A_1105, %parallel_loop3A_1104, %parallel_loop3A_1101 : vector<16xi1>, vector<16xi32>
      %parallel_loop3A_1108 = arith.index_cast %parallel_loop3A_106 : i32 to index
      %parallel_loop3A_1109 = arith.index_cast %parallel_loop3A_124 : i32 to index
      %parallel_loop3A_1110 = tpu.vector_load %arg8[%parallel_loop3A_1108, %parallel_loop3A_1109] {strides = array<i32>} : memref<16x128xi32, #tpu.memory_space<vmem>>, vector<16xi32>,
      tpu.vector_store %arg8[%parallel_loop3A_1108, %parallel_loop3A_1109], %parallel_loop3A_1107 {strides = array<i32>} : memref<16x128xi32, #tpu.memory_space<vmem>>, vector<16xi32>,
      %parallel_loop3A_1111 = math.exp %parallel_loop3A_1106 : vector<16xf32>
      %parallel_loop3A_1112 = arith.index_cast %parallel_loop3A_106 : i32 to index
      %parallel_loop3A_1113 = arith.index_cast %parallel_loop3A_124 : i32 to index
      %parallel_loop3A_1114 = tpu.vector_load %arg10[%parallel_loop3A_1112, %parallel_loop3A_1113] {strides = array<i32>} : memref<16x128xf32, #tpu.memory_space<vmem>>, vector<16xf32>,
      tpu.vector_store %arg10[%parallel_loop3A_1112, %parallel_loop3A_1113], %parallel_loop3A_1111 {strides = array<i32>} : memref<16x128xf32, #tpu.memory_space<vmem>>, vector<16xf32>,
    } {sc.loop_unroll_factor = 1 : i64, sc.parallel_access}
    %parallel_loop3A_77 = arith.constant 0 : i32
    %parallel_loop3A_78 = arith.constant 64 : i32
    %parallel_loop3A_79 = arith.constant 1 : i32
    scf.for %parallel_loop3A_80 = %parallel_loop3A_77 to %parallel_loop3A_78 step %parallel_loop3A_79  : i32 {
      %parallel_loop3A_81 = arith.constant 8 : i32
      %parallel_loop3A_82 = arith.divsi %parallel_loop3A_80, %parallel_loop3A_81 : i32
      %parallel_loop3A_83 = arith.constant 0 : i32
      %parallel_loop3A_84 = arith.cmpi sgt, %parallel_loop3A_80, %parallel_loop3A_83 : i32
      %parallel_loop3A_85 = arith.extui %parallel_loop3A_84 : i1 to i32
      %parallel_loop3A_86 = arith.constant 0 : i32
      %parallel_loop3A_87 = arith.cmpi slt, %parallel_loop3A_80, %parallel_loop3A_86 : i32
      %parallel_loop3A_88 = arith.extui %parallel_loop3A_87 : i1 to i32
      %parallel_loop3A_89 = arith.subi %parallel_loop3A_85, %parallel_loop3A_88 : i32
      %parallel_loop3A_90 = arith.constant 0 : i32
      %parallel_loop3A_91 = arith.cmpi sgt, %parallel_loop3A_81, %parallel_loop3A_90 : i32
      %parallel_loop3A_92 = arith.extui %parallel_loop3A_91 : i1 to i32
      %parallel_loop3A_93 = arith.constant 0 : i32
      %parallel_loop3A_94 = arith.cmpi slt, %parallel_loop3A_81, %parallel_loop3A_93 : i32
      %parallel_loop3A_95 = arith.extui %parallel_loop3A_94 : i1 to i32
      %parallel_loop3A_96 = arith.subi %parallel_loop3A_92, %parallel_loop3A_95 : i32
      %parallel_loop3A_97 = arith.cmpi ne, %parallel_loop3A_89, %parallel_loop3A_96 : i32
      %parallel_loop3A_98 = arith.remsi %parallel_loop3A_80, %parallel_loop3A_81 : i32
      %parallel_loop3A_99 = arith.constant 0 : i32
      %parallel_loop3A_100 = arith.cmpi ne, %parallel_loop3A_98, %parallel_loop3A_99 : i32
      %parallel_loop3A_101 = arith.andi %parallel_loop3A_97, %parallel_loop3A_100 : i1
      %parallel_loop3A_102 = arith.constant 1 : i32
      %parallel_loop3A_103 = arith.subi %parallel_loop3A_82, %parallel_loop3A_102 : i32
      %parallel_loop3A_104 = arith.select %parallel_loop3A_101, %parallel_loop3A_103, %parallel_loop3A_82 : i32
      %parallel_loop3A_105 = arith.constant 8 : i32
      %parallel_loop3A_106 = arith.addi %parallel_loop3A_105, %parallel_loop3A_104 : i32
      %parallel_loop3A_107 = arith.constant 8 : i32
      %parallel_loop3A_108 = arith.constant 0 : i32
      %parallel_loop3A_109 = arith.cmpi eq, %parallel_loop3A_107, %parallel_loop3A_108 : i32
      %parallel_loop3A_110 = arith.constant 1 : i32
      %parallel_loop3A_111 = arith.select %parallel_loop3A_109, %parallel_loop3A_110, %parallel_loop3A_107 : i32
      %parallel_loop3A_112 = arith.remsi %parallel_loop3A_80, %parallel_loop3A_111 : i32
      %parallel_loop3A_113 = arith.constant 0 : i32
      %parallel_loop3A_114 = arith.cmpi ne, %parallel_loop3A_112, %parallel_loop3A_113 : i32
      %parallel_loop3A_115 = arith.constant 0 : i32
      %parallel_loop3A_116 = arith.cmpi slt, %parallel_loop3A_112, %parallel_loop3A_115 : i32
      %parallel_loop3A_117 = arith.constant 0 : i32
      %parallel_loop3A_118 = arith.cmpi slt, %parallel_loop3A_111, %parallel_loop3A_117 : i32
      %parallel_loop3A_119 = arith.xori %parallel_loop3A_116, %parallel_loop3A_118 : i1
      %parallel_loop3A_120 = arith.andi %parallel_loop3A_119, %parallel_loop3A_114 : i1
      %parallel_loop3A_121 = arith.addi %parallel_loop3A_112, %parallel_loop3A_111 : i32
      %parallel_loop3A_122 = arith.select %parallel_loop3A_120, %parallel_loop3A_121, %parallel_loop3A_112 : i32
      %parallel_loop3A_123 = arith.constant 16 : i32
      %parallel_loop3A_124 = arith.muli %parallel_loop3A_122, %parallel_loop3A_123 : i32
      %parallel_loop3A_125 = arith.index_cast %parallel_loop3A_106 : i32 to index
      %parallel_loop3A_126 = arith.index_cast %parallel_loop3A_124 : i32 to index
      %parallel_loop3A_127 = tpu.vector_load %arg8[%parallel_loop3A_125, %parallel_loop3A_126] {strides = array<i32>} : memref<16x128xi32, #tpu.memory_space<vmem>>, vector<16xi32>,
      %parallel_loop3A_128 = arith.constant 128 : i32
      %parallel_loop3A_129 = arith.muli %parallel_loop3A_106, %parallel_loop3A_128 : i32
      %parallel_loop3A_130 = arith.addi %parallel_loop3A_129, %parallel_loop3A_124 : i32
      %parallel_loop3A_131 = vector.broadcast %parallel_loop3A_130 : i32 to vector<16xi32>
      %parallel_loop3A_132 = arith.addi %parallel_loop3A_131, %iota3A : vector<16xi32>
      %parallel_loop3A_133 = arith.constant 1 : i32
      %parallel_loop3A_134 = vector.broadcast %parallel_loop3A_133 : i32 to vector<16xi32>
      %parallel_loop3A_135 = arith.subi %parallel_loop3A_132, %parallel_loop3A_134 : vector<16xi32>
      %parallel_loop3A_136 = arith.constant 0 : i32
      %parallel_loop3A_137 = vector.broadcast %parallel_loop3A_136 : i32 to vector<16xi32>
      %parallel_loop3A_138 = arith.maxsi %parallel_loop3A_135, %parallel_loop3A_137 : vector<16xi32>
      %parallel_loop3A_139 = arith.constant 7 : i32
      %parallel_loop3A_140 = vector.broadcast %parallel_loop3A_139 : i32 to vector<16xi32>
      %parallel_loop3A_141 = arith.shrui %parallel_loop3A_138, %parallel_loop3A_140 : vector<16xi32>
      %parallel_loop3A_142 = arith.constant 127 : i32
      %parallel_loop3A_143 = vector.broadcast %parallel_loop3A_142 : i32 to vector<16xi32>
      %parallel_loop3A_144 = arith.andi %parallel_loop3A_138, %parallel_loop3A_143 : vector<16xi32>
      %parallel_loop3A_145 = tpu.vector_load_idx %arg8[%parallel_loop3A_141, %parallel_loop3A_144] : memref<16x128xi32, #tpu.memory_space<vmem>>[vector<16xi32>, vector<16xi32>], vector<16xi32>,
      %parallel_loop3A_146 = arith.constant 0 : i32
      %parallel_loop3A_147 = vector.broadcast %parallel_loop3A_146 : i32 to vector<16xi32>
      %parallel_loop3A_148 = arith.cmpi ne, %parallel_loop3A_127, %parallel_loop3A_147 : vector<16xi32>
      %parallel_loop3A_149 = arith.cmpi ne, %parallel_loop3A_127, %parallel_loop3A_145 : vector<16xi32>
      %parallel_loop3A_150 = arith.constant 0 : i32
      %parallel_loop3A_151 = vector.broadcast %parallel_loop3A_150 : i32 to vector<16xi32>
      %parallel_loop3A_152 = arith.cmpi eq, %parallel_loop3A_132, %parallel_loop3A_151 : vector<16xi32>
      %parallel_loop3A_153 = arith.ori %parallel_loop3A_149, %parallel_loop3A_152 : vector<16xi1>
      %parallel_loop3A_154 = arith.andi %parallel_loop3A_148, %parallel_loop3A_153 : vector<16xi1>
      %parallel_loop3A_155 = arith.extui %parallel_loop3A_154 : vector<16xi1> to vector<16xi32>
      %parallel_loop3A_156 = arith.index_cast %parallel_loop3A_106 : i32 to index
      %parallel_loop3A_157 = arith.index_cast %parallel_loop3A_124 : i32 to index
      %parallel_loop3A_158 = tpu.vector_load %arg9[%parallel_loop3A_156, %parallel_loop3A_157] {strides = array<i32>} : memref<16x128xi32, #tpu.memory_space<vmem>>, vector<16xi32>,
      tpu.vector_store %arg9[%parallel_loop3A_156, %parallel_loop3A_157], %parallel_loop3A_155 {strides = array<i32>} : memref<16x128xi32, #tpu.memory_space<vmem>>, vector<16xi32>,
    } {sc.loop_unroll_factor = 1 : i64, sc.parallel_access}
    "tpu.region"() ({
      %run_scoped3A = tpu.sem_alloc : memref<!tpu.dma_semaphore, #tpu.memory_space<semaphore_mem>>
      %dma_start3A_80 = arith.constant 0 : i32
      %dma_start3A_81 = arith.constant 0 : i32
      %dma_start3A_82 = tpu.memref_slice %arg3[%select_n3A, %dma_start3A_80, %select_n3A_30, %dma_start3A_81] : memref<4x16x8x128xi32, #tpu.memory_space<hbm>> -> memref<1x16x1x128xi32, #tpu.memory_space<hbm>>
      %dma_start3A_83 = tpu.memref_squeeze %dma_start3A_82 : memref<1x16x1x128xi32, #tpu.memory_space<hbm>> -> memref<16x128xi32, #tpu.memory_space<hbm>>
      %dma_start3A_84 = arith.constant 0 : i32
      %dma_start3A_85 = arith.constant 0 : i32
      %dma_start3A_86 = tpu.memref_slice %arg3[%select_n3A, %dma_start3A_84, %select_n3A_30, %dma_start3A_85] : memref<4x16x8x128xi32, #tpu.memory_space<hbm>> -> memref<1x16x1x128xi32, #tpu.memory_space<hbm>>
      %dma_start3A_87 = tpu.memref_squeeze %dma_start3A_86 : memref<1x16x1x128xi32, #tpu.memory_space<hbm>> -> memref<16x128xi32, #tpu.memory_space<hbm>>
      tpu.enqueue_dma source(%arg8 : memref<16x128xi32, #tpu.memory_space<vmem>>) target(%dma_start3A_87 : memref<16x128xi32, #tpu.memory_space<hbm>>) target_semaphore(%run_scoped3A : memref<!tpu.dma_semaphore, #tpu.memory_space<semaphore_mem>>)
      %dma_wait3A_88 = arith.constant 0 : i32
      %dma_wait3A_89 = arith.constant 0 : i32
      %dma_wait3A_90 = tpu.memref_slice %arg3[%select_n3A, %dma_wait3A_88, %select_n3A_30, %dma_wait3A_89] : memref<4x16x8x128xi32, #tpu.memory_space<hbm>> -> memref<1x16x1x128xi32, #tpu.memory_space<hbm>>
      %dma_wait3A_91 = tpu.memref_squeeze %dma_wait3A_90 : memref<1x16x1x128xi32, #tpu.memory_space<hbm>> -> memref<16x128xi32, #tpu.memory_space<hbm>>
      %dma_wait3A_92 = arith.constant 0 : i32
      %dma_wait3A_93 = arith.constant 0 : i32
      %dma_wait3A_94 = tpu.memref_slice %arg3[%select_n3A, %dma_wait3A_92, %select_n3A_30, %dma_wait3A_93] : memref<4x16x8x128xi32, #tpu.memory_space<hbm>> -> memref<1x16x1x128xi32, #tpu.memory_space<hbm>>
      %dma_wait3A_95 = tpu.memref_squeeze %dma_wait3A_94 : memref<1x16x1x128xi32, #tpu.memory_space<hbm>> -> memref<16x128xi32, #tpu.memory_space<hbm>>
      tpu.wait_dma2 semaphore(%run_scoped3A : memref<!tpu.dma_semaphore, #tpu.memory_space<semaphore_mem>>) src(%arg8 : memref<16x128xi32, #tpu.memory_space<vmem>>) dst(%dma_wait3A_95 : memref<16x128xi32, #tpu.memory_space<hbm>>)
      tpu.yield
    }) : () -> ()
    "tpu.region"() ({
      %run_scoped3A = tpu.sem_alloc : memref<!tpu.dma_semaphore, #tpu.memory_space<semaphore_mem>>
      %dma_start3A_80 = arith.constant 0 : i32
      %dma_start3A_81 = arith.constant 0 : i32
      %dma_start3A_82 = tpu.memref_slice %arg4[%select_n3A, %dma_start3A_80, %select_n3A_30, %dma_start3A_81] : memref<4x16x8x128xi32, #tpu.memory_space<hbm>> -> memref<1x16x1x128xi32, #tpu.memory_space<hbm>>
      %dma_start3A_83 = tpu.memref_squeeze %dma_start3A_82 : memref<1x16x1x128xi32, #tpu.memory_space<hbm>> -> memref<16x128xi32, #tpu.memory_space<hbm>>
      %dma_start3A_84 = arith.constant 0 : i32
      %dma_start3A_85 = arith.constant 0 : i32
      %dma_start3A_86 = tpu.memref_slice %arg4[%select_n3A, %dma_start3A_84, %select_n3A_30, %dma_start3A_85] : memref<4x16x8x128xi32, #tpu.memory_space<hbm>> -> memref<1x16x1x128xi32, #tpu.memory_space<hbm>>
      %dma_start3A_87 = tpu.memref_squeeze %dma_start3A_86 : memref<1x16x1x128xi32, #tpu.memory_space<hbm>> -> memref<16x128xi32, #tpu.memory_space<hbm>>
      tpu.enqueue_dma source(%arg9 : memref<16x128xi32, #tpu.memory_space<vmem>>) target(%dma_start3A_87 : memref<16x128xi32, #tpu.memory_space<hbm>>) target_semaphore(%run_scoped3A : memref<!tpu.dma_semaphore, #tpu.memory_space<semaphore_mem>>)
      %dma_wait3A_88 = arith.constant 0 : i32
      %dma_wait3A_89 = arith.constant 0 : i32
      %dma_wait3A_90 = tpu.memref_slice %arg4[%select_n3A, %dma_wait3A_88, %select_n3A_30, %dma_wait3A_89] : memref<4x16x8x128xi32, #tpu.memory_space<hbm>> -> memref<1x16x1x128xi32, #tpu.memory_space<hbm>>
      %dma_wait3A_91 = tpu.memref_squeeze %dma_wait3A_90 : memref<1x16x1x128xi32, #tpu.memory_space<hbm>> -> memref<16x128xi32, #tpu.memory_space<hbm>>
      %dma_wait3A_92 = arith.constant 0 : i32
      %dma_wait3A_93 = arith.constant 0 : i32
      %dma_wait3A_94 = tpu.memref_slice %arg4[%select_n3A, %dma_wait3A_92, %select_n3A_30, %dma_wait3A_93] : memref<4x16x8x128xi32, #tpu.memory_space<hbm>> -> memref<1x16x1x128xi32, #tpu.memory_space<hbm>>
      %dma_wait3A_95 = tpu.memref_squeeze %dma_wait3A_94 : memref<1x16x1x128xi32, #tpu.memory_space<hbm>> -> memref<16x128xi32, #tpu.memory_space<hbm>>
      tpu.wait_dma2 semaphore(%run_scoped3A : memref<!tpu.dma_semaphore, #tpu.memory_space<semaphore_mem>>) src(%arg9 : memref<16x128xi32, #tpu.memory_space<vmem>>) dst(%dma_wait3A_95 : memref<16x128xi32, #tpu.memory_space<hbm>>)
      tpu.yield
    }) : () -> ()
    "tpu.region"() ({
      %run_scoped3A = tpu.sem_alloc : memref<!tpu.dma_semaphore, #tpu.memory_space<semaphore_mem>>
      %dma_start3A_80 = arith.constant 0 : i32
      %dma_start3A_81 = arith.constant 0 : i32
      %dma_start3A_82 = tpu.memref_slice %arg5[%select_n3A, %dma_start3A_80, %select_n3A_30, %dma_start3A_81] : memref<4x16x8x128xf32, #tpu.memory_space<hbm>> -> memref<1x16x1x128xf32, #tpu.memory_space<hbm>>
      %dma_start3A_83 = tpu.memref_squeeze %dma_start3A_82 : memref<1x16x1x128xf32, #tpu.memory_space<hbm>> -> memref<16x128xf32, #tpu.memory_space<hbm>>
      %dma_start3A_84 = arith.constant 0 : i32
      %dma_start3A_85 = arith.constant 0 : i32
      %dma_start3A_86 = tpu.memref_slice %arg5[%select_n3A, %dma_start3A_84, %select_n3A_30, %dma_start3A_85] : memref<4x16x8x128xf32, #tpu.memory_space<hbm>> -> memref<1x16x1x128xf32, #tpu.memory_space<hbm>>
      %dma_start3A_87 = tpu.memref_squeeze %dma_start3A_86 : memref<1x16x1x128xf32, #tpu.memory_space<hbm>> -> memref<16x128xf32, #tpu.memory_space<hbm>>
      tpu.enqueue_dma source(%arg10 : memref<16x128xf32, #tpu.memory_space<vmem>>) target(%dma_start3A_87 : memref<16x128xf32, #tpu.memory_space<hbm>>) target_semaphore(%run_scoped3A : memref<!tpu.dma_semaphore, #tpu.memory_space<semaphore_mem>>)
      %dma_wait3A_88 = arith.constant 0 : i32
      %dma_wait3A_89 = arith.constant 0 : i32
      %dma_wait3A_90 = tpu.memref_slice %arg5[%select_n3A, %dma_wait3A_88, %select_n3A_30, %dma_wait3A_89] : memref<4x16x8x128xf32, #tpu.memory_space<hbm>> -> memref<1x16x1x128xf32, #tpu.memory_space<hbm>>
      %dma_wait3A_91 = tpu.memref_squeeze %dma_wait3A_90 : memref<1x16x1x128xf32, #tpu.memory_space<hbm>> -> memref<16x128xf32, #tpu.memory_space<hbm>>
      %dma_wait3A_92 = arith.constant 0 : i32
      %dma_wait3A_93 = arith.constant 0 : i32
      %dma_wait3A_94 = tpu.memref_slice %arg5[%select_n3A, %dma_wait3A_92, %select_n3A_30, %dma_wait3A_93] : memref<4x16x8x128xf32, #tpu.memory_space<hbm>> -> memref<1x16x1x128xf32, #tpu.memory_space<hbm>>
      %dma_wait3A_95 = tpu.memref_squeeze %dma_wait3A_94 : memref<1x16x1x128xf32, #tpu.memory_space<hbm>> -> memref<16x128xf32, #tpu.memory_space<hbm>>
      tpu.wait_dma2 semaphore(%run_scoped3A : memref<!tpu.dma_semaphore, #tpu.memory_space<semaphore_mem>>) src(%arg10 : memref<16x128xf32, #tpu.memory_space<vmem>>) dst(%dma_wait3A_95 : memref<16x128xf32, #tpu.memory_space<hbm>>)
      tpu.yield
    }) : () -> ()
    return
  }
}

</mosaic_0001>

<sc_bundles>
// kernel: _ctc_sc.3.cloned.1.call-start
scs
__scs_entry_jumppad:
0x0: {  	(pc) =	sbr.rel $0x88, $3  }
0x1: {  	(tag) =	ssettag $0x0;
	lr =	simm.s32 $0x1  }
0x2: {  	[smem:$0x3FA0] =	sst lr;
	_ =	strace $0xD0000000  }
0x3: {  	_ = 	snop  }
0x4: {  	_ = 	snop  }
0x5: {  	_ = 	snop  }
0x6: {  	_ = 	snop  }
0x7: {  	_ = 	snop  }
__scs_overlays_trampoline_lowered:
0x8: {  	[smem:$0x3FAF] =	sst s0  }
0x9: {  	[smem:$0x3FB0] =	sst s1  }
0xa: {  	[smem:$0x3FB1] =	sst s2  }
0xb: {  	[smem:$0x3FB2] =	sst s3  }
0xc: {  	[smem:$0x3FB3] =	sst s4  }
0xd: {  	[smem:$0x3FB4] =	sst s5  }
0xe: {  	[smem:$0x3FB5] =	sst s6  }
0xf: {  	[smem:$0x3FB6] =	sst s7  }
0x10: {  	[smem:$0x3FB7] =	sst s8  }
0x11: {  	[smem:$0x3FB8] =	sst s9;
	s0 =	simm.s32 @!p0 $0x0  }
0x12: {  	s1 =	sld [smem:$0x3F9E];
	s0 =	simm.s32 @p0 $0x1  }
0x13: {  	[smem:$0x3FB9] =	sst s0;
	s0 =	simm.s32 @!p1 $0x0  }
0x14: {  	s2 =	sld [smem:$0x3F9D];
	s0 =	simm.s32 @p1 $0x1  }
0x15: {  	[smem:$0x3FBA] =	sst s0;
	s0 =	simm.s32 @!p2 $0x0  }
0x16: {  	s3 =	sld [smem:$0x3FDB];
	s0 =	simm.s32 @p2 $0x1  }
0x17: {  	s4 =	simm.s32 $0x1BF5;
	[smem:$0x3FBC] =	sst s0  }
0x18: {  	s0 =	sld [smem:$0x3F9F];
	_ =	swait.ge [sflag:s4], $0x0  }
0x19: {  	s7 =	sld [smem:$0x3FA0]  }
0x1a: {  	s8 =	sadd.s32 $0xFFFFE003, lr  }
0x1b: {  	s9 =	sadd.s32 $0xFFFFFEF7, lr;
	s5 =	simm.s32 $0xFFFFFFFF;
	p2 =	slt.u32 s8, $0xFFFFF086  }
0x1c: {  	p1 =	slt.u32 s9, $0xF7A;
	s5 =	simm.s32 @!p2 $0x0  }
0x1d: {  	s5 =	simm.s32 @p1 $0x1;
	p0 =	seq.s32 s7, s2  }
0x1e: {  	s7 =	smul.u32 @!p0 $0xF7A, s2;
	p2 =	seq.s32 @!p0 s5, $0x0  }
0x1f: {  	s9 =	smul.u32 $0xF7A, s1;
	s8 =	simm.s32 @!p0 $0x1BF5;
	p2 =	por !p2, p0  }
0x20: {  	[sflag:s8] =	ssyncset.s32 @!p0 $0xFFFFF086;
	s6 =	sadd.s32 @!p0 s3, s7;
	s7 =	simm.s32 @!p0 $0x108  }
0x21: {  	s3 =	sadd.s32 s3, s9;
	s6 =	sadd.s32 @!p0 $0x88, s6;
	s7 =	simm.s32 @p2 $0x1082  }
0x22: {  	[simem:s7], [sflag:s8] =	dma.local @!p0 [hbm:s6], $0xF7A  }
0x23: {  	s9 =	sor.u32 $0xD0000000, s2;
	s6 =	simm.s32 $0x108;
	_ =	swait.ge @!p0 [sflag:s8], $0x0  }
0x24: {  	s3 =	sadd.s32 $0x88, s3;
	s6 =	simm.s32 @!p1 $0x1082;
	[sflag:s4] =	ssyncset.s32 $0xFFFFF086  }
0x25: {  	[simem:s6], [sflag:s4] =	dma.local [hbm:s3], $0xF7A  }
0x26: {  	[smem:$0x3FA0] =	sst s1;
	(tag) =	ssettag s2;
	_ =	strace s9  }
0x27: {  	s1 =	sld [smem:$0x3FB0]  }
0x28: {  	s2 =	sld [smem:$0x3FB1]  }
0x29: {  	s4 =	sld [smem:$0x3FB3]  }
0x2a: {  	p0 =	seq.s32 s5, $0x0;
	s5 =	sld [smem:$0x3FB4]  }
0x2b: {  	s6 =	sld [smem:$0x3FB5]  }
0x2c: {  	s7 =	sld [smem:$0x3FB6]  }
0x2d: {  	s3 =	simm.s32 $0x108;
	s8 =	sld [smem:$0x3FB7]  }
0x2e: {  	s3 =	simm.s32 @!p0 $0x1082;
	s9 =	sld [smem:$0x3FB8]  }
0x2f: {  	lr =	sadd.s32 s0, s3;
	s0 =	sld [smem:$0x3FAF]  }
0x30: {  	s3 =	sld [smem:$0x3FB2]  }
0x31: {  	[smem:$0x3FBB] =	sst s10  }
0x32: {  	s10 =	sld [smem:$0x3FB9];
	_ =	sdelay $0x3  }
0x33: {  	p0 =	seq.s32 s10, $0x1;
	s10 =	sld [smem:$0x3FBB];
	_ =	sdelay $0x3  }
0x34: {  	[smem:$0x3FBB] =	sst s10  }
0x35: {  	s10 =	sld [smem:$0x3FBA];
	_ =	sdelay $0x3  }
0x36: {  	p1 =	seq.s32 s10, $0x1;
	s10 =	sld [smem:$0x3FBB];
	_ =	sdelay $0x3  }
0x37: {  	[smem:$0x3FBB] =	sst s10  }
0x38: {  	s10 =	sld [smem:$0x3FBC]  }
0x39: {  	_ = 	snop;
	(pc) =	sbr.ind lr, $3  }
0x3a: {  	_ = 	snop  }
0x3b: {  	_ = 	snop  }
0x3c: {  	p2 =	seq.s32 s10, $0x1;
	s10 =	sld [smem:$0x3FBB]  }
0x3d: {  	_ =	shalt  }
0x3e: {  	_ =	shalt  }
0x3f: {  	_ =	shalt  }
0x40: {  	_ =	shalt  }
0x41: {  	_ =	shalt  }
0x42: {  	_ =	shalt  }
0x43: {  	_ =	shalt  }
0x44: {  	_ =	shalt  }
0x45: {  	_ =	shalt  }
0x46: {  	_ =	shalt  }
0x47: {  	_ =	shalt  }
0x48: {  	_ =	shalt  }
0x49: {  	_ =	shalt  }
0x4a: {  	_ =	shalt  }
0x4b: {  	_ =	shalt  }
0x4c: {  	_ =	shalt  }
0x4d: {  	_ =	shalt  }
0x4e: {  	_ =	shalt  }
0x4f: {  	_ =	shalt  }
0x50: {  	_ =	shalt  }
0x51: {  	_ =	shalt  }
0x52: {  	_ =	shalt  }
0x53: {  	_ =	shalt  }
0x54: {  	_ =	shalt  }
0x55: {  	_ =	shalt  }
0x56: {  	_ =	shalt  }
0x57: {  	_ =	shalt  }
0x58: {  	_ =	shalt  }
0x59: {  	_ =	shalt  }
0x5a: {  	_ =	shalt  }
0x5b: {  	_ =	shalt  }
0x5c: {  	_ =	shalt  }
0x5d: {  	_ =	shalt  }
0x5e: {  	_ =	shalt  }
0x5f: {  	_ =	shalt  }
0x60: {  	_ =	shalt  }
0x61: {  	_ =	shalt  }
0x62: {  	_ =	shalt  }
0x63: {  	_ =	shalt  }
0x64: {  	_ =	shalt  }
0x65: {  	_ =	shalt  }
0x66: {  	_ =	shalt  }
0x67: {  	_ =	shalt  }
0x68: {  	_ =	shalt  }
0x69: {  	_ =	shalt  }
0x6a: {  	_ =	shalt  }
0x6b: {  	_ =	shalt  }
0x6c: {  	_ =	shalt  }
0x6d: {  	_ =	shalt  }
0x6e: {  	_ =	shalt  }
0x6f: {  	_ =	shalt  }
0x70: {  	_ =	shalt  }
0x71: {  	_ =	shalt  }
0x72: {  	_ =	shalt  }
0x73: {  	_ =	shalt  }
0x74: {  	_ =	shalt  }
0x75: {  	_ =	shalt  }
0x76: {  	_ =	shalt  }
0x77: {  	_ =	shalt  }
0x78: {  	_ =	shalt  }
0x79: {  	_ =	shalt  }
0x7a: {  	_ =	shalt  }
0x7b: {  	_ =	shalt  }
0x7c: {  	_ =	shalt  }
0x7d: {  	_ =	shalt  }
0x7e: {  	_ =	shalt  }
0x7f: {  	_ =	shalt  }
0x80: {  	_ =	shalt  }
0x81: {  	_ =	shalt  }
0x82: {  	_ =	shalt  }
0x83: {  	_ =	shalt  }
0x84: {  	_ =	shalt  }
0x85: {  	_ =	shalt  }
0x86: {  	_ =	shalt  }
0x87: {  	_ =	shalt  }
.Lfunc_end0:
.L_simem_size_0:
called_computation_lowered:
.L_overlay_start_0:
0x88: {  	s2 =	sld [smem:$0x3FD9]  }
0x89: {  	s3 =	sld [smem:$0x3FFE];
	_ =	sdelay $0x1  }
0x8a: {  	s1 =	srdreg.scid  }
0x8b: {  	s0 =	sand.u32 $0x1, s1  }
0x8c: {  	s15 =	sshll.u32 s0, $0xA;
	s2 =	sadd.s32 s3, s2  }
0x8d: {  	s2 =	sadd.s32 s2, s15  }
0x8e: {  	[smem:$0x3FC7] =	sst s2  }
0x8f: {  	_ = 	snop  }
0x90: {  	s2 =	sld [smem:$0x3FD0];
	_ =	sdelay $0x2  }
0x91: {  	s4 =	simm.s32 $0xA;
	s5 =	simm.s32 $0x10;
	s16 =	sld [smem:$0x3FC9]  }
0x92: {  	[smem:s5], [sflag:s4] =	dma.local [hbm:s2], $0x1  }
0x93: {  	_ =	swait.eq [sflag:s4], $0x1  }
0x94: {  	s17 =	sld [smem:$0x10];
	[sflag:s4] =	ssyncset.done $0x0  }
0x95: {  	s18 =	sld [smem:$0x11];
	[sflag:s4] =	ssyncadd.s32 $0xFFFFFFFF  }
0x96: {  	s19 =	sld [smem:$0x12];
	(tm) =	ssettm $0x1  }
0x97: {  	s6 =	sld [smem:$0x3FFB];
	_ =	sdelay $0x3  }
0x98: {  	_ =	strace s6  }
0x99: {  	s6 =	sld [smem:$0x3FFC];
	_ =	sdelay $0x3  }
0x9a: {  	_ =	strace s6  }
0x9b: {  	s6 =	sld [smem:$0x3FFD];
	_ =	sdelay $0x3  }
0x9c: {  	_ =	strace s6  }
0x9d: {  	_ =	strace $0x8FFFFFFF  }
0x9e: {  	s20 =	sld [smem:$0x3FDB];
	_ =	sdelay $0x1  }
0x9f: {  	s7 =	simm.s32 $_scs_section_size  }
0xa0: {  	s8 =	simm.s32 $_size__tile_overlayer_lowered;
	s9 =	simm.s32 $_tile_overlayer_lowered  }
0xa1: {  	s23 =	simm.s32 $0x1BFF;
	s22 =	sshll.u32 s9, $0x1;
	s6 =	sadd.s32 s7, s20  }
0xa2: {  	s10 =	simm.s32 $0x0;
	s21 =	sshll.u32 s8, $0x1;
	s8 =	sadd.s32 s22, s6  }
0xa3: {  	[timem:s10], [sflag:s23] =	dma.local [hbm:s8], s21  }
0xa4: {  	_ =	swait.ge [sflag:s23], s21  }
0xa5: {  	s7 =	ssub.s32 $0x0, s21;
	[sflag:s23] =	ssyncset.done $0x0  }
0xa6: {  	[sflag:s23] =	ssyncadd.s32 s7;
	_ =	sdelay $0x1  }
0xa7: {  	s24 =	simm.s32 $0x1B8B  }
0xa8: {  	_ =	swait.ge [sflag:s24], $0x1  }
0xa9: {  	[sflag:s24] =	ssyncset.done $0x0  }
0xaa: {  	s25 =	simm.s32 $0x1B8E;
	[sflag:s24] =	ssyncadd.s32 $0xFFFFFFFF  }
0xab: {  	s26 =	simm.s32 $execute0_lowered;
	[smem:$0x3FD2] =	sst s25  }
0xac: {  	s7 =	sshll.u32 s26, $0x1;
	_ =	strace $0x80000046;
	[dreg:$0x1] =	wrdreg $0xFFFFFFFF  }
0xad: {  	s28 =	simm.s32 $_size_execute0_lowered;
	s6 =	sadd.s32 s6, s7;
	[dreg:$0x0] =	wrdreg $0x0  }
0xae: {  	s7 =	sshll.u32 s28, $0x1;
	[dreg:$0x2] =	wrdreg s6  }
0xaf: {  	[dreg:$0x3] =	wrdreg s7  }
0xb0: {  	[dreg:$0x4] =	wrdreg $0xC0  }
0xb1: {  	_ =	task [dreg:s10], $0x5FFFF  }
0xb2: {  	[dreg:$0x1] =	wrdreg $0xFFFFFFFF  }
0xb3: {  	[dreg:$0x0] =	wrdreg $0x60  }
0xb4: {  	[dreg:$0x2] =	wrdreg s16  }
0xb5: {  	[dreg:$0x3] =	wrdreg s17  }
0xb6: {  	[dreg:$0x4] =	wrdreg s18  }
0xb7: {  	[dreg:$0x5] =	wrdreg s19  }
0xb8: {  	[dreg:$0x6] =	wrdreg $0x9  }
0xb9: {  	_ =	task.clear_ibuf [dreg:s10], $0x7FFFF;
	_ =	strace $0x90000046  }
0xba: {  	s29 =	simm.s32 $0x9;
	_ =	strace $0x80000048  }
0xbb: {  	_ =	swait.ge [sflag:s29], $0x1  }
0xbc: {  	[sflag:s29] =	ssyncadd.s32 $0xFFFFFFFF  }
0xbd: {  	_ =	strace $0x90000048  }
0xbe: {  	_ =	sfence  }
0xbf: {  	s30 =	sld [smem:$0x0];
	_ =	sdelay $0x2  }
0xc0: {  	s31 =	sshll.u32 s1, $0xD;
	s1 =	sshrl.u32 s1, $0x2  }
0xc1: {  	s3 =	sand.u32 $0x4000, s31;
	s1 =	sadd.s32 s1, s30  }
0xc2: {  	s0 =	sor.u32 s3, s0;
	s1 =	sshll.u32 s1, $0x11  }
0xc3: {  	s0 =	sor.u32 s1, s0  }
0xc4: {  	s0 =	sadd.s32 $0x8F2B, s0  }
0xc5: {  	[sflag:s0] =	ssyncadd.remote.s32 $0x1  }
0xc6: {  	_ =	sfence.sel $0xFFFF  }
0xc7: {  	[dreg:$0x0] =	wrdreg $0xFFFFFFFF;
	(pc) =	sbr.abs _section_cstart, $3  }
0xc8: {  	[dreg:$0x1] =	wrdreg $0xFFFFFFFF  }
0xc9: {  	_ =	task.clear_ibuf [dreg:s10], $0x2FFFF;
	_ =	strace $0x9FFFFFFF  }
0xca: {  	(tm) =	ssettm $0x7FFFFFFF  }
0xcb: {  	_ =	shalt  }
tec
execute0_lowered:
.L_overlay_start_1:
0x0: {  	(tag) =	ssettag $0x1  }
0x1: {  	s3 =	rddreg [dreg:$0x0]  }
0x2: {  	s0 =	stileid.u32;
	s5 =	rddreg [dreg:$0x1]  }
0x3: {  	s1 =	srdreg.scid;
	s6 =	rddreg [dreg:$0x2]  }
0x4: {  	s7 =	rddreg [dreg:$0x3];
	s10 =	simm.s32 $0x400;
	s11 =	simm.s32 $0x1  }
0x5: {  	s12 =	simm.s32 $0xE800;
	s13 =	simm.s32 $0x2;
	s14 =	simm.s32 $0x3  }
0x6: {  	s15 =	simm.s32 $0xF000;
	s16 =	simm.s32 $0xF800;
	s2 =	sshll.u32 s0, $0x1  }
0x7: {  	s4 =	sand.u32 $0x1, s1;
	s8 =	sshll.u32 s0, $0x9;
	s30 =	sand.u32 $0x6, s2  }
0x8: {  	v0 =	vimm.s32 $0x0;
	s1 =	rddreg [dreg:$0x4];
	s8 =	sand.u32 $0x1800, s8;
	s2 =	sor.u32 s4, s30  }
0x9: {  	v1 =	vimm.s32 $0x2;
	v2 =	vimm.s32 $0x4;
	v3 =	vimm.s32 $0x6;
	s4 =	ssub.s32 $0x2, s4;
	s9 =	sshll.u32 s2, $0x4;
	s2 =	simm.s32 $0x0  }
0xa: {  	v4 =	vimm.s32 $0x8;
	v5 =	vimm.s32 $0xA;
	v6 =	vimm.s32 $0xC;
	s31 =	sshrl.u32 s4, $0x1;
	s8 =	sor.u32 s8, s9;
	[smem:$0x7FF] =	sst s2  }
0xb: {  	v7 =	vimm.s32 $0xE;
	v8 =	vimm.s32 $0x10;
	v9 =	vimm.s32 $0x12;
	s9 =	ssub.s32 s4, s31;
	s3 =	sadd.s32 s3, s8;
	_ =	strace $0x80000047  }
0xc: {  	v10 =	vimm.s32 $0x14;
	v11 =	vimm.s32 $0x16;
	v12 =	vlaneseq.u32;
	s5 =	sadd.s32 s5, s8;
	s6 =	sadd.s32 s6, s8;
	s7 =	sadd.s32 s7, s8  }
0xd: {  	v13 =	vimm.s32 $0x18;
	v14 =	vimm.s32 $0x1A;
	v15 =	vadd.s32 $0xFFFFFFFF, v12;
	s8 =	smax.u32 s9, $0x1;
	s9 =	simm.s32 $0x80;
	s4 =	sadd.s32 $0x400, s3  }
.LBB2_1:
0xe: {  	s17 =	simm.s32 $0x1000  }
0xf: {  	s20 =	simm.s32 $0x0;
	s18 =	sadd.s32 $0x8000, s3;
	s19 =	smov.u32 s3  }
.LBB2_2:
0x10: {  	[tilespmem:s20], [sflag:$0x1] =	stream.strided.gather [hbm4b:s19+s9], $0x400, s10, s9, $0x38;
	[tilespmem:$0x10000] =	vst v63  }
0x11: {  	s20 =	smov.u32 s17;
	s19 =	smov.u32 s18;
	p0 =	sne.s32 s17, $0x1C000  }
.Ltmp0:
0x12: {  	s17 =	sadd.s32 $0x1000, s17;
	(pc) =	sbr.rel @p0 .LBB2_2-.Ltmp0, $2  }
0x13: {  	_ =	sdelay $0x2  }
0x14: {  	s18 =	sadd.s32 $0x8000, s18;
	s20 =	sshra.s32 s20, $0x2  }
0x15: {  	[tilespmem:s20], [sflag:$0x1] =	stream.strided.gather [hbm4b:s19+s9], $0x400, s10, s9, $0x38;
	[tilespmem:$0x10000] =	vst v63  }
0x16: {  	_ =	swait.ge [sflag:s11], $0x7400  }
0x17: {  	s17 =	simm.s32 $0x0;
	[sflag:s11] =	ssyncset.done $0x0  }
0x18: {  	s18 =	simm.s32 $0x0;
	s19 =	smov.u32 s4;
	[sflag:s11] =	ssyncadd.s32 $0xFFFF8C00  }
.LBB2_4:
0x19: {  	p0 =	sne.s32 s18, $0x1C000  }
.Ltmp1:
0x1a: {  	_ = 	snop;
	(pc) =	sbr.rel @p0 .LBB2_4-.Ltmp1, $4  }
0x1b: {  	s20 =	sshra.s32 s18, $0x2  }
0x1c: {  	s20 =	sadd.s32 $0x7400, s20  }
0x1d: {  	[tilespmem:s20], [sflag:$0x2] =	stream.strided.gather [hbm4b:s19+s9], $0x400, s10, s9, $0x38;
	[tilespmem:$0x10000] =	vst v63  }
0x1e: {  	s18 =	sadd.s32 $0x1000, s18;
	s19 =	sadd.s32 $0x8000, s19  }
0x1f: {  	v16 =	vld [tilespmem:s17+$0x0];
	s31 =	sand.u32 $0x3F0, s17  }
0x20: {  	v19 =	vld [tilespmem:s31+$0x6C00]  }
0x21: {  	v20 =	vld [tilespmem:s31+$0x5400]  }
0x22: {  	v17 =	vld [tilespmem:s31+$0x1C00]  }
0x23: {  	v18 =	vld [tilespmem:s31+$0x1400]  }
0x24: {  	v21 =	vld [tilespmem:s31+$0x4C00]  }
0x25: {  	v22 =	vld [tilespmem:s31+$0x1800]  }
0x26: {  	v23 =	vld [tilespmem:s31+$0x1000]  }
0x27: {  	v24 =	vld [tilespmem:s31+$0x800]  }
0x28: {  	v25 =	vld [tilespmem:s31+$0xC00]  }
0x29: {  	v26 =	vld [tilespmem:s31+$0x3C00]  }
0x2a: {  	v27 =	vld [tilespmem:s31+$0x3400]  }
0x2b: {  	v29 =	vld [tilespmem:s31+$0x2C00]  }
0x2c: {  	v31 =	vld [tilespmem:s31+$0x2800]  }
0x2d: {  	v32 =	vld [tilespmem:s31+$0x3800]  }
0x2e: {  	v37 =	vld [tilespmem:s31+$0x3000]  }
0x2f: {  	v58 =	vld [tilespmem:s31+$0x5000]  }
0x30: {  	v41 =	vld [tilespmem:s31+$0x5C00]  }
0x31: {  	v60 =	vld [tilespmem:s31+$0x5800]  }
0x32: {  	v28 =	vld [tilespmem:s31+$0x4400]  }
0x33: {  	v33 =	vld [tilespmem:s31+$0x4000]  }
0x34: {  	v34 =	vld [tilespmem:s31+$0x6800];
	vm1 =	vgt.f32 v17, v22;
	vm2 =	vgt.f32 v25, v24  }
0x35: {  	v36 =	vld [tilespmem:s31+$0x4800];
	vm0 =	vgt.f32 v29, v31;
	vm3 =	vgt.f32 v26, v32;
	vm4 =	vgt.f32 v18, v23  }
0x36: {  	v30 =	vld [tilespmem:s31+$0x6400];
	vm5 =	vgt.f32 v27, v37;
	vm8 =	vgt.f32 v20, v58;
	vm10 =	vgt.f32 v41, v60  }
0x37: {  	v35 =	vld [tilespmem:s31+$0x400];
	v22 =	vsel vm1, v17, v22;
	v24 =	vsel vm2, v25, v24;
	v25 =	vsel vm1, $0x7, v3  }
0x38: {  	v39 =	vld [tilespmem:s31+$0x7000];
	v29 =	vsel vm0, v29, v31;
	v38 =	vsel vm2, $0x3, v1;
	v26 =	vsel vm3, v26, v32  }
0x39: {  	s18 =	simm.s32 $0x10;
	v40 =	vld [tilespmem:s31+$0x2400];
	vm1 =	vgt.f32 v28, v33;
	v23 =	vsel vm4, v18, v23;
	v18 =	vsel vm3, $0xF, v7  }
0x3a: {  	v43 =	vld [tilespmem:s18+$0x0];
	s20 =	sand.u32 $0x3F0, s18;
	vm3 =	vgt.f32 v21, v36;
	v27 =	vsel vm5, v27, v37;
	vm2 =	vgt.f32 v19, v34  }
0x3b: {  	v62 =	vld [tilespmem:s20+$0x1C00];
	v42 =	vsel vm4, $0x5, v2;
	v44 =	vsel vm5, $0xD, v6;
	v20 =	vsel vm8, v20, v58  }
0x3c: {  	v46 =	vld [tilespmem:s20+$0x1400];
	v47 =	vsel vm0, $0xB, v5;
	v48 =	vsel vm8, $0x15, v10;
	v37 =	vsel vm10, v41, v60  }
0x3d: {  	v52 =	vld [tilespmem:s20+$0x1000];
	v28 =	vsel vm1, v28, v33;
	v59 =	vsel vm1, $0x11, v8;
	vm1 =	vgt.f32 v35, v16  }
0x3e: {  	v54 =	vld [tilespmem:s20+$0xC00];
	vm5 =	vgt.f32 v22, v23;
	vm4 =	vgt.f32 v26, v27;
	v21 =	vsel vm3, v21, v36  }
0x3f: {  	v55 =	vld [tilespmem:s20+$0x3C00];
	v61 =	vsel vm3, $0x13, v9;
	v34 =	vsel vm2, v19, v34;
	v53 =	vsel vm2, $0x1B, v14  }
0x40: {  	v17 =	vld [tilespmem:s31+$0x6000];
	vm2 =	vgt.f32 v37, v20;
	v35 =	vsel vm1, v35, v16;
	v25 =	vsel vm5, v25, v42  }
0x41: {  	v31 =	vld [tilespmem:s31+$0x2000];
	vm9 =	vgt.f32 v21, v28;
	v44 =	vsel vm4, v18, v44;
	v22 =	vsel vm5, v22, v23  }
0x42: {  	v50 =	vld [tilespmem:s20+$0x3400];
	v49 =	vsel vm1, $0x1, v0;
	v26 =	vsel vm4, v26, v27;
	v20 =	vsel vm2, v37, v20  }
0x43: {  	v19 =	vld [tilespmem:s20+$0x1800];
	v28 =	vsel vm9, v21, v28;
	vm3 =	vgt.f32 v24, v35;
	v21 =	vsel vm10, $0x17, v11  }
0x44: {  	v57 =	vld [tilespmem:s20+$0x4400];
	v33 =	vsel vm9, v61, v59;
	v24 =	vsel vm3, v24, v35;
	v56 =	vsel vm2, v21, v48  }
0x45: {  	v23 =	vld [tilespmem:s20+$0x800];
	vm5 =	vgt.f32 v20, v28;
	v21 =	vsel vm3, v38, v49;
	vm6 =	vgt.f32 v30, v17  }
0x46: {  	v58 =	vld [tilespmem:s20+$0x6400];
	vm7 =	vgt.f32 v40, v31;
	vm4 =	vgt.f32 v22, v24;
	v20 =	vsel vm5, v20, v28  }
0x47: {  	v61 =	vld [tilespmem:s20+$0x3000];
	v30 =	vsel vm6, v30, v17;
	v45 =	vsel vm7, $0x9, v4;
	v63 =	vsel vm6, $0x19, v13  }
0x48: {  	v60 =	vld [tilespmem:s20+$0x4000];
	v31 =	vsel vm7, v40, v31;
	vm0 =	vgt.f32 v62, v19;
	v22 =	vsel vm4, v22, v24  }
0x49: {  	v16 =	vld [tilespmem:s20+$0x6C00];
	v25 =	vsel vm4, v25, v21;
	vm7 =	vgt.f32 v46, v52;
	vm1 =	vgt.f32 v29, v31  }
0x4a: {  	v18 =	vld [tilespmem:s20+$0x4C00];
	v19 =	vsel vm0, v62, v19;
	vm3 =	vgt.f32 v54, v23;
	v37 =	vsel vm7, v46, v52  }
0x4b: {  	v59 =	vld [tilespmem:s20+$0x3800];
	v27 =	vsel vm1, v47, v45;
	v29 =	vsel vm1, v29, v31;
	vm1 =	vgt.f32 v34, v30  }
0x4c: {  	v24 =	vld [tilespmem:s20+$0x2800];
	v21 =	vsel vm3, v54, v23;
	vm6 =	vgt.f32 v50, v61;
	v30 =	vsel vm1, v34, v30  }
0x4d: {  	v62 =	vld [tilespmem:s20+$0x6000];
	vm2 =	vgt.f32 v26, v29;
	v36 =	vsel vm6, v50, v61;
	vm4 =	vgt.f32 v39, v30  }
0x4e: {  	v31 =	vld [tilespmem:s20+$0x2C00];
	v23 =	vsel vm2, v26, v29;
	v26 =	vsel vm1, v53, v63;
	v28 =	vsel vm2, v44, v27  }
0x4f: {  	v42 =	vld [tilespmem:s20+$0x5800];
	vm1 =	vgt.f32 v23, v22;
	v29 =	vsel vm4, v39, v30;
	v30 =	vsel vm5, v56, v33  }
0x50: {  	v38 =	vld [tilespmem:s20+$0x2400];
	v32 =	vsel vm4, $0x1C, v26;
	vm4 =	vgt.f32 v55, v59;
	v22 =	vsel vm1, v23, v22  }
0x51: {  	v27 =	vld [tilespmem:s20+$0x6800];
	v23 =	vsel vm1, v28, v25;
	vm1 =	vgt.f32 v29, v20;
	v28 =	vsel vm0, $0x7, v3  }
0x52: {  	v25 =	vld [tilespmem:s20+$0x400];
	v26 =	vsel vm4, v55, v59;
	v35 =	vsel vm4, $0xF, v7;
	v29 =	vsel vm1, v29, v20  }
0x53: {  	v33 =	vld [tilespmem:s20+$0x4800];
	vm4 =	vgt.f32 v58, v62;
	vm0 =	vgt.f32 v31, v24;
	vm2 =	vgt.f32 v29, v22  }
0x54: {  	v17 =	vld [tilespmem:s20+$0x5400];
	v20 =	vsel vm3, $0x3, v1;
	vm3 =	vgt.f32 v57, v60;
	v22 =	vsel vm2, v29, v22  }
0x55: {  	v34 =	vld [tilespmem:s20+$0x5000];
	v24 =	vsel vm0, v31, v24;
	v31 =	vsel vm1, v32, v30;
	v63 =	vmul.f32 $1.442695020e+00, v22  }
0x56: {  	s17 =	simm.s32 $0xE800;
	s19 =	simm.s32 $0xF800;
	s28 =	simm.s32 $0x20;
	v39 =	vld [tilespmem:s20+$0x5C00];
	v41 =	vsel vm3, v57, v60;
	v30 =	vsel vm3, $0x11, v8;
	v32 =	vsel vm4, v58, v62  }
0x57: {  	s22 =	simm.s32 $0xE810;
	s23 =	simm.s32 $0x20;
	s24 =	simm.s32 $0xF820;
	v29 =	vld [tilespmem:s20+$0x2000];
	vm3 =	vgt.f32 v16, v27;
	vm1 =	vgt.f32 v25, v43;
	(erf) = vpow2.f32 v63  }
0x58: {  	s21 =	simm.s32 $0xE800;
	s18 =	simm.s32 $0xF810;
	v22 =	vld [tilespmem:s20+$0x7000];
	vm5 =	vgt.f32 v18, v33;
	s20 =	simm.s32 $0xE810;
	v40 =	vsel vm1, v25, v43;
	v43 =	vsel vm7, $0x5, v2  }
.LBB2_6:
0x59: {  	s25 =	smov.u32 s28  }
0x5a: {  	v25 =	vld [tilespmem:s23+$0x0];
	s26 =	sand.u32 $0x3F0, s28;
	v44 =	vsel vm6, $0xD, v6;
	vm7 =	vgt.f32 v19, v37;
	vm6 =	vgt.f32 v26, v36;
	s22 =	sadd.s32 $0x10, s22;
	s25 =	sadd.s32 $0x10, s28  }
0x5b: {  	p0 =	sne.s32 s28, $0x3F0;
	v18 =	vsel vm5, v18, v33;
	v33 =	vsel vm5, $0x13, v9;
	v28 =	vsel vm7, v28, v43;
	v45 =	vld [tilespmem:s26+$0x6C00]  }
0x5c: {  	vm9 =	vgt.f32 v17, v34;
	vm10 =	vgt.f32 v18, v41;
	vm8 =	vgt.f32 v38, v29;
	v43 =	vld [tilespmem:s26+$0x5400]  }
0x5d: {  	v35 =	vsel vm6, v35, v44;
	v41 =	vsel vm10, v18, v41;
	v47 =	vsel vm8, $0x9, v4;
	v46 =	vld [tilespmem:s26+$0x1C00]  }
0x5e: {  	vm5 =	vgt.f32 v21, v40;
	v23 =	vsel vm2, v31, v23;
	vm11 =	vgt.f32 v39, v42;
	v44 =	vld [tilespmem:s26+$0x1400]  }
0x5f: {  	v27 =	vsel vm3, v16, v27;
	v30 =	vsel vm10, v33, v30;
	v31 =	vsel vm11, $0x17, v11;
	v18 =	vld [tilespmem:s26+$0x4C00];
	[tilespmem:s21+$0x0] =	vst v23;
	s21 =	smov.u32 s20;
	s20 =	smov.u32 s22  }
0x60: {  	v33 =	vsel vm9, v17, v34;
	v34 =	vsel vm4, $0x19, v13;
	v23 =	vld [tilespmem:s26+$0x1800];
	v17 =	vpop (erf);
	v16 =	vmov v45  }
0x61: {  	v48 =	vsel vm0, $0xB, v5;
	v49 =	vsel vm9, $0x15, v10;
	v37 =	vsel vm7, v19, v37;
	v45 =	vld [tilespmem:s26+$0x1000];
	[tilespmem:s19+$0x0] =	vst v17;
	v17 =	vmovc v43;
	s19 =	smov.u32 s18;
	s18 =	smov.u32 s24  }
0x62: {  	v19 =	vsel vm8, v38, v29;
	v38 =	vsel vm3, $0x1B, v14;
	v29 =	vsel vm11, v39, v42;
	v43 =	vld [tilespmem:s26+$0x800]  }
0x63: {  	v21 =	vsel vm5, v21, v40;
	v42 =	vsel vm1, $0x1, v0;
	vm1 =	vgt.f32 v24, v19;
	v39 =	vld [tilespmem:s26+$0xC00]  }
0x64: {  	v26 =	vsel vm6, v26, v36;
	vm3 =	vgt.f32 v37, v21;
	vm2 =	vgt.f32 v29, v33;
	v40 =	vld [tilespmem:s26+$0x3C00]  }
0x65: {  	v47 =	vsel vm1, v48, v47;
	v31 =	vsel vm2, v31, v49;
	v36 =	vld [tilespmem:s26+$0x3400];
	vm0 =	vgt.f32 v46, v23  }
0x66: {  	v24 =	vsel vm1, v24, v19;
	v29 =	vsel vm2, v29, v33;
	vm2 =	vgt.f32 v27, v32;
	v48 =	vld [tilespmem:s26+$0x4400]  }
0x67: {  	vm4 =	vgt.f32 v26, v24;
	vm6 =	vgt.f32 v29, v41;
	v19 =	vsel vm0, v46, v23;
	v49 =	vld [tilespmem:s26+$0x2C00]  }
0x68: {  	v20 =	vsel vm5, v20, v42;
	v23 =	vsel vm2, v27, v32;
	v32 =	vsel vm3, v37, v21;
	v46 =	vld [tilespmem:s26+$0x6400]  }
0x69: {  	v20 =	vsel vm3, v28, v20;
	vm3 =	vgt.f32 v22, v23;
	vm1 =	vgt.f32 v39, v43;
	v37 =	vld [tilespmem:s26+$0x2800]  }
0x6a: {  	v24 =	vsel vm4, v26, v24;
	v26 =	vsel vm6, v29, v41;
	v21 =	vsel vm1, v39, v43;
	v42 =	vld [tilespmem:s26+$0x3800]  }
0x6b: {  	v28 =	vsel vm2, v38, v34;
	v29 =	vsel vm4, v35, v47;
	vm2 =	vgt.f32 v24, v32;
	v39 =	vld [tilespmem:s26+$0x4000]  }
0x6c: {  	v22 =	vsel vm3, v22, v23;
	v32 =	vsel vm2, v24, v32;
	v23 =	vsel vm2, v29, v20;
	v27 =	vld [tilespmem:s26+$0x6800]  }
0x6d: {  	v30 =	vsel vm6, v31, v30;
	v31 =	vsel vm3, $0x1C, v28;
	vm3 =	vgt.f32 v22, v26;
	v43 =	vld [tilespmem:s26+$0x400]  }
0x6e: {  	v28 =	vsel vm0, $0x7, v3;
	v22 =	vsel vm3, v22, v26;
	v33 =	vld [tilespmem:s26+$0x4800];
	vm0 =	vgt.f32 v49, v37  }
0x6f: {  	vm2 =	vgt.f32 v22, v32;
	v47 =	vld [tilespmem:s26+$0x3000];
	v24 =	vsel vm0, v49, v37;
	vm4 =	vgt.f32 v40, v42  }
0x70: {  	v20 =	vsel vm1, $0x3, v1;
	v22 =	vsel vm2, v22, v32;
	v49 =	vld [tilespmem:s26+$0x6000];
	v26 =	vsel vm4, v40, v42  }
0x71: {  	vm7 =	vgt.f32 v44, v45;
	v31 =	vsel vm3, v31, v30;
	vm1 =	vgt.f32 v48, v39;
	v29 =	vld [tilespmem:s26+$0x2000]  }
.Ltmp2:
0x72: {  	v32 =	vmul.f32 $1.442695020e+00, v22;
	v41 =	vsel vm1, v48, v39;
	v30 =	vsel vm1, $0x11, v8;
	v34 =	vld [tilespmem:s26+$0x5000];
	(pc) =	sbr.rel @p0 .LBB2_6-.Ltmp2, $4  }
0x73: {  	v37 =	vsel vm7, v44, v45;
	v35 =	vsel vm4, $0xF, v7;
	vm1 =	vgt.f32 v43, v25;
	v22 =	vld [tilespmem:s26+$0x7000]  }
0x74: {  	vm5 =	vgt.f32 v18, v33;
	v38 =	vld [tilespmem:s26+$0x2400];
	vm6 =	vgt.f32 v36, v47;
	(erf) = vpow2.f32 v32  }
0x75: {  	vm3 =	vgt.f32 v16, v27;
	v39 =	vld [tilespmem:s26+$0x5C00];
	v36 =	vsel vm6, v36, v47;
	vm4 =	vgt.f32 v46, v49  }
0x76: {  	s23 =	sadd.s32 $0x10, s23;
	s28 =	smov.u32 s25;
	s24 =	sadd.s32 $0x10, s24;
	v40 =	vsel vm1, v43, v25;
	v43 =	vsel vm7, $0x5, v2;
	v42 =	vld [tilespmem:s26+$0x5800];
	v32 =	vsel vm4, v46, v49  }
0x77: {  	vm10 =	vgt.f32 v19, v37  }
0x78: {  	v25 =	vimm.s32 $0x0;
	vm9 =	vgt.f32 v26, v36;
	v63 =	vimm.s32 $0x0  }
0x79: {  	v18 =	vsel vm5, v18, v33;
	v33 =	vimm.s32 $0x0;
	vm7 =	vgt.f32 v17, v34  }
0x7a: {  	v44 =	vimm.s32 $0x0;
	v45 =	vimm.s32 $0x0;
	v46 =	vimm.s32 $0x0  }
0x7b: {  	v16 =	vsel vm3, v16, v27;
	vm15 =	vgt.f32 v21, v40;
	v47 =	vimm.s32 $0x0  }
0x7c: {  	v50 =	vimm.s32 $0x0;
	v25 =	vsel vm10, $0xFFFFFFFF, v25;
	vm8 =	vgt.f32 v18, v41  }
0x7d: {  	v17 =	vsel vm7, v17, v34;
	v19 =	vsel vm10, v19, v37;
	v21 =	vsel vm15, v21, v40  }
0x7e: {  	v26 =	vsel vm9, v26, v36;
	[tilespmem:$0x1FF80] =	vst v25;
	v25 =	vsel vm9, $0xFFFFFFFF, v63;
	vm11 =	vgt.f32 v38, v29  }
0x7f: {  	v18 =	vsel vm8, v18, v41;
	vm14 =	vgt.f32 v19, v21;
	[tilespmem:$0x1FFA0] =	vst v25;
	v25 =	vsel vm11, $0xFFFFFFFF, v33  }
0x80: {  	v48 =	vsel vm11, v38, v29;
	v19 =	vsel vm14, v19, v21;
	[tilespmem:$0x1FF90] =	vst v25;
	v25 =	vsel vm7, $0xFFFFFFFF, v44  }
0x81: {  	vm12 =	vgt.f32 v39, v42;
	vm13 =	vgt.f32 v24, v48;
	[tilespmem:$0x1FFD0] =	vst v25;
	v25 =	vsel vm8, $0xFFFFFFFF, v45  }
0x82: {  	v49 =	vsel vm12, v39, v42;
	v24 =	vsel vm13, v24, v48;
	[tilespmem:$0x1FFC0] =	vst v25;
	v25 =	vsel vm12, $0xFFFFFFFF, v46  }
0x83: {  	vm7 =	vgt.f32 v49, v17;
	[tilespmem:$0x1FFB0] =	vst v25;
	v25 =	vsel vm15, $0xFFFFFFFF, v47;
	vm15 =	vgt.f32 v16, v32  }
0x84: {  	v29 =	vsel vm7, $0xFFFFFFFF, v50;
	v17 =	vsel vm7, v49, v17;
	v16 =	vsel vm15, v16, v32  }
0x85: {  	vm7 =	vgt.f32 v26, v24;
	vm11 =	vgt.f32 v17, v18;
	vm12 =	vgt.f32 v22, v16  }
0x86: {  	v51 =	vsel vm7, v26, v24;
	v17 =	vsel vm11, v17, v18;
	v16 =	vsel vm12, v22, v16  }
0x87: {  	vm9 =	vgt.f32 v51, v19;
	vm10 =	vgt.f32 v16, v17  }
0x88: {  	v53 =	vld [tilespmem:$0x1FFA0];
	v18 =	vsel vm9, v51, v19;
	v16 =	vsel vm10, v16, v17  }
0x89: {  	v58 =	vld [tilespmem:$0x1FFD0];
	vm8 =	vgt.f32 v16, v18  }
0x8a: {  	v19 =	vld [tilespmem:$0x1FF80];
	v16 =	vsel vm8, v16, v18  }
0x8b: {  	v52 =	vld [tilespmem:$0x1FF90];
	v16 =	vmul.f32 $1.442695020e+00, v16  }
0x8c: {  	v54 =	vsel vm2, v31, v23;
	v55 =	vld [tilespmem:$0x1FFC0]  }
0x8d: {  	v56 =	vsel vm4, $0x19, v13;
	v60 =	vsel vm3, $0x1B, v14;
	[tilespmem:$0x1FFE0] =	vst v25;
	(erf) = vpow2.f32 v16;
	v16 =	vld [tilespmem:$0x1FFB0]  }
0x8e: {  	v57 =	vsel vm0, $0xB, v5;
	v59 =	vsel vm1, $0x1, v0;
	[tilespmem:$0x1FFF0] =	vst v29;
	v23 =	vsel vm15, v60, v56;
	v61 =	vld [tilespmem:$0x1FFE0]  }
0x8f: {  	v62 =	vld [tilespmem:$0x1FFF0];
	vm4 =	vnez.u8 v58;
	v18 =	vsel vm5, $0x13, v9;
	vm5 =	vnez.u8 v19  }
0x90: {  	v17 =	vsel vm6, $0xD, v6;
	v19 =	vsel vm5, v28, v43;
	vm5 =	vnez.u8 v52  }
0x91: {  	vm6 =	vnez.u8 v55;
	v21 =	vsel vm5, $0x9, v4;
	vm5 =	vnez.u8 v53  }
0x92: {  	v25 =	vsel vm4, $0x15, v10;
	v17 =	vsel vm5, v35, v17;
	vm5 =	vnez.u8 v16  }
0x93: {  	v18 =	vsel vm6, v18, v30;
	v16 =	vsel vm5, $0x17, v11;
	vm5 =	vnez.u8 v61  }
0x94: {  	vm6 =	vnez.u8 v62;
	v21 =	vsel vm13, v57, v21;
	v20 =	vsel vm5, v20, v59  }
0x95: {  	s22 =	simm.s32 $0x0;
	v17 =	vsel vm7, v17, v21;
	v16 =	vsel vm6, v16, v25;
	v19 =	vsel vm14, v19, v20  }
0x96: {  	v20 =	vadd.s32 s22, v15;
	v16 =	vsel vm11, v16, v18;
	v18 =	vsel vm12, $0x1C, v23  }
0x97: {  	vm7 =	vgt.s32 v20, $0x0;
	v17 =	vsel vm9, v17, v19;
	v16 =	vsel vm10, v18, v16  }
0x98: {  	v20 =	vnsel vm7, $0x0, v20;
	v16 =	vsel vm8, v16, v17  }
0x99: {  	v63 =	vpop (erf);
	[tilespmem:s21+$0x0] =	vst v54  }
0x9a: {  	[tilespmem:s19+$0x0] =	vst v63  }
0x9b: {  	[tilespmem:s20+$0x0] =	vst v16;
	v16 =	vpop (erf)  }
0x9c: {  	[tilespmem:s18+$0x0] =	vst v16;
	s18 =	simm.s32 $0x10  }
0x9d: {  	v16 =	vld.idx.msk [tilespmem:v20+s12+$0x0], $0xffff;
	v18 =	vadd.s32 s18, v15  }
0x9e: {  	v17 =	vld [tilespmem:s17+$0x0];
	vm11 =	vgt.s32 v18, $0x0  }
0x9f: {  	v18 =	vnsel vm11, $0x0, v18;
	_ =	sdelay $0x1  }
0xa0: {  	v19 =	vmov s22  }
0xa1: {  	s19 =	simm.s32 $0x20;
	vm13 =	veq.s32 v19, v12  }
0xa2: {  	vm12 =	vne.s32 v17, v16;
	vm14 =	vne.s32 v17, $0x0;
	v17 =	vadd.s32 s19, v15  }
0xa3: {  	s20 =	simm.s32 $0xE810;
	vm0 =	vmor vm13, vm12;
	vm15 =	vgt.s32 v17, $0x0;
	v16 =	vld.idx.msk [tilespmem:v18+s12+$0x0], $0xffff  }
0xa4: {  	vm0 =	vmand vm14, vm0;
	v18 =	vnsel vm15, $0x0, v17;
	v17 =	vld [tilespmem:s20+$0x0]  }
0xa5: {  	s17 =	simm.s32 $0xF000;
	v19 =	vsel vm0, $0x1, v0  }
0xa6: {  	s21 =	simm.s32 $0x30;
	[tilespmem:s17+$0x0] =	vst v19  }
.LBB2_8:
0xa7: {  	p0 =	sne.s32 s21, $0x3F0  }
0xa8: {  	v19 =	vadd.s32 s21, v15;
	v20 =	vmov s18;
	s18 =	smov.u32 s19;
	s19 =	smov.u32 s21;
	s21 =	sadd.s32 $0x10, s21  }
.Ltmp3:
0xa9: {  	s20 =	sadd.s32 $0x10, s20;
	vm0 =	vgt.s32 v19, $0x0;
	vm1 =	vne.s32 v17, v16;
	v16 =	vld.idx.msk [tilespmem:v18+s12+$0x0], $0xffff;
	vm2 =	veq.s32 v20, v12;
	(pc) =	sbr.rel @p0 .LBB2_8-.Ltmp3, $4  }
0xaa: {  	v18 =	vnsel vm0, $0x0, v19;
	vm0 =	vne.s32 v17, $0x0;
	v17 =	vld [tilespmem:s20+$0x0];
	vm1 =	vmor vm2, vm1  }
0xab: {  	vm0 =	vmand vm0, vm1  }
0xac: {  	s17 =	sadd.s32 $0x10, s17;
	v19 =	vsel vm0, $0x1, v0  }
0xad: {  	[tilespmem:s17+$0x0] =	vst v19  }
0xae: {  	_ =	sdelay $0x3  }
0xaf: {  	v18 =	vld.idx.msk [tilespmem:v18+s12+$0x0], $0xffff;
	s20 =	sadd.s32 $0x10, s20  }
0xb0: {  	v19 =	vld [tilespmem:s20+$0x0];
	_ =	sdelay $0x2  }
0xb1: {  	v20 =	vmov s18;
	vm0 =	vne.s32 v17, v16  }
0xb2: {  	vm1 =	veq.s32 v20, v12;
	vm2 =	vne.s32 v17, $0x0;
	v16 =	vmov s19  }
0xb3: {  	vm0 =	vmor vm1, vm0;
	vm3 =	veq.s32 v16, v12;
	vm1 =	vne.s32 v19, v18  }
0xb4: {  	vm0 =	vmand vm2, vm0;
	vm2 =	vne.s32 v19, $0x0;
	vm1 =	vmor vm3, vm1  }
0xb5: {  	s17 =	sadd.s32 $0x10, s17;
	v16 =	vsel vm0, $0x1, v0;
	vm0 =	vmand vm2, vm1  }
0xb6: {  	[tilespmem:s17+$0x0] =	vst v16;
	s17 =	sadd.s32 $0x10, s17;
	v16 =	vsel vm0, $0x1, v0  }
0xb7: {  	[tilespmem:s17+$0x0] =	vst v16  }
0xb8: {  	_ =	swait.ge [sflag:s13], $0x7400  }
0xb9: {  	s29 =	simm.s32 $0x0;
	[sflag:s13] =	ssyncset.done $0x0  }
0xba: {  	s30 =	sand.u32 $0x3F0, s29;
	[sflag:s13] =	ssyncadd.s32 $0xFFFF8C00  }
0xbb: {  	v19 =	vld [tilespmem:s30+$0xE000]  }
0xbc: {  	v20 =	vld [tilespmem:s30+$0x9800]  }
0xbd: {  	v16 =	vld [tilespmem:s30+$0xB000]  }
0xbe: {  	v21 =	vld [tilespmem:s30+$0x9400]  }
0xbf: {  	v17 =	vld [tilespmem:s30+$0xC000]  }
0xc0: {  	v18 =	vld [tilespmem:s30+$0xA000]  }
0xc1: {  	v22 =	vld [tilespmem:s30+$0xA800]  }
0xc2: {  	v23 =	vld [tilespmem:s30+$0xAC00]  }
0xc3: {  	v24 =	vld [tilespmem:s30+$0x8000]  }
0xc4: {  	v25 =	vld [tilespmem:s30+$0x9C00]  }
0xc5: {  	v26 =	vld [tilespmem:s30+$0xA400]  }
0xc6: {  	v27 =	vld [tilespmem:s30+$0xD000]  }
0xc7: {  	v29 =	vld [tilespmem:s30+$0xBC00]  }
0xc8: {  	v30 =	vld [tilespmem:s30+$0xCC00]  }
0xc9: {  	v31 =	vld [tilespmem:s30+$0xC800]  }
0xca: {  	v32 =	vld [tilespmem:s30+$0xC400]  }
0xcb: {  	v33 =	vld [tilespmem:s30+$0x9000]  }
0xcc: {  	v35 =	vld [tilespmem:s30+$0x8C00]  }
0xcd: {  	v36 =	vld [tilespmem:s30+$0x7C00]  }
0xce: {  	v28 =	vld [tilespmem:s30+$0x7800]  }
0xcf: {  	v34 =	vld [tilespmem:s30+$0x8800];
	vm1 =	vgt.f32 v16, v23  }
0xd0: {  	v37 =	vld [tilespmem:s30+$0xDC00];
	vm4 =	vgt.f32 v22, v26;
	vm5 =	vgt.f32 v17, v29;
	vm6 =	vgt.f32 v27, v30  }
0xd1: {  	v39 =	vld [tilespmem:s30+$0xE400];
	vm0 =	vgt.f32 v18, v25;
	vm2 =	vgt.f32 v31, v32;
	vm7 =	vgt.f32 v33, v35  }
0xd2: {  	v40 =	vld [tilespmem:s30+$0xB800];
	vm9 =	vgt.f32 v24, v36;
	vm10 =	vgt.f32 v20, v21;
	v23 =	vsel vm1, v16, v23  }
0xd3: {  	v41 =	vld [tilespmem:s30+$0xB400];
	v22 =	vsel vm4, v22, v26;
	v25 =	vsel vm0, v18, v25;
	v18 =	vsel vm1, $0xF, v7  }
0xd4: {  	v16 =	vld [tilespmem:s30+$0x8400];
	v29 =	vsel vm5, v17, v29;
	v17 =	vsel vm6, v27, v30;
	v30 =	vsel vm2, v31, v32  }
0xd5: {  	v26 =	vld [tilespmem:s30+$0x7400];
	v63 =	vsel vm5, $0x13, v9;
	v38 =	vsel vm6, $0x17, v11;
	v33 =	vsel vm7, v33, v35  }
0xd6: {  	s31 =	simm.s32 $0x10;
	v27 =	vld [tilespmem:s30+$0xD400];
	v47 =	vsel vm4, $0xD, v6;
	vm1 =	vgt.f32 v19, v37;
	v24 =	vsel vm9, v24, v36  }
0xd7: {  	s17 =	sand.u32 $0x3F0, s31;
	v31 =	vld [tilespmem:s30+$0xD800];
	v48 =	vsel vm10, $0x9, v4;
	v43 =	vsel vm9, $0x3, v1;
	v45 =	vsel vm2, $0x15, v10  }
0xd8: {  	v44 =	vld [tilespmem:s17+$0xC000];
	v20 =	vsel vm10, v20, v21;
	v53 =	vsel vm0, $0xB, v5;
	vm5 =	vgt.f32 v17, v30  }
0xd9: {  	v50 =	vld [tilespmem:s17+$0xA800];
	v30 =	vsel vm5, v17, v30;
	v38 =	vsel vm5, v38, v45;
	vm5 =	vgt.f32 v40, v41  }
0xda: {  	v55 =	vld [tilespmem:s17+$0xA400];
	vm3 =	vgt.f32 v23, v22;
	v37 =	vsel vm1, v19, v37;
	v40 =	vsel vm5, v40, v41  }
0xdb: {  	v57 =	vld [tilespmem:s17+$0xBC00];
	v22 =	vsel vm3, v23, v22;
	v23 =	vsel vm7, $0x7, v3;
	vm0 =	vgt.f32 v29, v40  }
0xdc: {  	v49 =	vld [tilespmem:s17+$0xB000];
	vm6 =	vgt.f32 v34, v16;
	vm8 =	vgt.f32 v28, v26;
	vm4 =	vgt.f32 v31, v27  }
0xdd: {  	v51 =	vld [tilespmem:s17+$0xAC00];
	v29 =	vsel vm0, v29, v40;
	v34 =	vsel vm6, v34, v16;
	v26 =	vsel vm8, v28, v26  }
0xde: {  	v56 =	vld [tilespmem:s17+$0xD000];
	v28 =	vsel vm3, v18, v47;
	v42 =	vsel vm8, $0x1, v0;
	v19 =	vsel vm6, $0x5, v2  }
0xdf: {  	v58 =	vld [tilespmem:s17+$0xCC00];
	v54 =	vsel vm4, $0x19, v13;
	v27 =	vsel vm4, v31, v27;
	v31 =	vsel vm1, $0x1B, v14  }
0xe0: {  	v59 =	vld [tilespmem:s17+$0xC400];
	vm4 =	vgt.f32 v30, v29;
	vm1 =	vgt.f32 v50, v55;
	vm6 =	vgt.f32 v44, v57  }
0xe1: {  	v60 =	vld [tilespmem:s17+$0x9000];
	vm3 =	vgt.f32 v24, v26;
	vm2 =	vgt.f32 v33, v34;
	v30 =	vsel vm4, v30, v29  }
0xe2: {  	v61 =	vld [tilespmem:s17+$0x8C00];
	v24 =	vsel vm3, v24, v26;
	v21 =	vsel vm2, v33, v34;
	v23 =	vsel vm2, v23, v19  }
0xe3: {  	v32 =	vld [tilespmem:s17+$0xDC00];
	vm2 =	vgt.f32 v25, v20;
	v52 =	vsel vm3, v43, v42;
	vm3 =	vgt.f32 v21, v24  }
0xe4: {  	v35 =	vld [tilespmem:s17+$0xB800];
	v29 =	vsel vm1, v50, v55;
	v20 =	vsel vm2, v25, v20;
	v24 =	vsel vm3, v21, v24  }
0xe5: {  	v17 =	vld [tilespmem:s17+$0xE000];
	v21 =	vsel vm2, v53, v48;
	vm2 =	vgt.f32 v22, v20;
	v23 =	vsel vm3, v23, v52  }
0xe6: {  	v16 =	vld [tilespmem:s17+$0x9800];
	v20 =	vsel vm2, v22, v20;
	v22 =	vsel vm2, v28, v21;
	vm2 =	vgt.f32 v37, v27  }
0xe7: {  	v18 =	vld [tilespmem:s17+$0x9400];
	v28 =	vsel vm5, $0x11, v8;
	vm3 =	vgt.f32 v20, v24;
	v27 =	vsel vm2, v37, v27  }
0xe8: {  	v26 =	vld [tilespmem:s17+$0xA000];
	v31 =	vsel vm2, v31, v54;
	v28 =	vsel vm0, v63, v28;
	v20 =	vsel vm3, v20, v24  }
0xe9: {  	v25 =	vld [tilespmem:s17+$0x9C00];
	v22 =	vsel vm3, v22, v23;
	vm3 =	vgt.f32 v49, v51;
	vm2 =	vgt.f32 v39, v27  }
0xea: {  	v19 =	vld [tilespmem:s17+$0x8000];
	v28 =	vsel vm4, v38, v28;
	vm4 =	vgt.f32 v56, v58;
	v27 =	vsel vm2, v39, v27  }
0xeb: {  	v23 =	vld [tilespmem:s17+$0xC800];
	v38 =	vsel vm1, $0xD, v6;
	vm1 =	vgt.f32 v17, v32;
	vm0 =	vgt.f32 v27, v30  }
0xec: {  	v33 =	vld [tilespmem:s17+$0x8800];
	v24 =	vsel vm3, v49, v51;
	v31 =	vsel vm2, $0x1C, v31;
	v27 =	vsel vm0, v27, v30  }
0xed: {  	v34 =	vld [tilespmem:s17+$0x7C00];
	vm2 =	vgt.f32 v24, v29;
	v28 =	vsel vm0, v31, v28;
	vm5 =	vgt.f32 v27, v20  }
0xee: {  	v37 =	vld [tilespmem:s17+$0x8400];
	vm0 =	vgt.f32 v26, v25;
	v31 =	vsel vm3, $0xF, v7;
	v20 =	vsel vm5, v27, v20  }
0xef: {  	v21 =	vld [tilespmem:s17+$0x7800];
	v30 =	vsel vm4, $0x17, v11;
	v25 =	vsel vm0, v26, v25;
	v20 =	vmul.f32 $1.442695020e+00, v20  }
0xf0: {  	v39 =	vld [tilespmem:s17+$0x7400];
	v26 =	vsel vm4, v56, v58;
	v62 =	vsel vm5, v28, v22;
	vm3 =	vgt.f32 v23, v59  }
0xf1: {  	s18 =	simm.s32 $0xEC00;
	v27 =	vld [tilespmem:s17+$0xD400];
	vm5 =	vgt.f32 v60, v61;
	v63 =	vsel vm3, v23, v59;
	(erf) = vpow2.f32 v20  }
0xf2: {  	s25 =	simm.s32 $0x20;
	s22 =	simm.s32 $0xEC10;
	s23 =	simm.s32 $0xFC20;
	v22 =	vsel vm6, v44, v57;
	v28 =	vld [tilespmem:s17+$0xD800];
	v36 =	vsel vm5, v60, v61;
	vm4 =	vgt.f32 v26, v63  }
0xf3: {  	s21 =	simm.s32 $0xEC10;
	s20 =	simm.s32 $0xFC00;
	s19 =	simm.s32 $0xFC10;
	v23 =	vld [tilespmem:s17+$0xE400];
	[tilespmem:s18+$0x0] =	vst v62;
	v20 =	vsel vm6, $0x13, v9;
	vm6 =	vgt.f32 v33, v37;
	v26 =	vsel vm4, v26, v63  }
.LBB2_10:
0xf4: {  	s24 =	smov.u32 s25  }
0xf5: {  	v40 =	vld [tilespmem:s17+$0xB400];
	s17 =	sand.u32 $0x3F0, s25;
	vm8 =	vgt.f32 v21, v39;
	vm9 =	vgt.f32 v19, v34;
	v33 =	vsel vm6, v33, v37;
	s22 =	sadd.s32 $0x10, s22;
	s24 =	sadd.s32 $0x10, s25  }
0xf6: {  	p0 =	sne.s32 s25, $0x3F0;
	vm10 =	vgt.f32 v16, v18;
	v31 =	vsel vm2, v31, v38;
	v21 =	vsel vm8, v21, v39;
	v37 =	vld [tilespmem:s17+$0xE000]  }
0xf7: {  	v19 =	vsel vm9, v19, v34;
	v34 =	vsel vm10, $0x9, v4;
	vm7 =	vgt.f32 v28, v27;
	v38 =	vld [tilespmem:s17+$0x9800]  }
0xf8: {  	v24 =	vsel vm2, v24, v29;
	v41 =	vsel vm8, $0x1, v0;
	v42 =	vsel vm9, $0x3, v1;
	v39 =	vld [tilespmem:s17+$0xB000]  }
0xf9: {  	v43 =	vsel vm5, $0x7, v3;
	v32 =	vsel vm1, v17, v32;
	vm2 =	vgt.f32 v19, v21;
	v29 =	vld [tilespmem:s17+$0x9400]  }
0xfa: {  	v47 =	vsel vm6, $0x5, v2;
	v45 =	vsel vm3, $0x15, v10;
	v21 =	vsel vm2, v19, v21;
	v44 =	vld [tilespmem:s17+$0xC000];
	v19 =	vpop (erf)  }
0xfb: {  	v18 =	vsel vm10, v16, v18;
	vm3 =	vgt.f32 v36, v33;
	v30 =	vsel vm4, v30, v45;
	v46 =	vld [tilespmem:s17+$0xA000];
	[tilespmem:s20+$0x0] =	vst v19;
	s20 =	smov.u32 s19;
	s19 =	smov.u32 s23  }
0xfc: {  	v33 =	vsel vm3, v36, v33;
	v36 =	vsel vm3, v43, v47;
	vm3 =	vgt.f32 v25, v18;
	v17 =	vmovc v37;
	v45 =	vld [tilespmem:s17+$0xA800]  }
0xfd: {  	v41 =	vsel vm2, v42, v41;
	vm2 =	vgt.f32 v33, v21;
	vm4 =	vgt.f32 v35, v40;
	v16 =	vmovc v38;
	v37 =	vld [tilespmem:s17+$0xAC00]  }
0xfe: {  	v25 =	vsel vm3, v25, v18;
	v33 =	vsel vm2, v33, v21;
	v38 =	vsel vm0, $0xB, v5;
	v19 =	vld [tilespmem:s17+$0x8000];
	v18 =	vmovc v29  }
0xff: {  	v21 =	vsel vm3, v38, v34;
	v29 =	vsel vm4, v35, v40;
	v35 =	vsel vm7, $0x19, v13;
	v42 =	vld [tilespmem:s17+$0x9C00]  }
0x100: {  	v36 =	vsel vm2, v36, v41;
	vm2 =	vgt.f32 v24, v25;
	vm0 =	vgt.f32 v22, v29;
	v34 =	vld [tilespmem:s17+$0xA400]  }
0x101: {  	v27 =	vsel vm7, v28, v27;
	v24 =	vsel vm2, v24, v25;
	v25 =	vsel vm2, v31, v21;
	v38 =	vld [tilespmem:s17+$0xD000]  }
0x102: {  	v28 =	vsel vm4, $0x11, v8;
	vm3 =	vgt.f32 v24, v33;
	vm2 =	vgt.f32 v32, v27;
	v21 =	vld [tilespmem:s17+$0x7800]  }
0x103: {  	v31 =	vsel vm1, $0x1B, v14;
	v41 =	vsel vm3, v24, v33;
	v22 =	vsel vm0, v22, v29;
	v40 =	vld [tilespmem:s17+$0xBC00]  }
0x104: {  	v27 =	vsel vm2, v32, v27;
	v25 =	vsel vm3, v25, v36;
	vm5 =	vgt.f32 v26, v22;
	v43 =	vld [tilespmem:s17+$0xCC00]  }
0x105: {  	v29 =	vsel vm2, v31, v35;
	vm2 =	vgt.f32 v23, v27;
	vm3 =	vgt.f32 v39, v37;
	v36 =	vld [tilespmem:s17+$0xC800]  }
0x106: {  	v22 =	vsel vm5, v26, v22;
	v24 =	vsel vm3, v39, v37;
	vm1 =	vgt.f32 v45, v34;
	v35 =	vld [tilespmem:s17+$0xC400]  }
0x107: {  	v20 =	vsel vm0, v20, v28;
	v23 =	vsel vm2, v23, v27;
	v27 =	vsel vm2, $0x1C, v29;
	v26 =	vld [tilespmem:s17+$0x9000]  }
0x108: {  	v20 =	vsel vm5, v30, v20;
	vm0 =	vgt.f32 v23, v22;
	v33 =	vld [tilespmem:s17+$0x8800];
	vm4 =	vgt.f32 v44, v40  }
0x109: {  	v22 =	vsel vm0, v23, v22;
	v29 =	vsel vm1, v45, v34;
	v47 =	vld [tilespmem:s17+$0x8C00];
	vm6 =	vgt.f32 v38, v43  }
0x10a: {  	v20 =	vsel vm0, v27, v20;
	vm5 =	vgt.f32 v22, v41;
	vm2 =	vgt.f32 v24, v29;
	v34 =	vld [tilespmem:s17+$0x7C00]  }
0x10b: {  	vm0 =	vgt.f32 v46, v42;
	v22 =	vsel vm5, v22, v41;
	v20 =	vsel vm5, v20, v25;
	v32 =	vld [tilespmem:s17+$0xDC00]  }
0x10c: {  	v31 =	vsel vm3, $0xF, v7;
	v25 =	vsel vm0, v46, v42;
	v37 =	vld [tilespmem:s17+$0x8400];
	[tilespmem:s21+$0x0] =	vst v20;
	v20 =	vmul.f32 $1.442695020e+00, v22;
	s21 =	smov.u32 s22  }
.Ltmp4:
0x10d: {  	vm3 =	vgt.f32 v36, v35;
	v22 =	vsel vm4, v44, v40;
	v40 =	vsel vm6, v38, v43;
	v39 =	vld [tilespmem:s17+$0x7400];
	(pc) =	sbr.rel @p0 .LBB2_10-.Ltmp4, $4  }
0x10e: {  	v41 =	vsel vm3, v36, v35;
	v27 =	vld [tilespmem:s17+$0xD400];
	(erf) = vpow2.f32 v20  }
0x10f: {  	v30 =	vsel vm6, $0x17, v11;
	vm5 =	vgt.f32 v26, v47;
	v20 =	vsel vm4, $0x13, v9;
	v28 =	vld [tilespmem:s17+$0xD800]  }
0x110: {  	v38 =	vsel vm1, $0xD, v6;
	vm4 =	vgt.f32 v40, v41;
	v36 =	vsel vm5, v26, v47;
	v23 =	vld [tilespmem:s17+$0xE400]  }
0x111: {  	s25 =	smov.u32 s24;
	s23 =	sadd.s32 $0x10, s23;
	v26 =	vsel vm4, v40, v41;
	vm1 =	vgt.f32 v17, v32;
	v35 =	vld [tilespmem:s17+$0xB800];
	vm6 =	vgt.f32 v33, v37  }
0x112: {  	vm7 =	vgt.f32 v21, v39;
	v41 =	vimm.s32 $0x0;
	vm8 =	vgt.f32 v19, v34  }
0x113: {  	v46 =	vimm.s32 $0x0;
	v33 =	vsel vm6, v33, v37;
	vm12 =	vgt.f32 v16, v18  }
0x114: {  	v47 =	vimm.s32 $0x0;
	v24 =	vsel vm2, v24, v29;
	v17 =	vsel vm1, v17, v32  }
0x115: {  	v48 =	vimm.s32 $0x0;
	v49 =	vimm.s32 $0x0;
	v51 =	vimm.s32 $0x0  }
0x116: {  	v40 =	vld [tilespmem:s17+$0xB400];
	v52 =	vimm.s32 $0x0;
	v41 =	vsel vm7, $0xFFFFFFFF, v41;
	v21 =	vsel vm7, v21, v39  }
0x117: {  	v19 =	vsel vm8, v19, v34;
	v16 =	vsel vm12, v16, v18;
	vm14 =	vgt.f32 v36, v33  }
0x118: {  	[tilespmem:$0x1FF00] =	vst v41;
	v41 =	vsel vm8, $0xFFFFFFFF, v46;
	vm7 =	vgt.f32 v28, v27;
	vm8 =	vgt.f32 v19, v21  }
0x119: {  	v18 =	vsel vm14, v36, v33;
	vm15 =	vgt.f32 v25, v16;
	v34 =	vsel vm7, $0xFFFFFFFF, v47  }
0x11a: {  	v29 =	vsel vm8, $0xFFFFFFFF, v48;
	v19 =	vsel vm8, v19, v21;
	v27 =	vsel vm7, v28, v27  }
0x11b: {  	v16 =	vsel vm15, v25, v16;
	vm13 =	vgt.f32 v18, v19;
	vm8 =	vgt.f32 v35, v40  }
0x11c: {  	v21 =	vsel vm8, $0xFFFFFFFF, v49;
	v50 =	vsel vm8, v35, v40;
	vm8 =	vgt.f32 v17, v27  }
0x11d: {  	v18 =	vsel vm13, v18, v19;
	vm7 =	vgt.f32 v22, v50;
	v17 =	vsel vm8, v17, v27  }
0x11e: {  	v25 =	vsel vm7, $0xFFFFFFFF, v51;
	v19 =	vsel vm7, v22, v50;
	vm7 =	vgt.f32 v24, v16  }
0x11f: {  	vm11 =	vgt.f32 v23, v17;
	[tilespmem:$0x1FF60] =	vst v25;
	v25 =	vsel vm8, $0xFFFFFFFF, v52;
	vm8 =	vgt.f32 v26, v19  }
0x120: {  	v16 =	vsel vm7, v24, v16;
	v17 =	vsel vm11, v23, v17;
	v19 =	vsel vm8, v26, v19  }
0x121: {  	v53 =	vimm.s32 $0x0;
	vm10 =	vgt.f32 v16, v18;
	vm9 =	vgt.f32 v17, v19  }
0x122: {  	v57 =	vsel vm0, $0xB, v5;
	[tilespmem:$0x1FF10] =	vst v41;
	v16 =	vsel vm10, v16, v18;
	v17 =	vsel vm9, v17, v19  }
0x123: {  	v54 =	vld [tilespmem:$0x1FF10];
	[tilespmem:$0x1FF40] =	vst v21;
	v21 =	vsel vm8, $0xFFFFFFFF, v53;
	v18 =	vsel vm12, $0x9, v4;
	vm8 =	vgt.f32 v17, v16  }
0x124: {  	v19 =	vld [tilespmem:$0x1FF00];
	v18 =	vsel vm15, v57, v18;
	v16 =	vsel vm8, v17, v16;
	v17 =	vsel vm2, v31, v38  }
0x125: {  	v17 =	vsel vm7, v17, v18;
	v18 =	vld [tilespmem:$0x1FF40]  }
0x126: {  	[tilespmem:$0x1FF20] =	vst v29;
	v62 =	vld [tilespmem:$0x1FF60]  }
0x127: {  	[tilespmem:$0x1FF30] =	vst v34;
	v58 =	vld [tilespmem:$0x1FF20]  }
0x128: {  	v56 =	vsel vm3, $0x15, v10;
	v59 =	vld [tilespmem:$0x1FF30];
	[tilespmem:$0x1FF50] =	vst v25;
	v16 =	vmul.f32 $1.442695020e+00, v16  }
0x129: {  	v55 =	vsel vm5, $0x7, v3;
	v23 =	vsel vm4, v30, v56;
	v61 =	vld [tilespmem:$0x1FF50]  }
0x12a: {  	vm12 =	vnez.u8 v19;
	(erf) = vpow2.f32 v16;
	vm4 =	vnez.u8 v18  }
0x12b: {  	[tilespmem:$0x1FF70] =	vst v21;
	v16 =	vsel vm6, $0x5, v2;
	vm6 =	vnez.u8 v62;
	v18 =	vsel vm4, $0x11, v8  }
0x12c: {  	v19 =	vsel vm12, $0x1, v0;
	vm12 =	vnez.u8 v54;
	v18 =	vsel vm6, v20, v18;
	v20 =	vld [tilespmem:$0x1FF70]  }
0x12d: {  	v16 =	vsel vm14, v55, v16;
	vm14 =	vnez.u8 v58;
	v21 =	vsel vm12, $0x3, v1  }
0x12e: {  	vm15 =	vnez.u8 v59;
	vm5 =	vnez.u8 v61;
	v19 =	vsel vm14, v21, v19  }
0x12f: {  	v21 =	vsel vm15, $0x19, v13;
	v16 =	vsel vm13, v16, v19;
	v19 =	vsel vm1, $0x1B, v14  }
0x130: {  	v19 =	vsel vm5, v19, v21  }
0x131: {  	s29 =	simm.s32 $0x400;
	v19 =	vsel vm11, $0x1C, v19;
	vm11 =	vnez.u8 v20  }
0x132: {  	v60 =	vadd.s32 s29, v15;
	v18 =	vsel vm11, v23, v18  }
0x133: {  	vm7 =	vgt.s32 v60, $0x0;
	v16 =	vsel vm10, v17, v16;
	v17 =	vsel vm9, v19, v18  }
0x134: {  	v20 =	vnsel vm7, $0x0, v60;
	v16 =	vsel vm8, v17, v16  }
0x135: {  	v63 =	vpop (erf)  }
0x136: {  	[tilespmem:s20+$0x0] =	vst v63  }
0x137: {  	[tilespmem:s21+$0x0] =	vst v16;
	v16 =	vpop (erf)  }
0x138: {  	s30 =	simm.s32 $0x410;
	[tilespmem:s19+$0x0] =	vst v16  }
0x139: {  	v17 =	vadd.s32 s30, v15;
	v16 =	vld.idx.msk [tilespmem:v20+s12+$0x0], $0xffff  }
0x13a: {  	vm12 =	vgt.s32 v17, $0x0;
	v18 =	vld [tilespmem:s18+$0x0]  }
0x13b: {  	v17 =	vnsel vm12, $0x0, v17;
	_ =	sdelay $0x2  }
0x13c: {  	s31 =	simm.s32 $0x420  }
0x13d: {  	vm13 =	vne.s32 v18, $0x0;
	vm14 =	vne.s32 v18, v16;
	v18 =	vadd.s32 s31, v15  }
0x13e: {  	s18 =	simm.s32 $0xEC10;
	v16 =	vld.idx.msk [tilespmem:v17+s12+$0x0], $0xffff;
	vm15 =	vgt.s32 v18, $0x0  }
0x13f: {  	v17 =	vld [tilespmem:s18+$0x0];
	vm0 =	vmand vm13, vm14;
	v18 =	vnsel vm15, $0x0, v18  }
0x140: {  	s17 =	simm.s32 $0xF400;
	v19 =	vsel vm0, $0x1, v0  }
0x141: {  	s19 =	simm.s32 $0x430;
	[tilespmem:s17+$0x0] =	vst v19  }
.LBB2_12:
0x142: {  	p0 =	sne.s32 s19, $0x7F0  }
.Ltmp5:
0x143: {  	v19 =	vadd.s32 s19, v15;
	s19 =	sadd.s32 $0x10, s19;
	(pc) =	sbr.rel @p0 .LBB2_12-.Ltmp5, $4  }
0x144: {  	s18 =	sadd.s32 $0x10, s18;
	vm0 =	vgt.s32 v19, $0x0;
	vm1 =	vne.s32 v17, $0x0;
	vm2 =	vne.s32 v17, v16;
	v16 =	vld.idx.msk [tilespmem:v18+s12+$0x0], $0xffff  }
0x145: {  	v18 =	vnsel vm0, $0x0, v19;
	v17 =	vld [tilespmem:s18+$0x0];
	vm0 =	vmand vm1, vm2  }
0x146: {  	s17 =	sadd.s32 $0x10, s17;
	v19 =	vsel vm0, $0x1, v0  }
0x147: {  	[tilespmem:s17+$0x0] =	vst v19  }
0x148: {  	_ =	sdelay $0x3  }
0x149: {  	v18 =	vld.idx.msk [tilespmem:v18+s12+$0x0], $0xffff;
	s18 =	sadd.s32 $0x10, s18  }
0x14a: {  	v19 =	vld [tilespmem:s18+$0x0];
	_ =	sdelay $0x3  }
0x14b: {  	vm0 =	vne.s32 v17, v16;
	vm1 =	vne.s32 v17, $0x0  }
0x14c: {  	vm0 =	vmand vm1, vm0;
	vm14 =	vne.s32 v19, $0x0;
	vm2 =	vne.s32 v19, v18  }
0x14d: {  	s17 =	sadd.s32 $0x10, s17;
	v16 =	vsel vm0, $0x1, v0;
	vm15 =	vmand vm14, vm2  }
0x14e: {  	[tilespmem:s17+$0x0] =	vst v16;
	s17 =	sadd.s32 $0x10, s17;
	v16 =	vsel vm15, $0x1, v0  }
0x14f: {  	[tilespmem:s17+$0x0] =	vst v16  }
0x150: {  	[hbm4b:s5+s9] =	stream.strided.scatter [tilespmem:s12], [sflag:$0x3], $0x800, s10, s9, $0x38;
	[tilespmem:$0x10000] =	vst v63  }
0x151: {  	_ =	swait.ge [sflag:s14], $0x800  }
0x152: {  	[sflag:s14] =	ssyncset.done $0x0  }
0x153: {  	[sflag:s14] =	ssyncadd.s32 $0xFFFFF800  }
0x154: {  	[hbm4b:s6+s9] =	stream.strided.scatter [tilespmem:s15], [sflag:$0x3], $0x800, s10, s9, $0x38;
	[tilespmem:$0x10000] =	vst v63  }
0x155: {  	s2 =	sadd.s32 $0x1, s2;
	_ =	swait.ge [sflag:s14], $0x800  }
0x156: {  	p0 =	sne.s32 s2, s8;
	[sflag:s14] =	ssyncset.done $0x0  }
.Ltmp6:
0x157: {  	[sflag:s14] =	ssyncadd.s32 $0xFFFFF800;
	(pc) =	sbr.rel @p0 .LBB2_1-.Ltmp6, $4  }
0x158: {  	[hbm4b:s7+s9] =	stream.strided.scatter [tilespmem:s16], [sflag:$0x3], $0x800, s10, s9, $0x38;
	[tilespmem:$0x10000] =	vst v63  }
0x159: {  	_ =	swait.ge [sflag:s14], $0x800  }
0x15a: {  	[sflag:s14] =	ssyncset.done $0x0  }
0x15b: {  	[sflag:s14] =	ssyncadd.s32 $0xFFFFF800  }
0x15c: {  	_ =	sfence.sel $0x180000  }
0x15d: {  	[bflag:$0x0] =	sbarrier.arrive $0xFFFF  }
0x15e: {  	p0 =	sne.s32 s0, $0x0;
	_ =	strace $0x90000047  }
0x15f: {  	s0 =	sadd.s32 @!p0 $0x100000, s1;
	[bflag:$0x2] =	sbarrier.arrive $0xFFFF  }
0x160: {  	[sflag:s0] =	ssyncadd.tile.s32 @!p0 $0x1;
	_ =	shalt  }
.Lfunc_end2:
_tile_overlayer_lowered:
.L_overlay_start_2:
0x161: {  	(tag) =	ssettag $0x2  }
0x162: {  	s0 =	rddreg [dreg:$0x0];
	s2 =	stileid.u32  }
0x163: {  	s1 =	rddreg [dreg:$0x1];
	p0 =	sne.s32 s2, $0x0  }
0x164: {  	s3 =	rddreg [dreg:$0x2];
	[bflag:$0x3] =	sbarrier.arrive $0xFFFF;
	s2 =	simm.s32 @!p0 $0x1C03  }
0x165: {  	[timem:s3], [sflag:s2] =	dma.local @!p0 [hbm:s0], s1  }
0x166: {  	s0 =	simm.s32 @!p0 $0x3  }
0x167: {  	_ =	swait.ge @!p0 [sflag:s0], s1  }
0x168: {  	s1 =	ssub.s32 @!p0 $0x0, s1;
	[sflag:s0] =	ssyncset.done @!p0 $0x0  }
0x169: {  	[sflag:s0] =	ssyncadd.s32 @!p0 s1  }
0x16a: {  	[bflag:$0x3] =	sbarrier.arrive $0xFFFF  }
0x16b: {  	_ =	shalt  }

</sc_bundles>
